<compile_context>
chip_gen: v7x
topology: tpu7x:2x2x1
jax: 0.10.2.dev20260603
libtpu: 0.0.44.dev20260713+nightly
codegen_flags: <defaults>
</compile_context>

<pallas_src>
import functools

import jax
import jax.numpy as jnp
from jax import lax
from jax.experimental import pallas as pl
from jax.experimental.pallas import tpu as pltpu
from jax.experimental.pallas import tpu_sc as plsc

_N1, _N2, _N3 = 10000, 2048, 1024
_D = 128
_NTILES = 32
_CHUNK = 128
_SC = 128


def _make_seg_sum(n_table, n_chunks, n_keep, n_acc, clamp_to):
    mesh = plsc.VectorSubcoreMesh(core_axis_name="c", subcore_axis_name="s")
    rows_pt = n_acc // 16
    nk_pt = n_keep // 16

    @functools.partial(
        pl.kernel,
        mesh=mesh,
        out_type=(
            jax.ShapeDtypeStruct((2, n_keep, _D), jnp.float32),
            jax.ShapeDtypeStruct((2, n_keep, _D), jnp.float32),
        ),
        scratch_types=[
            pltpu.VMEM((n_chunks, _CHUNK), jnp.int32),
            pltpu.VMEM((n_chunks, _CHUNK), jnp.int32),
            pltpu.VMEM((n_chunks * _CHUNK + _SC,), jnp.int32),
            pltpu.VMEM((n_chunks * _CHUNK + _SC,), jnp.int32),
            pltpu.VMEM((_SC, _D), jnp.float32),
            pltpu.VMEM((_CHUNK, _D), jnp.float32),
            pltpu.VMEM((32, _D), jnp.float32),
            pltpu.VMEM_SHARED((n_acc, _D), jnp.float32),
            pltpu.VMEM_SHARED((n_acc, _D), jnp.float32),
        ],
        compiler_params=pltpu.CompilerParams(needs_layout_passes=False),
    )
    def seg(table, src3, dst3, s_out, cnt_out,
            src_idx, dst_idx, csrc, cdst, rows, ones, zrows, acc, cacc):
        cid = lax.axis_index("c")
        sid = lax.axis_index("s")
        wid = cid * 16 + sid

        def init_const(i, carry):
            for jj in range(_D // 16):
                zrows[i, pl.ds(jj * 16, 16)] = jnp.zeros((16,), jnp.float32)
            return carry

        lax.fori_loop(0, 32, init_const, 0)

        def init_ones(i, carry):
            for jj in range(_D // 16):
                ones[i, pl.ds(jj * 16, 16)] = jnp.ones((16,), jnp.float32)
            return carry

        lax.fori_loop(0, _CHUNK, init_ones, 0)

        base = sid * rows_pt
        for k in range(rows_pt // 32):
            pltpu.sync_copy(zrows, acc.at[pl.ds(base + k * 32, 32)])
            pltpu.sync_copy(zrows, cacc.at[pl.ds(base + k * 32, 32)])
        plsc.subcore_barrier()

        pltpu.sync_copy(src3.at[wid], src_idx)
        pltpu.sync_copy(dst3.at[wid], dst_idx)

        def comp_body(t, wp):
            r = t // (_CHUNK // 16)
            c0 = (t % (_CHUNK // 16)) * 16
            vd = dst_idx[r, pl.ds(c0, 16)]
            vs = src_idx[r, pl.ds(c0, 16)]
            kd, ks = plsc.sort_key_val(vd, vs)
            cdst[pl.ds(wp, 16)] = kd
            csrc[pl.ds(wp, 16)] = ks
            return wp + jnp.sum((kd < clamp_to).astype(jnp.int32))

        wp = lax.fori_loop(0, n_chunks * (_CHUNK // 16), comp_body,
                           jnp.int32(0))
        jota = clamp_to + jax.lax.iota(jnp.int32, 16)
        for t in range(_SC // 16):
            cdst[pl.ds(wp + t * 16, 16)] = jota + (t % 16) * 16
            csrc[pl.ds(wp + t * 16, 16)] = jnp.zeros((16,), jnp.int32)

        n_live = jnp.maximum((wp + _SC - 1) // _SC, 1)

        def edge_body(j, carry):
            pltpu.sync_copy(table.at[csrc.at[pl.ds(j * _SC, _SC)]], rows)
            pltpu.sync_copy(rows, acc.at[cdst.at[pl.ds(j * _SC, _SC)]],
                            add=True)
            for k in range(_SC // _CHUNK):
                pltpu.sync_copy(
                    ones,
                    cacc.at[cdst.at[pl.ds(j * _SC + k * _CHUNK, _CHUNK)]],
                    add=True)
            return carry

        lax.fori_loop(0, n_live, edge_body, 0)
        plsc.subcore_barrier()

        ob = sid * nk_pt
        pltpu.sync_copy(acc.at[pl.ds(ob, nk_pt)], s_out.at[cid, pl.ds(ob, nk_pt)])
        pltpu.sync_copy(cacc.at[pl.ds(ob, nk_pt)], cnt_out.at[cid, pl.ds(ob, nk_pt)])

    return seg


_seg1 = _make_seg_sum(50000, 79, _N2, 2560, _N2)
_seg23 = _make_seg_sum(_N2, 16, _N3, 1536, _N3)


def _dense_body(s_ref, cnt_ref, x_ref, wl_ref, bl_ref, wr_ref, a_ref, o_ref):
    c = jnp.maximum(cnt_ref[0, :, 0:1] + cnt_ref[1, :, 0:1], 1.0)
    mean = (s_ref[0] + s_ref[1]) / c
    z = (jnp.dot(mean, wl_ref[...], preferred_element_type=jnp.float32)
         + jnp.dot(x_ref[...], wr_ref[...], preferred_element_type=jnp.float32)
         + bl_ref[...])
    o_ref[...] = jnp.where(z >= 0.0, z, a_ref[...] * z)


def _dense(s, cnt, x_tgt, wl, bl, wr, a):
    n = s.shape[1]
    return pl.pallas_call(
        _dense_body,
        out_shape=jax.ShapeDtypeStruct((n, _D), jnp.float32),
    )(s, cnt, x_tgt, wl.T, bl.reshape(1, _D), wr.T, a.reshape(1, _D))


def _prep_edges(edge_index, n_chunks, pad_dst):
    e = edge_index.shape[1]
    total = _NTILES * n_chunks * _CHUNK
    src = edge_index[0]
    dst = edge_index[1]
    if total > e:
        pad = total - e
        src = jnp.concatenate([src, jnp.zeros((pad,), jnp.int32)])
        dst = jnp.concatenate([dst, jnp.full((pad,), pad_dst, jnp.int32)])
    return (src.reshape(_NTILES, n_chunks, _CHUNK),
            dst.reshape(_NTILES, n_chunks, _CHUNK))


def kernel(x, edge_index1, edge_index2, edge_index3,
           Wl1, bl1, Wr1, Wl2, bl2, Wr2, Wl3, bl3, Wr3,
           a1, a2, a3):
    src1, dst1 = _prep_edges(edge_index1, 79, _N1)
    src2, dst2 = _prep_edges(edge_index2, 16, _N2)
    src3, dst3 = _prep_edges(edge_index3, 16, _N3)

    s1, c1 = _seg1(x, src1, dst1)
    h1 = _dense(s1, c1, x[:_N2], Wl1, bl1, Wr1, a1)
    s2, c2 = _seg23(h1, src2, dst2)
    h2 = _dense(s2, c2, h1[:_N3], Wl2, bl2, Wr2, a2)
    h2p = jnp.concatenate([h2, jnp.zeros((_N2 - _N3, _D), jnp.float32)])
    s3, c3 = _seg23(h2p, src3, dst3)
    return _dense(s3, c3, h2, Wl3, bl3, Wr3, a3)

# --- scband reference (transcript-rebuilt; emitter-appended) ---
"""Pipeline reference for scband-encoder-37701222924859 (READ-ONLY COPY).

The authoritative reference and input builder live on the scoring server;
editing this copy changes nothing except your own understanding.
"""

import jax, jax.numpy as jnp
import numpy as np

N0, N1, N2, N3 = 50000, 10000, 2048, 1024
D = 128
E1, E2, E3 = 320000, 65536, 32768


def setup_inputs(seed: int = 0) -> dict:
    key = jax.random.key(seed)
    ks = jax.random.split(key, 20)
    s = 1.0 / np.sqrt(D)
    inp = {}
    inp['x'] = jax.random.normal(ks[0], (N0, D), dtype=jnp.float32)
    inp['edge_index1'] = jax.random.randint(ks[1], (2, E1), 0, N1, dtype=jnp.int32)
    inp['edge_index2'] = jax.random.randint(ks[2], (2, E2), 0, N2, dtype=jnp.int32)
    inp['edge_index3'] = jax.random.randint(ks[3], (2, E3), 0, N3, dtype=jnp.int32)
    # SAGEConv params per layer: lin_l (neighbor branch, with bias), lin_r (root branch, no bias)
    inp['Wl1'] = jax.random.normal(ks[4], (D, D), dtype=jnp.float32) * s
    inp['bl1'] = jnp.zeros((D,), dtype=jnp.float32)
    inp['Wr1'] = jax.random.normal(ks[5], (D, D), dtype=jnp.float32) * s
    inp['Wl2'] = jax.random.normal(ks[6], (D, D), dtype=jnp.float32) * s
    inp['bl2'] = jnp.zeros((D,), dtype=jnp.float32)
    inp['Wr2'] = jax.random.normal(ks[7], (D, D), dtype=jnp.float32) * s
    inp['Wl3'] = jax.random.normal(ks[8], (D, D), dtype=jnp.float32) * s
    inp['bl3'] = jnp.zeros((D,), dtype=jnp.float32)
    inp['Wr3'] = jax.random.normal(ks[9], (D, D), dtype=jnp.float32) * s
    # PReLU per-channel slopes (torch default init 0.25)
    inp['a1'] = jnp.full((D,), 0.25, dtype=jnp.float32)
    inp['a2'] = jnp.full((D,), 0.25, dtype=jnp.float32)
    inp['a3'] = jnp.full((D,), 0.25, dtype=jnp.float32)
    return inp


def _sage_conv(x_src, x_tgt, edge_index, n_tgt, Wl, bl, Wr):
    # mean aggregation of source features onto targets
    msg = jnp.take(x_src, edge_index[0], axis=0)
    agg = jax.ops.segment_sum(msg, edge_index[1], num_segments=n_tgt)
    cnt = jax.ops.segment_sum(jnp.ones((edge_index.shape[1],), jnp.float32), edge_index[1], num_segments=n_tgt)
    mean = agg / jnp.clip(cnt, 1.0)[:, None]
    return mean @ Wl.T + bl + x_tgt @ Wr.T


def _prelu(x, a):
    return jnp.where(x >= 0, x, a * x)


def reference(x, edge_index1, edge_index2, edge_index3,
              Wl1, bl1, Wr1, Wl2, bl2, Wr2, Wl3, bl3, Wr3,
              a1, a2, a3):
    h = _sage_conv(x, x[:N1], edge_index1, N1, Wl1, bl1, Wr1)
    h = _prelu(h, a1)
    h = _sage_conv(h, h[:N2], edge_index2, N2, Wl2, bl2, Wr2)
    h = _prelu(h, a2)
    h = _sage_conv(h, h[:N3], edge_index3, N3, Wl3, bl3, Wr3)
    h = _prelu(h, a3)
    return h

if __name__ == "__main__":
    import jax
    _d = setup_inputs()
    print(jax.jit(kernel)(*tuple(_d.values())))

</pallas_src>

<mosaic_0001>
#map = affine_map<(d0, d1) -> (0, 0)>
#map1 = affine_map<(d0, d1) -> (0, 0, 0)>
module attributes {stable_mosaic.version = 14 : i64} {
  func.func @seg(%arg0: i32, %arg1: i32, %arg2: memref<2048x128xf32, #tpu.memory_space<hbm>>, %arg3: memref<32x16x128xi32, #tpu.memory_space<hbm>>, %arg4: memref<32x16x128xi32, #tpu.memory_space<hbm>>, %arg5: memref<2x1024x128xf32, #tpu.memory_space<hbm>>, %arg6: memref<2x1024x128xf32, #tpu.memory_space<hbm>>, %arg7: memref<16x128xi32, #tpu.memory_space<vmem>>, %arg8: memref<16x128xi32, #tpu.memory_space<vmem>>, %arg9: memref<2176xi32, #tpu.memory_space<vmem>>, %arg10: memref<2176xi32, #tpu.memory_space<vmem>>, %arg11: memref<128x128xf32, #tpu.memory_space<vmem>>, %arg12: memref<128x128xf32, #tpu.memory_space<vmem>>, %arg13: memref<32x128xf32, #tpu.memory_space<vmem>>, %arg14: memref<1536x128xf32, #tpu.memory_space<vmem_shared>>, %arg15: memref<1536x128xf32, #tpu.memory_space<vmem_shared>>) attributes {dimension_semantics = [#tpu.dimension_semantics<core_parallel>, #tpu.dimension_semantics<subcore_parallel>], iteration_bounds = array<i64: 2, 16>, scalar_prefetch = 0 : i64, scratch_operands = 9 : i64, tpu.core_type = #tpu.core_type<sc_vector_subcore>, window_params = [{transform_indices = #map}, {transform_indices = #map1}, {transform_indices = #map1}, {transform_indices = #map1}, {transform_indices = #map1}]} {
    %mul3A = arith.constant 16 : i32
    %mul3A_0 = arith.muli %arg0, %mul3A : i32
    %add3A = arith.addi %mul3A_0, %arg1 : i32
    %scan3A = arith.constant 0 : i32
    %scan3A_1 = arith.constant 0 : i32
    %scan3A_2 = arith.constant 32 : i32
    %scan3A_3 = arith.addi %scan3A_1, %scan3A_2 : i32
    %scan3A_4 = arith.constant 1 : i32
    scf.for %scan3A_171 = %scan3A_1 to %scan3A_3 step %scan3A_4  : i32 {
      %broadcast_in_dim3A_172 = arith.constant 0.000000e+00 : f32
      %broadcast_in_dim3A_173 = vector.broadcast %broadcast_in_dim3A_172 : f32 to vector<16xf32>
      %swap3A_174 = arith.index_cast %scan3A_171 : i32 to index
      %swap3A_175 = arith.constant 0 : index
      %swap3A_176 = tpu.vector_load %arg13[%swap3A_174, %swap3A_175] {strides = array<i32>} : memref<32x128xf32, #tpu.memory_space<vmem>>, vector<16xf32>,
      tpu.vector_store %arg13[%swap3A_174, %swap3A_175], %broadcast_in_dim3A_173 {strides = array<i32>} : memref<32x128xf32, #tpu.memory_space<vmem>>, vector<16xf32>,
      %broadcast_in_dim3A_177 = arith.constant 0.000000e+00 : f32
      %broadcast_in_dim3A_178 = vector.broadcast %broadcast_in_dim3A_177 : f32 to vector<16xf32>
      %swap3A_179 = arith.index_cast %scan3A_171 : i32 to index
      %swap3A_180 = arith.constant 16 : index
      %swap3A_181 = tpu.vector_load %arg13[%swap3A_179, %swap3A_180] {strides = array<i32>} : memref<32x128xf32, #tpu.memory_space<vmem>>, vector<16xf32>,
      tpu.vector_store %arg13[%swap3A_179, %swap3A_180], %broadcast_in_dim3A_178 {strides = array<i32>} : memref<32x128xf32, #tpu.memory_space<vmem>>, vector<16xf32>,
      %broadcast_in_dim3A_182 = arith.constant 0.000000e+00 : f32
      %broadcast_in_dim3A_183 = vector.broadcast %broadcast_in_dim3A_182 : f32 to vector<16xf32>
      %swap3A_184 = arith.index_cast %scan3A_171 : i32 to index
      %swap3A_185 = arith.constant 32 : index
      %swap3A_186 = tpu.vector_load %arg13[%swap3A_184, %swap3A_185] {strides = array<i32>} : memref<32x128xf32, #tpu.memory_space<vmem>>, vector<16xf32>,
      tpu.vector_store %arg13[%swap3A_184, %swap3A_185], %broadcast_in_dim3A_183 {strides = array<i32>} : memref<32x128xf32, #tpu.memory_space<vmem>>, vector<16xf32>,
      %broadcast_in_dim3A_187 = arith.constant 0.000000e+00 : f32
      %broadcast_in_dim3A_188 = vector.broadcast %broadcast_in_dim3A_187 : f32 to vector<16xf32>
      %swap3A_189 = arith.index_cast %scan3A_171 : i32 to index
      %swap3A_190 = arith.constant 48 : index
      %swap3A_191 = tpu.vector_load %arg13[%swap3A_189, %swap3A_190] {strides = array<i32>} : memref<32x128xf32, #tpu.memory_space<vmem>>, vector<16xf32>,
      tpu.vector_store %arg13[%swap3A_189, %swap3A_190], %broadcast_in_dim3A_188 {strides = array<i32>} : memref<32x128xf32, #tpu.memory_space<vmem>>, vector<16xf32>,
      %broadcast_in_dim3A_192 = arith.constant 0.000000e+00 : f32
      %broadcast_in_dim3A_193 = vector.broadcast %broadcast_in_dim3A_192 : f32 to vector<16xf32>
      %swap3A_194 = arith.index_cast %scan3A_171 : i32 to index
      %swap3A_195 = arith.constant 64 : index
      %swap3A_196 = tpu.vector_load %arg13[%swap3A_194, %swap3A_195] {strides = array<i32>} : memref<32x128xf32, #tpu.memory_space<vmem>>, vector<16xf32>,
      tpu.vector_store %arg13[%swap3A_194, %swap3A_195], %broadcast_in_dim3A_193 {strides = array<i32>} : memref<32x128xf32, #tpu.memory_space<vmem>>, vector<16xf32>,
      %broadcast_in_dim3A_197 = arith.constant 0.000000e+00 : f32
      %broadcast_in_dim3A_198 = vector.broadcast %broadcast_in_dim3A_197 : f32 to vector<16xf32>
      %swap3A_199 = arith.index_cast %scan3A_171 : i32 to index
      %swap3A_200 = arith.constant 80 : index
      %swap3A_201 = tpu.vector_load %arg13[%swap3A_199, %swap3A_200] {strides = array<i32>} : memref<32x128xf32, #tpu.memory_space<vmem>>, vector<16xf32>,
      tpu.vector_store %arg13[%swap3A_199, %swap3A_200], %broadcast_in_dim3A_198 {strides = array<i32>} : memref<32x128xf32, #tpu.memory_space<vmem>>, vector<16xf32>,
      %broadcast_in_dim3A_202 = arith.constant 0.000000e+00 : f32
      %broadcast_in_dim3A_203 = vector.broadcast %broadcast_in_dim3A_202 : f32 to vector<16xf32>
      %swap3A_204 = arith.index_cast %scan3A_171 : i32 to index
      %swap3A_205 = arith.constant 96 : index
      %swap3A_206 = tpu.vector_load %arg13[%swap3A_204, %swap3A_205] {strides = array<i32>} : memref<32x128xf32, #tpu.memory_space<vmem>>, vector<16xf32>,
      tpu.vector_store %arg13[%swap3A_204, %swap3A_205], %broadcast_in_dim3A_203 {strides = array<i32>} : memref<32x128xf32, #tpu.memory_space<vmem>>, vector<16xf32>,
      %broadcast_in_dim3A_207 = arith.constant 0.000000e+00 : f32
      %broadcast_in_dim3A_208 = vector.broadcast %broadcast_in_dim3A_207 : f32 to vector<16xf32>
      %swap3A_209 = arith.index_cast %scan3A_171 : i32 to index
      %swap3A_210 = arith.constant 112 : index
      %swap3A_211 = tpu.vector_load %arg13[%swap3A_209, %swap3A_210] {strides = array<i32>} : memref<32x128xf32, #tpu.memory_space<vmem>>, vector<16xf32>,
      tpu.vector_store %arg13[%swap3A_209, %swap3A_210], %broadcast_in_dim3A_208 {strides = array<i32>} : memref<32x128xf32, #tpu.memory_space<vmem>>, vector<16xf32>,
    }
    %scan3A_5 = arith.constant 32 : i32
    %scan3A_6 = arith.constant 0 : i32
    %scan3A_7 = arith.constant 0 : i32
    %scan3A_8 = arith.constant 128 : i32
    %scan3A_9 = arith.addi %scan3A_7, %scan3A_8 : i32
    %scan3A_10 = arith.constant 1 : i32
    scf.for %scan3A_171 = %scan3A_7 to %scan3A_9 step %scan3A_10  : i32 {
      %broadcast_in_dim3A_172 = arith.constant 1.000000e+00 : f32
      %broadcast_in_dim3A_173 = vector.broadcast %broadcast_in_dim3A_172 : f32 to vector<16xf32>
      %swap3A_174 = arith.index_cast %scan3A_171 : i32 to index
      %swap3A_175 = arith.constant 0 : index
      %swap3A_176 = tpu.vector_load %arg12[%swap3A_174, %swap3A_175] {strides = array<i32>} : memref<128x128xf32, #tpu.memory_space<vmem>>, vector<16xf32>,
      tpu.vector_store %arg12[%swap3A_174, %swap3A_175], %broadcast_in_dim3A_173 {strides = array<i32>} : memref<128x128xf32, #tpu.memory_space<vmem>>, vector<16xf32>,
      %broadcast_in_dim3A_177 = arith.constant 1.000000e+00 : f32
      %broadcast_in_dim3A_178 = vector.broadcast %broadcast_in_dim3A_177 : f32 to vector<16xf32>
      %swap3A_179 = arith.index_cast %scan3A_171 : i32 to index
      %swap3A_180 = arith.constant 16 : index
      %swap3A_181 = tpu.vector_load %arg12[%swap3A_179, %swap3A_180] {strides = array<i32>} : memref<128x128xf32, #tpu.memory_space<vmem>>, vector<16xf32>,
      tpu.vector_store %arg12[%swap3A_179, %swap3A_180], %broadcast_in_dim3A_178 {strides = array<i32>} : memref<128x128xf32, #tpu.memory_space<vmem>>, vector<16xf32>,
      %broadcast_in_dim3A_182 = arith.constant 1.000000e+00 : f32
      %broadcast_in_dim3A_183 = vector.broadcast %broadcast_in_dim3A_182 : f32 to vector<16xf32>
      %swap3A_184 = arith.index_cast %scan3A_171 : i32 to index
      %swap3A_185 = arith.constant 32 : index
      %swap3A_186 = tpu.vector_load %arg12[%swap3A_184, %swap3A_185] {strides = array<i32>} : memref<128x128xf32, #tpu.memory_space<vmem>>, vector<16xf32>,
      tpu.vector_store %arg12[%swap3A_184, %swap3A_185], %broadcast_in_dim3A_183 {strides = array<i32>} : memref<128x128xf32, #tpu.memory_space<vmem>>, vector<16xf32>,
      %broadcast_in_dim3A_187 = arith.constant 1.000000e+00 : f32
      %broadcast_in_dim3A_188 = vector.broadcast %broadcast_in_dim3A_187 : f32 to vector<16xf32>
      %swap3A_189 = arith.index_cast %scan3A_171 : i32 to index
      %swap3A_190 = arith.constant 48 : index
      %swap3A_191 = tpu.vector_load %arg12[%swap3A_189, %swap3A_190] {strides = array<i32>} : memref<128x128xf32, #tpu.memory_space<vmem>>, vector<16xf32>,
      tpu.vector_store %arg12[%swap3A_189, %swap3A_190], %broadcast_in_dim3A_188 {strides = array<i32>} : memref<128x128xf32, #tpu.memory_space<vmem>>, vector<16xf32>,
      %broadcast_in_dim3A_192 = arith.constant 1.000000e+00 : f32
      %broadcast_in_dim3A_193 = vector.broadcast %broadcast_in_dim3A_192 : f32 to vector<16xf32>
      %swap3A_194 = arith.index_cast %scan3A_171 : i32 to index
      %swap3A_195 = arith.constant 64 : index
      %swap3A_196 = tpu.vector_load %arg12[%swap3A_194, %swap3A_195] {strides = array<i32>} : memref<128x128xf32, #tpu.memory_space<vmem>>, vector<16xf32>,
      tpu.vector_store %arg12[%swap3A_194, %swap3A_195], %broadcast_in_dim3A_193 {strides = array<i32>} : memref<128x128xf32, #tpu.memory_space<vmem>>, vector<16xf32>,
      %broadcast_in_dim3A_197 = arith.constant 1.000000e+00 : f32
      %broadcast_in_dim3A_198 = vector.broadcast %broadcast_in_dim3A_197 : f32 to vector<16xf32>
      %swap3A_199 = arith.index_cast %scan3A_171 : i32 to index
      %swap3A_200 = arith.constant 80 : index
      %swap3A_201 = tpu.vector_load %arg12[%swap3A_199, %swap3A_200] {strides = array<i32>} : memref<128x128xf32, #tpu.memory_space<vmem>>, vector<16xf32>,
      tpu.vector_store %arg12[%swap3A_199, %swap3A_200], %broadcast_in_dim3A_198 {strides = array<i32>} : memref<128x128xf32, #tpu.memory_space<vmem>>, vector<16xf32>,
      %broadcast_in_dim3A_202 = arith.constant 1.000000e+00 : f32
      %broadcast_in_dim3A_203 = vector.broadcast %broadcast_in_dim3A_202 : f32 to vector<16xf32>
      %swap3A_204 = arith.index_cast %scan3A_171 : i32 to index
      %swap3A_205 = arith.constant 96 : index
      %swap3A_206 = tpu.vector_load %arg12[%swap3A_204, %swap3A_205] {strides = array<i32>} : memref<128x128xf32, #tpu.memory_space<vmem>>, vector<16xf32>,
      tpu.vector_store %arg12[%swap3A_204, %swap3A_205], %broadcast_in_dim3A_203 {strides = array<i32>} : memref<128x128xf32, #tpu.memory_space<vmem>>, vector<16xf32>,
      %broadcast_in_dim3A_207 = arith.constant 1.000000e+00 : f32
      %broadcast_in_dim3A_208 = vector.broadcast %broadcast_in_dim3A_207 : f32 to vector<16xf32>
      %swap3A_209 = arith.index_cast %scan3A_171 : i32 to index
      %swap3A_210 = arith.constant 112 : index
      %swap3A_211 = tpu.vector_load %arg12[%swap3A_209, %swap3A_210] {strides = array<i32>} : memref<128x128xf32, #tpu.memory_space<vmem>>, vector<16xf32>,
      tpu.vector_store %arg12[%swap3A_209, %swap3A_210], %broadcast_in_dim3A_208 {strides = array<i32>} : memref<128x128xf32, #tpu.memory_space<vmem>>, vector<16xf32>,
    }
    %scan3A_11 = arith.constant 128 : i32
    %mul3A_12 = arith.constant 96 : i32
    %mul3A_13 = arith.muli %arg1, %mul3A_12 : i32
    %add3A_14 = arith.constant 0 : i32
    %add3A_15 = arith.addi %mul3A_13, %add3A_14 : i32
    "tpu.region"() ({
      %run_scoped3A = tpu.sem_alloc : memref<!tpu.dma_semaphore, #tpu.memory_space<semaphore_mem>>
      %dma_start3A = arith.constant 0 : i32
      %dma_start3A_171 = tpu.memref_slice %arg14[%add3A_15, %dma_start3A] : memref<1536x128xf32, #tpu.memory_space<vmem_shared>> -> memref<32x128xf32, #tpu.memory_space<vmem_shared>>
      %dma_start3A_172 = arith.constant 0 : i32
      %dma_start3A_173 = tpu.memref_slice %arg14[%add3A_15, %dma_start3A_172] : memref<1536x128xf32, #tpu.memory_space<vmem_shared>> -> memref<32x128xf32, #tpu.memory_space<vmem_shared>>
      tpu.enqueue_dma source(%arg13 : memref<32x128xf32, #tpu.memory_space<vmem>>) target(%dma_start3A_173 : memref<32x128xf32, #tpu.memory_space<vmem_shared>>) target_semaphore(%run_scoped3A : memref<!tpu.dma_semaphore, #tpu.memory_space<semaphore_mem>>)
      %dma_wait3A = arith.constant 0 : i32
      %dma_wait3A_174 = tpu.memref_slice %arg14[%add3A_15, %dma_wait3A] : memref<1536x128xf32, #tpu.memory_space<vmem_shared>> -> memref<32x128xf32, #tpu.memory_space<vmem_shared>>
      %dma_wait3A_175 = arith.constant 0 : i32
      %dma_wait3A_176 = tpu.memref_slice %arg14[%add3A_15, %dma_wait3A_175] : memref<1536x128xf32, #tpu.memory_space<vmem_shared>> -> memref<32x128xf32, #tpu.memory_space<vmem_shared>>
      tpu.wait_dma2 semaphore(%run_scoped3A : memref<!tpu.dma_semaphore, #tpu.memory_space<semaphore_mem>>) src(%arg13 : memref<32x128xf32, #tpu.memory_space<vmem>>) dst(%dma_wait3A_176 : memref<32x128xf32, #tpu.memory_space<vmem_shared>>)
      tpu.yield
    }) : () -> ()
    %add3A_16 = arith.constant 0 : i32
    %add3A_17 = arith.addi %mul3A_13, %add3A_16 : i32
    "tpu.region"() ({
      %run_scoped3A = tpu.sem_alloc : memref<!tpu.dma_semaphore, #tpu.memory_space<semaphore_mem>>
      %dma_start3A = arith.constant 0 : i32
      %dma_start3A_171 = tpu.memref_slice %arg15[%add3A_17, %dma_start3A] : memref<1536x128xf32, #tpu.memory_space<vmem_shared>> -> memref<32x128xf32, #tpu.memory_space<vmem_shared>>
      %dma_start3A_172 = arith.constant 0 : i32
      %dma_start3A_173 = tpu.memref_slice %arg15[%add3A_17, %dma_start3A_172] : memref<1536x128xf32, #tpu.memory_space<vmem_shared>> -> memref<32x128xf32, #tpu.memory_space<vmem_shared>>
      tpu.enqueue_dma source(%arg13 : memref<32x128xf32, #tpu.memory_space<vmem>>) target(%dma_start3A_173 : memref<32x128xf32, #tpu.memory_space<vmem_shared>>) target_semaphore(%run_scoped3A : memref<!tpu.dma_semaphore, #tpu.memory_space<semaphore_mem>>)
      %dma_wait3A = arith.constant 0 : i32
      %dma_wait3A_174 = tpu.memref_slice %arg15[%add3A_17, %dma_wait3A] : memref<1536x128xf32, #tpu.memory_space<vmem_shared>> -> memref<32x128xf32, #tpu.memory_space<vmem_shared>>
      %dma_wait3A_175 = arith.constant 0 : i32
      %dma_wait3A_176 = tpu.memref_slice %arg15[%add3A_17, %dma_wait3A_175] : memref<1536x128xf32, #tpu.memory_space<vmem_shared>> -> memref<32x128xf32, #tpu.memory_space<vmem_shared>>
      tpu.wait_dma2 semaphore(%run_scoped3A : memref<!tpu.dma_semaphore, #tpu.memory_space<semaphore_mem>>) src(%arg13 : memref<32x128xf32, #tpu.memory_space<vmem>>) dst(%dma_wait3A_176 : memref<32x128xf32, #tpu.memory_space<vmem_shared>>)
      tpu.yield
    }) : () -> ()
    %add3A_18 = arith.constant 32 : i32
    %add3A_19 = arith.addi %mul3A_13, %add3A_18 : i32
    "tpu.region"() ({
      %run_scoped3A = tpu.sem_alloc : memref<!tpu.dma_semaphore, #tpu.memory_space<semaphore_mem>>
      %dma_start3A = arith.constant 0 : i32
      %dma_start3A_171 = tpu.memref_slice %arg14[%add3A_19, %dma_start3A] : memref<1536x128xf32, #tpu.memory_space<vmem_shared>> -> memref<32x128xf32, #tpu.memory_space<vmem_shared>>
      %dma_start3A_172 = arith.constant 0 : i32
      %dma_start3A_173 = tpu.memref_slice %arg14[%add3A_19, %dma_start3A_172] : memref<1536x128xf32, #tpu.memory_space<vmem_shared>> -> memref<32x128xf32, #tpu.memory_space<vmem_shared>>
      tpu.enqueue_dma source(%arg13 : memref<32x128xf32, #tpu.memory_space<vmem>>) target(%dma_start3A_173 : memref<32x128xf32, #tpu.memory_space<vmem_shared>>) target_semaphore(%run_scoped3A : memref<!tpu.dma_semaphore, #tpu.memory_space<semaphore_mem>>)
      %dma_wait3A = arith.constant 0 : i32
      %dma_wait3A_174 = tpu.memref_slice %arg14[%add3A_19, %dma_wait3A] : memref<1536x128xf32, #tpu.memory_space<vmem_shared>> -> memref<32x128xf32, #tpu.memory_space<vmem_shared>>
      %dma_wait3A_175 = arith.constant 0 : i32
      %dma_wait3A_176 = tpu.memref_slice %arg14[%add3A_19, %dma_wait3A_175] : memref<1536x128xf32, #tpu.memory_space<vmem_shared>> -> memref<32x128xf32, #tpu.memory_space<vmem_shared>>
      tpu.wait_dma2 semaphore(%run_scoped3A : memref<!tpu.dma_semaphore, #tpu.memory_space<semaphore_mem>>) src(%arg13 : memref<32x128xf32, #tpu.memory_space<vmem>>) dst(%dma_wait3A_176 : memref<32x128xf32, #tpu.memory_space<vmem_shared>>)
      tpu.yield
    }) : () -> ()
    %add3A_20 = arith.constant 32 : i32
    %add3A_21 = arith.addi %mul3A_13, %add3A_20 : i32
    "tpu.region"() ({
      %run_scoped3A = tpu.sem_alloc : memref<!tpu.dma_semaphore, #tpu.memory_space<semaphore_mem>>
      %dma_start3A = arith.constant 0 : i32
      %dma_start3A_171 = tpu.memref_slice %arg15[%add3A_21, %dma_start3A] : memref<1536x128xf32, #tpu.memory_space<vmem_shared>> -> memref<32x128xf32, #tpu.memory_space<vmem_shared>>
      %dma_start3A_172 = arith.constant 0 : i32
      %dma_start3A_173 = tpu.memref_slice %arg15[%add3A_21, %dma_start3A_172] : memref<1536x128xf32, #tpu.memory_space<vmem_shared>> -> memref<32x128xf32, #tpu.memory_space<vmem_shared>>
      tpu.enqueue_dma source(%arg13 : memref<32x128xf32, #tpu.memory_space<vmem>>) target(%dma_start3A_173 : memref<32x128xf32, #tpu.memory_space<vmem_shared>>) target_semaphore(%run_scoped3A : memref<!tpu.dma_semaphore, #tpu.memory_space<semaphore_mem>>)
      %dma_wait3A = arith.constant 0 : i32
      %dma_wait3A_174 = tpu.memref_slice %arg15[%add3A_21, %dma_wait3A] : memref<1536x128xf32, #tpu.memory_space<vmem_shared>> -> memref<32x128xf32, #tpu.memory_space<vmem_shared>>
      %dma_wait3A_175 = arith.constant 0 : i32
      %dma_wait3A_176 = tpu.memref_slice %arg15[%add3A_21, %dma_wait3A_175] : memref<1536x128xf32, #tpu.memory_space<vmem_shared>> -> memref<32x128xf32, #tpu.memory_space<vmem_shared>>
      tpu.wait_dma2 semaphore(%run_scoped3A : memref<!tpu.dma_semaphore, #tpu.memory_space<semaphore_mem>>) src(%arg13 : memref<32x128xf32, #tpu.memory_space<vmem>>) dst(%dma_wait3A_176 : memref<32x128xf32, #tpu.memory_space<vmem_shared>>)
      tpu.yield
    }) : () -> ()
    %add3A_22 = arith.constant 64 : i32
    %add3A_23 = arith.addi %mul3A_13, %add3A_22 : i32
    "tpu.region"() ({
      %run_scoped3A = tpu.sem_alloc : memref<!tpu.dma_semaphore, #tpu.memory_space<semaphore_mem>>
      %dma_start3A = arith.constant 0 : i32
      %dma_start3A_171 = tpu.memref_slice %arg14[%add3A_23, %dma_start3A] : memref<1536x128xf32, #tpu.memory_space<vmem_shared>> -> memref<32x128xf32, #tpu.memory_space<vmem_shared>>
      %dma_start3A_172 = arith.constant 0 : i32
      %dma_start3A_173 = tpu.memref_slice %arg14[%add3A_23, %dma_start3A_172] : memref<1536x128xf32, #tpu.memory_space<vmem_shared>> -> memref<32x128xf32, #tpu.memory_space<vmem_shared>>
      tpu.enqueue_dma source(%arg13 : memref<32x128xf32, #tpu.memory_space<vmem>>) target(%dma_start3A_173 : memref<32x128xf32, #tpu.memory_space<vmem_shared>>) target_semaphore(%run_scoped3A : memref<!tpu.dma_semaphore, #tpu.memory_space<semaphore_mem>>)
      %dma_wait3A = arith.constant 0 : i32
      %dma_wait3A_174 = tpu.memref_slice %arg14[%add3A_23, %dma_wait3A] : memref<1536x128xf32, #tpu.memory_space<vmem_shared>> -> memref<32x128xf32, #tpu.memory_space<vmem_shared>>
      %dma_wait3A_175 = arith.constant 0 : i32
      %dma_wait3A_176 = tpu.memref_slice %arg14[%add3A_23, %dma_wait3A_175] : memref<1536x128xf32, #tpu.memory_space<vmem_shared>> -> memref<32x128xf32, #tpu.memory_space<vmem_shared>>
      tpu.wait_dma2 semaphore(%run_scoped3A : memref<!tpu.dma_semaphore, #tpu.memory_space<semaphore_mem>>) src(%arg13 : memref<32x128xf32, #tpu.memory_space<vmem>>) dst(%dma_wait3A_176 : memref<32x128xf32, #tpu.memory_space<vmem_shared>>)
      tpu.yield
    }) : () -> ()
    %add3A_24 = arith.constant 64 : i32
    %add3A_25 = arith.addi %mul3A_13, %add3A_24 : i32
    "tpu.region"() ({
      %run_scoped3A = tpu.sem_alloc : memref<!tpu.dma_semaphore, #tpu.memory_space<semaphore_mem>>
      %dma_start3A = arith.constant 0 : i32
      %dma_start3A_171 = tpu.memref_slice %arg15[%add3A_25, %dma_start3A] : memref<1536x128xf32, #tpu.memory_space<vmem_shared>> -> memref<32x128xf32, #tpu.memory_space<vmem_shared>>
      %dma_start3A_172 = arith.constant 0 : i32
      %dma_start3A_173 = tpu.memref_slice %arg15[%add3A_25, %dma_start3A_172] : memref<1536x128xf32, #tpu.memory_space<vmem_shared>> -> memref<32x128xf32, #tpu.memory_space<vmem_shared>>
      tpu.enqueue_dma source(%arg13 : memref<32x128xf32, #tpu.memory_space<vmem>>) target(%dma_start3A_173 : memref<32x128xf32, #tpu.memory_space<vmem_shared>>) target_semaphore(%run_scoped3A : memref<!tpu.dma_semaphore, #tpu.memory_space<semaphore_mem>>)
      %dma_wait3A = arith.constant 0 : i32
      %dma_wait3A_174 = tpu.memref_slice %arg15[%add3A_25, %dma_wait3A] : memref<1536x128xf32, #tpu.memory_space<vmem_shared>> -> memref<32x128xf32, #tpu.memory_space<vmem_shared>>
      %dma_wait3A_175 = arith.constant 0 : i32
      %dma_wait3A_176 = tpu.memref_slice %arg15[%add3A_25, %dma_wait3A_175] : memref<1536x128xf32, #tpu.memory_space<vmem_shared>> -> memref<32x128xf32, #tpu.memory_space<vmem_shared>>
      tpu.wait_dma2 semaphore(%run_scoped3A : memref<!tpu.dma_semaphore, #tpu.memory_space<semaphore_mem>>) src(%arg13 : memref<32x128xf32, #tpu.memory_space<vmem>>) dst(%dma_wait3A_176 : memref<32x128xf32, #tpu.memory_space<vmem_shared>>)
      tpu.yield
    }) : () -> ()
    %barrier3A = arith.constant 0 : index
    tpu.barrier barrier_id(%barrier3A)
    "tpu.region"() ({
      %run_scoped3A = tpu.sem_alloc : memref<!tpu.dma_semaphore, #tpu.memory_space<semaphore_mem>>
      %dma_start3A = arith.constant 0 : i32
      %dma_start3A_171 = arith.constant 0 : i32
      %dma_start3A_172 = tpu.memref_slice %arg3[%add3A, %dma_start3A, %dma_start3A_171] : memref<32x16x128xi32, #tpu.memory_space<hbm>> -> memref<1x16x128xi32, #tpu.memory_space<hbm>>
      %dma_start3A_173 = tpu.memref_squeeze %dma_start3A_172 : memref<1x16x128xi32, #tpu.memory_space<hbm>> -> memref<16x128xi32, #tpu.memory_space<hbm>>
      %dma_start3A_174 = arith.constant 0 : i32
      %dma_start3A_175 = arith.constant 0 : i32
      %dma_start3A_176 = tpu.memref_slice %arg3[%add3A, %dma_start3A_174, %dma_start3A_175] : memref<32x16x128xi32, #tpu.memory_space<hbm>> -> memref<1x16x128xi32, #tpu.memory_space<hbm>>
      %dma_start3A_177 = tpu.memref_squeeze %dma_start3A_176 : memref<1x16x128xi32, #tpu.memory_space<hbm>> -> memref<16x128xi32, #tpu.memory_space<hbm>>
      tpu.enqueue_dma source(%dma_start3A_177 : memref<16x128xi32, #tpu.memory_space<hbm>>) target(%arg7 : memref<16x128xi32, #tpu.memory_space<vmem>>) target_semaphore(%run_scoped3A : memref<!tpu.dma_semaphore, #tpu.memory_space<semaphore_mem>>)
      %dma_wait3A = arith.constant 0 : i32
      %dma_wait3A_178 = arith.constant 0 : i32
      %dma_wait3A_179 = tpu.memref_slice %arg3[%add3A, %dma_wait3A, %dma_wait3A_178] : memref<32x16x128xi32, #tpu.memory_space<hbm>> -> memref<1x16x128xi32, #tpu.memory_space<hbm>>
      %dma_wait3A_180 = tpu.memref_squeeze %dma_wait3A_179 : memref<1x16x128xi32, #tpu.memory_space<hbm>> -> memref<16x128xi32, #tpu.memory_space<hbm>>
      %dma_wait3A_181 = arith.constant 0 : i32
      %dma_wait3A_182 = arith.constant 0 : i32
      %dma_wait3A_183 = tpu.memref_slice %arg3[%add3A, %dma_wait3A_181, %dma_wait3A_182] : memref<32x16x128xi32, #tpu.memory_space<hbm>> -> memref<1x16x128xi32, #tpu.memory_space<hbm>>
      %dma_wait3A_184 = tpu.memref_squeeze %dma_wait3A_183 : memref<1x16x128xi32, #tpu.memory_space<hbm>> -> memref<16x128xi32, #tpu.memory_space<hbm>>
      tpu.wait_dma2 semaphore(%run_scoped3A : memref<!tpu.dma_semaphore, #tpu.memory_space<semaphore_mem>>) src(%dma_wait3A_184 : memref<16x128xi32, #tpu.memory_space<hbm>>) dst(%arg7 : memref<16x128xi32, #tpu.memory_space<vmem>>)
      tpu.yield
    }) : () -> ()
    "tpu.region"() ({
      %run_scoped3A = tpu.sem_alloc : memref<!tpu.dma_semaphore, #tpu.memory_space<semaphore_mem>>
      %dma_start3A = arith.constant 0 : i32
      %dma_start3A_171 = arith.constant 0 : i32
      %dma_start3A_172 = tpu.memref_slice %arg4[%add3A, %dma_start3A, %dma_start3A_171] : memref<32x16x128xi32, #tpu.memory_space<hbm>> -> memref<1x16x128xi32, #tpu.memory_space<hbm>>
      %dma_start3A_173 = tpu.memref_squeeze %dma_start3A_172 : memref<1x16x128xi32, #tpu.memory_space<hbm>> -> memref<16x128xi32, #tpu.memory_space<hbm>>
      %dma_start3A_174 = arith.constant 0 : i32
      %dma_start3A_175 = arith.constant 0 : i32
      %dma_start3A_176 = tpu.memref_slice %arg4[%add3A, %dma_start3A_174, %dma_start3A_175] : memref<32x16x128xi32, #tpu.memory_space<hbm>> -> memref<1x16x128xi32, #tpu.memory_space<hbm>>
      %dma_start3A_177 = tpu.memref_squeeze %dma_start3A_176 : memref<1x16x128xi32, #tpu.memory_space<hbm>> -> memref<16x128xi32, #tpu.memory_space<hbm>>
      tpu.enqueue_dma source(%dma_start3A_177 : memref<16x128xi32, #tpu.memory_space<hbm>>) target(%arg8 : memref<16x128xi32, #tpu.memory_space<vmem>>) target_semaphore(%run_scoped3A : memref<!tpu.dma_semaphore, #tpu.memory_space<semaphore_mem>>)
      %dma_wait3A = arith.constant 0 : i32
      %dma_wait3A_178 = arith.constant 0 : i32
      %dma_wait3A_179 = tpu.memref_slice %arg4[%add3A, %dma_wait3A, %dma_wait3A_178] : memref<32x16x128xi32, #tpu.memory_space<hbm>> -> memref<1x16x128xi32, #tpu.memory_space<hbm>>
      %dma_wait3A_180 = tpu.memref_squeeze %dma_wait3A_179 : memref<1x16x128xi32, #tpu.memory_space<hbm>> -> memref<16x128xi32, #tpu.memory_space<hbm>>
      %dma_wait3A_181 = arith.constant 0 : i32
      %dma_wait3A_182 = arith.constant 0 : i32
      %dma_wait3A_183 = tpu.memref_slice %arg4[%add3A, %dma_wait3A_181, %dma_wait3A_182] : memref<32x16x128xi32, #tpu.memory_space<hbm>> -> memref<1x16x128xi32, #tpu.memory_space<hbm>>
      %dma_wait3A_184 = tpu.memref_squeeze %dma_wait3A_183 : memref<1x16x128xi32, #tpu.memory_space<hbm>> -> memref<16x128xi32, #tpu.memory_space<hbm>>
      tpu.wait_dma2 semaphore(%run_scoped3A : memref<!tpu.dma_semaphore, #tpu.memory_space<semaphore_mem>>) src(%dma_wait3A_184 : memref<16x128xi32, #tpu.memory_space<hbm>>) dst(%arg8 : memref<16x128xi32, #tpu.memory_space<vmem>>)
      tpu.yield
    }) : () -> ()
    %scan3A_26 = arith.constant 0 : i32
    %scan3A_27 = arith.constant 0 : i32
    %scan3A_28 = arith.constant 128 : i32
    %scan3A_29 = arith.addi %scan3A_27, %scan3A_28 : i32
    %scan3A_30 = arith.constant 1 : i32
    %scan3A_31 = scf.for %scan3A_171 = %scan3A_27 to %scan3A_29 step %scan3A_30 iter_args(%scan3A_172 = %scan3A_26) -> (i32)  : i32 {
      %jit3A_173 = arith.constant 8 : i32
      %div3A_174 = arith.divsi %scan3A_171, %jit3A_173 : i32
      %sign3A_175 = arith.constant 0 : i32
      %sign3A_176 = arith.cmpi sgt, %scan3A_171, %sign3A_175 : i32
      %sign3A_177 = arith.extui %sign3A_176 : i1 to i32
      %sign3A_178 = arith.constant 0 : i32
      %sign3A_179 = arith.cmpi slt, %scan3A_171, %sign3A_178 : i32
      %sign3A_180 = arith.extui %sign3A_179 : i1 to i32
      %sign3A_181 = arith.subi %sign3A_177, %sign3A_180 : i32
      %sign3A_182 = arith.constant 0 : i32
      %sign3A_183 = arith.cmpi sgt, %jit3A_173, %sign3A_182 : i32
      %sign3A_184 = arith.extui %sign3A_183 : i1 to i32
      %sign3A_185 = arith.constant 0 : i32
      %sign3A_186 = arith.cmpi slt, %jit3A_173, %sign3A_185 : i32
      %sign3A_187 = arith.extui %sign3A_186 : i1 to i32
      %sign3A_188 = arith.subi %sign3A_184, %sign3A_187 : i32
      %ne3A_189 = arith.cmpi ne, %sign3A_181, %sign3A_188 : i32
      %rem3A_190 = arith.remsi %scan3A_171, %jit3A_173 : i32
      %ne3A_191 = arith.constant 0 : i32
      %ne3A_192 = arith.cmpi ne, %rem3A_190, %ne3A_191 : i32
      %and3A_193 = arith.andi %ne3A_189, %ne3A_192 : i1
      %sub3A_194 = arith.constant 1 : i32
      %sub3A_195 = arith.subi %div3A_174, %sub3A_194 : i32
      %select_n3A_196 = arith.select %and3A_193, %sub3A_195, %div3A_174 : i32
      %jit3A_197 = arith.constant 8 : i32
      %eq3A = arith.constant 0 : i32
      %eq3A_198 = arith.cmpi eq, %jit3A_197, %eq3A : i32
      %jit3A_199 = arith.constant 1 : i32
      %select_n3A_200 = arith.select %eq3A_198, %jit3A_199, %jit3A_197 : i32
      %rem3A_201 = arith.remsi %scan3A_171, %select_n3A_200 : i32
      %ne3A_202 = arith.constant 0 : i32
      %ne3A_203 = arith.cmpi ne, %rem3A_201, %ne3A_202 : i32
      %lt3A = arith.constant 0 : i32
      %lt3A_204 = arith.cmpi slt, %rem3A_201, %lt3A : i32
      %lt3A_205 = arith.constant 0 : i32
      %lt3A_206 = arith.cmpi slt, %select_n3A_200, %lt3A_205 : i32
      %ne3A_207 = arith.xori %lt3A_204, %lt3A_206 : i1
      %and3A_208 = arith.andi %ne3A_207, %ne3A_203 : i1
      %add3A_209 = arith.addi %rem3A_201, %select_n3A_200 : i32
      %select_n3A_210 = arith.select %and3A_208, %add3A_209, %rem3A_201 : i32
      %mul3A_211 = arith.constant 16 : i32
      %mul3A_212 = arith.muli %select_n3A_210, %mul3A_211 : i32
      %get3A = arith.index_cast %select_n3A_196 : i32 to index
      %get3A_213 = arith.index_cast %mul3A_212 : i32 to index
      %get3A_214 = tpu.vector_load %arg8[%get3A, %get3A_213] {strides = array<i32>} : memref<16x128xi32, #tpu.memory_space<vmem>>, vector<16xi32>,
      %get3A_215 = arith.index_cast %select_n3A_196 : i32 to index
      %get3A_216 = arith.index_cast %mul3A_212 : i32 to index
      %get3A_217 = tpu.vector_load %arg7[%get3A_215, %get3A_216] {strides = array<i32>} : memref<16x128xi32, #tpu.memory_space<vmem>>, vector<16xi32>,
      %masked_sort3A = arith.constant dense<true> : vector<16xi1>
      %masked_sort3A_218 = arith.constant -2147483648 : i32
      %masked_sort3A_219 = vector.broadcast %masked_sort3A_218 : i32 to vector<16xi32>
      %masked_sort3A_220 = arith.xori %get3A_214, %masked_sort3A_219 : vector<16xi32>
      %masked_sort3A_221, %masked_sort3A_222, %masked_sort3A_223 = tpu.sort %masked_sort3A_220, %get3A_217 masked %masked_sort3A : (vector<16xi32>, vector<16xi32>, vector<16xi1>) -> (vector<16xi1>, vector<16xi32>, vector<16xi32>)
      %masked_sort3A_224 = arith.xori %masked_sort3A_222, %masked_sort3A_219 : vector<16xi32>
      %swap3A_225 = arith.index_cast %scan3A_172 : i32 to index
      %swap3A_226 = tpu.vector_load %arg10[%swap3A_225] {strides = array<i32>} : memref<2176xi32, #tpu.memory_space<vmem>>, vector<16xi32>,
      tpu.vector_store %arg10[%swap3A_225], %masked_sort3A_224 {strides = array<i32>} : memref<2176xi32, #tpu.memory_space<vmem>>, vector<16xi32>,
      %swap3A_227 = arith.index_cast %scan3A_172 : i32 to index
      %swap3A_228 = tpu.vector_load %arg9[%swap3A_227] {strides = array<i32>} : memref<2176xi32, #tpu.memory_space<vmem>>, vector<16xi32>,
      tpu.vector_store %arg9[%swap3A_227], %masked_sort3A_223 {strides = array<i32>} : memref<2176xi32, #tpu.memory_space<vmem>>, vector<16xi32>,
      %lt3A_229 = arith.constant 1024 : i32
      %lt3A_230 = vector.broadcast %lt3A_229 : i32 to vector<16xi32>
      %lt3A_231 = arith.cmpi slt, %masked_sort3A_224, %lt3A_230 : vector<16xi32>
      %convert_element_type3A = arith.extui %lt3A_231 : vector<16xi1> to vector<16xi32>
      %reduce_sum3A = arith.constant true
      %reduce_sum3A_232 = vector.broadcast %reduce_sum3A : i1 to vector<16xi1>
      %reduce_sum3A_233 = tpu.scan <sum>, %convert_element_type3A masked %reduce_sum3A_232 : vector<16xi32>, vector<16xi1> -> vector<16xi32>
      %reduce_sum3A_234 = vector.extract %reduce_sum3A_233[15] : i32 from vector<16xi32>
      %add3A_235 = arith.addi %scan3A_172, %reduce_sum3A_234 : i32
      scf.yield %add3A_235 : i32
    }
    %scan3A_32 = arith.constant 128 : i32
    %iota3A = tpu.iota {dimensions = array<i32: 0>} : vector<16xi32>
    %add3A_33 = arith.constant 1024 : i32
    %add3A_34 = vector.broadcast %add3A_33 : i32 to vector<16xi32>
    %add3A_35 = arith.addi %add3A_34, %iota3A : vector<16xi32>
    %add3A_36 = arith.constant 0 : i32
    %add3A_37 = vector.broadcast %add3A_36 : i32 to vector<16xi32>
    %add3A_38 = arith.addi %add3A_35, %add3A_37 : vector<16xi32>
    %add3A_39 = arith.constant 0 : i32
    %add3A_40 = arith.addi %scan3A_31, %add3A_39 : i32
    %swap3A = arith.index_cast %add3A_40 : i32 to index
    %swap3A_41 = tpu.vector_load %arg10[%swap3A] {strides = array<i32>} : memref<2176xi32, #tpu.memory_space<vmem>>, vector<16xi32>,
    tpu.vector_store %arg10[%swap3A], %add3A_38 {strides = array<i32>} : memref<2176xi32, #tpu.memory_space<vmem>>, vector<16xi32>,
    %broadcast_in_dim3A = arith.constant 0 : i32
    %broadcast_in_dim3A_42 = vector.broadcast %broadcast_in_dim3A : i32 to vector<16xi32>
    %add3A_43 = arith.constant 0 : i32
    %add3A_44 = arith.addi %scan3A_31, %add3A_43 : i32
    %swap3A_45 = arith.index_cast %add3A_44 : i32 to index
    %swap3A_46 = tpu.vector_load %arg9[%swap3A_45] {strides = array<i32>} : memref<2176xi32, #tpu.memory_space<vmem>>, vector<16xi32>,
    tpu.vector_store %arg9[%swap3A_45], %broadcast_in_dim3A_42 {strides = array<i32>} : memref<2176xi32, #tpu.memory_space<vmem>>, vector<16xi32>,
    %add3A_47 = arith.constant 16 : i32
    %add3A_48 = vector.broadcast %add3A_47 : i32 to vector<16xi32>
    %add3A_49 = arith.addi %add3A_35, %add3A_48 : vector<16xi32>
    %add3A_50 = arith.constant 16 : i32
    %add3A_51 = arith.addi %scan3A_31, %add3A_50 : i32
    %swap3A_52 = arith.index_cast %add3A_51 : i32 to index
    %swap3A_53 = tpu.vector_load %arg10[%swap3A_52] {strides = array<i32>} : memref<2176xi32, #tpu.memory_space<vmem>>, vector<16xi32>,
    tpu.vector_store %arg10[%swap3A_52], %add3A_49 {strides = array<i32>} : memref<2176xi32, #tpu.memory_space<vmem>>, vector<16xi32>,
    %broadcast_in_dim3A_54 = arith.constant 0 : i32
    %broadcast_in_dim3A_55 = vector.broadcast %broadcast_in_dim3A_54 : i32 to vector<16xi32>
    %add3A_56 = arith.constant 16 : i32
    %add3A_57 = arith.addi %scan3A_31, %add3A_56 : i32
    %swap3A_58 = arith.index_cast %add3A_57 : i32 to index
    %swap3A_59 = tpu.vector_load %arg9[%swap3A_58] {strides = array<i32>} : memref<2176xi32, #tpu.memory_space<vmem>>, vector<16xi32>,
    tpu.vector_store %arg9[%swap3A_58], %broadcast_in_dim3A_55 {strides = array<i32>} : memref<2176xi32, #tpu.memory_space<vmem>>, vector<16xi32>,
    %add3A_60 = arith.constant 32 : i32
    %add3A_61 = vector.broadcast %add3A_60 : i32 to vector<16xi32>
    %add3A_62 = arith.addi %add3A_35, %add3A_61 : vector<16xi32>
    %add3A_63 = arith.constant 32 : i32
    %add3A_64 = arith.addi %scan3A_31, %add3A_63 : i32
    %swap3A_65 = arith.index_cast %add3A_64 : i32 to index
    %swap3A_66 = tpu.vector_load %arg10[%swap3A_65] {strides = array<i32>} : memref<2176xi32, #tpu.memory_space<vmem>>, vector<16xi32>,
    tpu.vector_store %arg10[%swap3A_65], %add3A_62 {strides = array<i32>} : memref<2176xi32, #tpu.memory_space<vmem>>, vector<16xi32>,
    %broadcast_in_dim3A_67 = arith.constant 0 : i32
    %broadcast_in_dim3A_68 = vector.broadcast %broadcast_in_dim3A_67 : i32 to vector<16xi32>
    %add3A_69 = arith.constant 32 : i32
    %add3A_70 = arith.addi %scan3A_31, %add3A_69 : i32
    %swap3A_71 = arith.index_cast %add3A_70 : i32 to index
    %swap3A_72 = tpu.vector_load %arg9[%swap3A_71] {strides = array<i32>} : memref<2176xi32, #tpu.memory_space<vmem>>, vector<16xi32>,
    tpu.vector_store %arg9[%swap3A_71], %broadcast_in_dim3A_68 {strides = array<i32>} : memref<2176xi32, #tpu.memory_space<vmem>>, vector<16xi32>,
    %add3A_73 = arith.constant 48 : i32
    %add3A_74 = vector.broadcast %add3A_73 : i32 to vector<16xi32>
    %add3A_75 = arith.addi %add3A_35, %add3A_74 : vector<16xi32>
    %add3A_76 = arith.constant 48 : i32
    %add3A_77 = arith.addi %scan3A_31, %add3A_76 : i32
    %swap3A_78 = arith.index_cast %add3A_77 : i32 to index
    %swap3A_79 = tpu.vector_load %arg10[%swap3A_78] {strides = array<i32>} : memref<2176xi32, #tpu.memory_space<vmem>>, vector<16xi32>,
    tpu.vector_store %arg10[%swap3A_78], %add3A_75 {strides = array<i32>} : memref<2176xi32, #tpu.memory_space<vmem>>, vector<16xi32>,
    %broadcast_in_dim3A_80 = arith.constant 0 : i32
    %broadcast_in_dim3A_81 = vector.broadcast %broadcast_in_dim3A_80 : i32 to vector<16xi32>
    %add3A_82 = arith.constant 48 : i32
    %add3A_83 = arith.addi %scan3A_31, %add3A_82 : i32
    %swap3A_84 = arith.index_cast %add3A_83 : i32 to index
    %swap3A_85 = tpu.vector_load %arg9[%swap3A_84] {strides = array<i32>} : memref<2176xi32, #tpu.memory_space<vmem>>, vector<16xi32>,
    tpu.vector_store %arg9[%swap3A_84], %broadcast_in_dim3A_81 {strides = array<i32>} : memref<2176xi32, #tpu.memory_space<vmem>>, vector<16xi32>,
    %add3A_86 = arith.constant 64 : i32
    %add3A_87 = vector.broadcast %add3A_86 : i32 to vector<16xi32>
    %add3A_88 = arith.addi %add3A_35, %add3A_87 : vector<16xi32>
    %add3A_89 = arith.constant 64 : i32
    %add3A_90 = arith.addi %scan3A_31, %add3A_89 : i32
    %swap3A_91 = arith.index_cast %add3A_90 : i32 to index
    %swap3A_92 = tpu.vector_load %arg10[%swap3A_91] {strides = array<i32>} : memref<2176xi32, #tpu.memory_space<vmem>>, vector<16xi32>,
    tpu.vector_store %arg10[%swap3A_91], %add3A_88 {strides = array<i32>} : memref<2176xi32, #tpu.memory_space<vmem>>, vector<16xi32>,
    %broadcast_in_dim3A_93 = arith.constant 0 : i32
    %broadcast_in_dim3A_94 = vector.broadcast %broadcast_in_dim3A_93 : i32 to vector<16xi32>
    %add3A_95 = arith.constant 64 : i32
    %add3A_96 = arith.addi %scan3A_31, %add3A_95 : i32
    %swap3A_97 = arith.index_cast %add3A_96 : i32 to index
    %swap3A_98 = tpu.vector_load %arg9[%swap3A_97] {strides = array<i32>} : memref<2176xi32, #tpu.memory_space<vmem>>, vector<16xi32>,
    tpu.vector_store %arg9[%swap3A_97], %broadcast_in_dim3A_94 {strides = array<i32>} : memref<2176xi32, #tpu.memory_space<vmem>>, vector<16xi32>,
    %add3A_99 = arith.constant 80 : i32
    %add3A_100 = vector.broadcast %add3A_99 : i32 to vector<16xi32>
    %add3A_101 = arith.addi %add3A_35, %add3A_100 : vector<16xi32>
    %add3A_102 = arith.constant 80 : i32
    %add3A_103 = arith.addi %scan3A_31, %add3A_102 : i32
    %swap3A_104 = arith.index_cast %add3A_103 : i32 to index
    %swap3A_105 = tpu.vector_load %arg10[%swap3A_104] {strides = array<i32>} : memref<2176xi32, #tpu.memory_space<vmem>>, vector<16xi32>,
    tpu.vector_store %arg10[%swap3A_104], %add3A_101 {strides = array<i32>} : memref<2176xi32, #tpu.memory_space<vmem>>, vector<16xi32>,
    %broadcast_in_dim3A_106 = arith.constant 0 : i32
    %broadcast_in_dim3A_107 = vector.broadcast %broadcast_in_dim3A_106 : i32 to vector<16xi32>
    %add3A_108 = arith.constant 80 : i32
    %add3A_109 = arith.addi %scan3A_31, %add3A_108 : i32
    %swap3A_110 = arith.index_cast %add3A_109 : i32 to index
    %swap3A_111 = tpu.vector_load %arg9[%swap3A_110] {strides = array<i32>} : memref<2176xi32, #tpu.memory_space<vmem>>, vector<16xi32>,
    tpu.vector_store %arg9[%swap3A_110], %broadcast_in_dim3A_107 {strides = array<i32>} : memref<2176xi32, #tpu.memory_space<vmem>>, vector<16xi32>,
    %add3A_112 = arith.constant 96 : i32
    %add3A_113 = vector.broadcast %add3A_112 : i32 to vector<16xi32>
    %add3A_114 = arith.addi %add3A_35, %add3A_113 : vector<16xi32>
    %add3A_115 = arith.constant 96 : i32
    %add3A_116 = arith.addi %scan3A_31, %add3A_115 : i32
    %swap3A_117 = arith.index_cast %add3A_116 : i32 to index
    %swap3A_118 = tpu.vector_load %arg10[%swap3A_117] {strides = array<i32>} : memref<2176xi32, #tpu.memory_space<vmem>>, vector<16xi32>,
    tpu.vector_store %arg10[%swap3A_117], %add3A_114 {strides = array<i32>} : memref<2176xi32, #tpu.memory_space<vmem>>, vector<16xi32>,
    %broadcast_in_dim3A_119 = arith.constant 0 : i32
    %broadcast_in_dim3A_120 = vector.broadcast %broadcast_in_dim3A_119 : i32 to vector<16xi32>
    %add3A_121 = arith.constant 96 : i32
    %add3A_122 = arith.addi %scan3A_31, %add3A_121 : i32
    %swap3A_123 = arith.index_cast %add3A_122 : i32 to index
    %swap3A_124 = tpu.vector_load %arg9[%swap3A_123] {strides = array<i32>} : memref<2176xi32, #tpu.memory_space<vmem>>, vector<16xi32>,
    tpu.vector_store %arg9[%swap3A_123], %broadcast_in_dim3A_120 {strides = array<i32>} : memref<2176xi32, #tpu.memory_space<vmem>>, vector<16xi32>,
    %add3A_125 = arith.constant 112 : i32
    %add3A_126 = vector.broadcast %add3A_125 : i32 to vector<16xi32>
    %add3A_127 = arith.addi %add3A_35, %add3A_126 : vector<16xi32>
    %add3A_128 = arith.constant 112 : i32
    %add3A_129 = arith.addi %scan3A_31, %add3A_128 : i32
    %swap3A_130 = arith.index_cast %add3A_129 : i32 to index
    %swap3A_131 = tpu.vector_load %arg10[%swap3A_130] {strides = array<i32>} : memref<2176xi32, #tpu.memory_space<vmem>>, vector<16xi32>,
    tpu.vector_store %arg10[%swap3A_130], %add3A_127 {strides = array<i32>} : memref<2176xi32, #tpu.memory_space<vmem>>, vector<16xi32>,
    %broadcast_in_dim3A_132 = arith.constant 0 : i32
    %broadcast_in_dim3A_133 = vector.broadcast %broadcast_in_dim3A_132 : i32 to vector<16xi32>
    %add3A_134 = arith.constant 112 : i32
    %add3A_135 = arith.addi %scan3A_31, %add3A_134 : i32
    %swap3A_136 = arith.index_cast %add3A_135 : i32 to index
    %swap3A_137 = tpu.vector_load %arg9[%swap3A_136] {strides = array<i32>} : memref<2176xi32, #tpu.memory_space<vmem>>, vector<16xi32>,
    tpu.vector_store %arg9[%swap3A_136], %broadcast_in_dim3A_133 {strides = array<i32>} : memref<2176xi32, #tpu.memory_space<vmem>>, vector<16xi32>,
    %add3A_138 = arith.constant 128 : i32
    %add3A_139 = arith.addi %scan3A_31, %add3A_138 : i32
    %sub3A = arith.constant 1 : i32
    %sub3A_140 = arith.subi %add3A_139, %sub3A : i32
    %jit3A = arith.constant 128 : i32
    %div3A = arith.divsi %sub3A_140, %jit3A : i32
    %sign3A = arith.constant 0 : i32
    %sign3A_141 = arith.cmpi sgt, %sub3A_140, %sign3A : i32
    %sign3A_142 = arith.extui %sign3A_141 : i1 to i32
    %sign3A_143 = arith.constant 0 : i32
    %sign3A_144 = arith.cmpi slt, %sub3A_140, %sign3A_143 : i32
    %sign3A_145 = arith.extui %sign3A_144 : i1 to i32
    %sign3A_146 = arith.subi %sign3A_142, %sign3A_145 : i32
    %sign3A_147 = arith.constant 0 : i32
    %sign3A_148 = arith.cmpi sgt, %jit3A, %sign3A_147 : i32
    %sign3A_149 = arith.extui %sign3A_148 : i1 to i32
    %sign3A_150 = arith.constant 0 : i32
    %sign3A_151 = arith.cmpi slt, %jit3A, %sign3A_150 : i32
    %sign3A_152 = arith.extui %sign3A_151 : i1 to i32
    %sign3A_153 = arith.subi %sign3A_149, %sign3A_152 : i32
    %ne3A = arith.cmpi ne, %sign3A_146, %sign3A_153 : i32
    %rem3A = arith.remsi %sub3A_140, %jit3A : i32
    %ne3A_154 = arith.constant 0 : i32
    %ne3A_155 = arith.cmpi ne, %rem3A, %ne3A_154 : i32
    %and3A = arith.andi %ne3A, %ne3A_155 : i1
    %sub3A_156 = arith.constant 1 : i32
    %sub3A_157 = arith.subi %div3A, %sub3A_156 : i32
    %select_n3A = arith.select %and3A, %sub3A_157, %div3A : i32
    %max3A = arith.constant 1 : i32
    %max3A_158 = arith.maxsi %select_n3A, %max3A : i32
    %while3A = arith.constant 0 : i32
    %while3A_159 = arith.constant 0 : i32
    %while3A_160 = arith.subi %max3A_158, %while3A_159 : i32
    %while3A_161 = arith.addi %while3A_159, %while3A_160 : i32
    %while3A_162 = arith.constant 1 : i32
    %while3A_163 = arith.divsi %while3A_160, %while3A_162 : i32
    %while3A_164 = arith.muli %while3A_163, %while3A_162 : i32
    %while3A_165 = arith.addi %while3A_159, %while3A_164 : i32
    %while3A_166 = arith.constant 1 : i32
    scf.for %while3A_171 = %while3A_159 to %while3A_165 step %while3A_166  : i32 {
      %mul3A_172 = arith.constant 128 : i32
      %mul3A_173 = arith.muli %while3A_171, %mul3A_172 : i32
      "tpu.region"() ({
        %run_scoped3A = tpu.sem_alloc : memref<!tpu.dma_semaphore, #tpu.memory_space<semaphore_mem>>
        %dma_start3A = tpu.memref_slice %arg9[%mul3A_173] : memref<2176xi32, #tpu.memory_space<vmem>> -> memref<128xi32, #tpu.memory_space<vmem>>
        %dma_start3A_180 = arith.constant 0 : i32
        %dma_start3A_181 = arith.constant 0 : i32
        %dma_start3A_182 = tpu.memref_slice %arg2[%dma_start3A_180, %dma_start3A_181] : memref<2048x128xf32, #tpu.memory_space<hbm>> -> memref<2048x128xf32, #tpu.memory_space<hbm>>
        tpu.enqueue_indirect_dma source(%dma_start3A_182 : memref<2048x128xf32, #tpu.memory_space<hbm>>) target(%arg11 : memref<128x128xf32, #tpu.memory_space<vmem>>) offsets(%dma_start3A : memref<128xi32, #tpu.memory_space<vmem>>) semaphore(%run_scoped3A : memref<!tpu.dma_semaphore, #tpu.memory_space<semaphore_mem>>)
        %dma_wait3A = tpu.memref_slice %arg9[%mul3A_173] : memref<2176xi32, #tpu.memory_space<vmem>> -> memref<128xi32, #tpu.memory_space<vmem>>
        %dma_wait3A_183 = arith.constant 0 : i32
        %dma_wait3A_184 = arith.constant 0 : i32
        %dma_wait3A_185 = tpu.memref_slice %arg2[%dma_wait3A_183, %dma_wait3A_184] : memref<2048x128xf32, #tpu.memory_space<hbm>> -> memref<2048x128xf32, #tpu.memory_space<hbm>>
        tpu.wait_indirect_dma semaphore(%run_scoped3A : memref<!tpu.dma_semaphore, #tpu.memory_space<semaphore_mem>>) src(%dma_wait3A_185 : memref<2048x128xf32, #tpu.memory_space<hbm>>) dst(%arg11 : memref<128x128xf32, #tpu.memory_space<vmem>>)
        tpu.yield
      }) : () -> ()
      %mul3A_174 = arith.constant 128 : i32
      %mul3A_175 = arith.muli %while3A_171, %mul3A_174 : i32
      "tpu.region"() ({
        %run_scoped3A = tpu.sem_alloc : memref<!tpu.dma_semaphore, #tpu.memory_space<semaphore_mem>>
        %dma_start3A = tpu.memref_slice %arg10[%mul3A_175] : memref<2176xi32, #tpu.memory_space<vmem>> -> memref<128xi32, #tpu.memory_space<vmem>>
        %dma_start3A_180 = arith.constant 0 : i32
        %dma_start3A_181 = arith.constant 0 : i32
        %dma_start3A_182 = tpu.memref_slice %arg14[%dma_start3A_180, %dma_start3A_181] : memref<1536x128xf32, #tpu.memory_space<vmem_shared>> -> memref<1536x128xf32, #tpu.memory_space<vmem_shared>>
        tpu.enqueue_indirect_dma source(%arg11 : memref<128x128xf32, #tpu.memory_space<vmem>>) target(%dma_start3A_182 : memref<1536x128xf32, #tpu.memory_space<vmem_shared>>) offsets(%dma_start3A : memref<128xi32, #tpu.memory_space<vmem>>) semaphore(%run_scoped3A : memref<!tpu.dma_semaphore, #tpu.memory_space<semaphore_mem>>) {add = true}
        %dma_wait3A = tpu.memref_slice %arg10[%mul3A_175] : memref<2176xi32, #tpu.memory_space<vmem>> -> memref<128xi32, #tpu.memory_space<vmem>>
        %dma_wait3A_183 = arith.constant 0 : i32
        %dma_wait3A_184 = arith.constant 0 : i32
        %dma_wait3A_185 = tpu.memref_slice %arg14[%dma_wait3A_183, %dma_wait3A_184] : memref<1536x128xf32, #tpu.memory_space<vmem_shared>> -> memref<1536x128xf32, #tpu.memory_space<vmem_shared>>
        tpu.wait_indirect_dma semaphore(%run_scoped3A : memref<!tpu.dma_semaphore, #tpu.memory_space<semaphore_mem>>) src(%arg11 : memref<128x128xf32, #tpu.memory_space<vmem>>) dst(%dma_wait3A_185 : memref<1536x128xf32, #tpu.memory_space<vmem_shared>>)
        tpu.yield
      }) : () -> ()
      %mul3A_176 = arith.constant 128 : i32
      %mul3A_177 = arith.muli %while3A_171, %mul3A_176 : i32
      %add3A_178 = arith.constant 0 : i32
      %add3A_179 = arith.addi %mul3A_177, %add3A_178 : i32
      "tpu.region"() ({
        %run_scoped3A = tpu.sem_alloc : memref<!tpu.dma_semaphore, #tpu.memory_space<semaphore_mem>>
        %dma_start3A = tpu.memref_slice %arg10[%add3A_179] : memref<2176xi32, #tpu.memory_space<vmem>> -> memref<128xi32, #tpu.memory_space<vmem>>
        %dma_start3A_180 = arith.constant 0 : i32
        %dma_start3A_181 = arith.constant 0 : i32
        %dma_start3A_182 = tpu.memref_slice %arg15[%dma_start3A_180, %dma_start3A_181] : memref<1536x128xf32, #tpu.memory_space<vmem_shared>> -> memref<1536x128xf32, #tpu.memory_space<vmem_shared>>
        tpu.enqueue_indirect_dma source(%arg12 : memref<128x128xf32, #tpu.memory_space<vmem>>) target(%dma_start3A_182 : memref<1536x128xf32, #tpu.memory_space<vmem_shared>>) offsets(%dma_start3A : memref<128xi32, #tpu.memory_space<vmem>>) semaphore(%run_scoped3A : memref<!tpu.dma_semaphore, #tpu.memory_space<semaphore_mem>>) {add = true}
        %dma_wait3A = tpu.memref_slice %arg10[%add3A_179] : memref<2176xi32, #tpu.memory_space<vmem>> -> memref<128xi32, #tpu.memory_space<vmem>>
        %dma_wait3A_183 = arith.constant 0 : i32
        %dma_wait3A_184 = arith.constant 0 : i32
        %dma_wait3A_185 = tpu.memref_slice %arg15[%dma_wait3A_183, %dma_wait3A_184] : memref<1536x128xf32, #tpu.memory_space<vmem_shared>> -> memref<1536x128xf32, #tpu.memory_space<vmem_shared>>
        tpu.wait_indirect_dma semaphore(%run_scoped3A : memref<!tpu.dma_semaphore, #tpu.memory_space<semaphore_mem>>) src(%arg12 : memref<128x128xf32, #tpu.memory_space<vmem>>) dst(%dma_wait3A_185 : memref<1536x128xf32, #tpu.memory_space<vmem_shared>>)
        tpu.yield
      }) : () -> ()
    }
    %while3A_167 = arith.constant 1 : i32
    scf.for %while3A_171 = %while3A_165 to %while3A_161 step %while3A_167  : i32 {
      %mul3A_172 = arith.constant 128 : i32
      %mul3A_173 = arith.muli %while3A_171, %mul3A_172 : i32
      "tpu.region"() ({
        %run_scoped3A = tpu.sem_alloc : memref<!tpu.dma_semaphore, #tpu.memory_space<semaphore_mem>>
        %dma_start3A = tpu.memref_slice %arg9[%mul3A_173] : memref<2176xi32, #tpu.memory_space<vmem>> -> memref<128xi32, #tpu.memory_space<vmem>>
        %dma_start3A_180 = arith.constant 0 : i32
        %dma_start3A_181 = arith.constant 0 : i32
        %dma_start3A_182 = tpu.memref_slice %arg2[%dma_start3A_180, %dma_start3A_181] : memref<2048x128xf32, #tpu.memory_space<hbm>> -> memref<2048x128xf32, #tpu.memory_space<hbm>>
        tpu.enqueue_indirect_dma source(%dma_start3A_182 : memref<2048x128xf32, #tpu.memory_space<hbm>>) target(%arg11 : memref<128x128xf32, #tpu.memory_space<vmem>>) offsets(%dma_start3A : memref<128xi32, #tpu.memory_space<vmem>>) semaphore(%run_scoped3A : memref<!tpu.dma_semaphore, #tpu.memory_space<semaphore_mem>>)
        %dma_wait3A = tpu.memref_slice %arg9[%mul3A_173] : memref<2176xi32, #tpu.memory_space<vmem>> -> memref<128xi32, #tpu.memory_space<vmem>>
        %dma_wait3A_183 = arith.constant 0 : i32
        %dma_wait3A_184 = arith.constant 0 : i32
        %dma_wait3A_185 = tpu.memref_slice %arg2[%dma_wait3A_183, %dma_wait3A_184] : memref<2048x128xf32, #tpu.memory_space<hbm>> -> memref<2048x128xf32, #tpu.memory_space<hbm>>
        tpu.wait_indirect_dma semaphore(%run_scoped3A : memref<!tpu.dma_semaphore, #tpu.memory_space<semaphore_mem>>) src(%dma_wait3A_185 : memref<2048x128xf32, #tpu.memory_space<hbm>>) dst(%arg11 : memref<128x128xf32, #tpu.memory_space<vmem>>)
        tpu.yield
      }) : () -> ()
      %mul3A_174 = arith.constant 128 : i32
      %mul3A_175 = arith.muli %while3A_171, %mul3A_174 : i32
      "tpu.region"() ({
        %run_scoped3A = tpu.sem_alloc : memref<!tpu.dma_semaphore, #tpu.memory_space<semaphore_mem>>
        %dma_start3A = tpu.memref_slice %arg10[%mul3A_175] : memref<2176xi32, #tpu.memory_space<vmem>> -> memref<128xi32, #tpu.memory_space<vmem>>
        %dma_start3A_180 = arith.constant 0 : i32
        %dma_start3A_181 = arith.constant 0 : i32
        %dma_start3A_182 = tpu.memref_slice %arg14[%dma_start3A_180, %dma_start3A_181] : memref<1536x128xf32, #tpu.memory_space<vmem_shared>> -> memref<1536x128xf32, #tpu.memory_space<vmem_shared>>
        tpu.enqueue_indirect_dma source(%arg11 : memref<128x128xf32, #tpu.memory_space<vmem>>) target(%dma_start3A_182 : memref<1536x128xf32, #tpu.memory_space<vmem_shared>>) offsets(%dma_start3A : memref<128xi32, #tpu.memory_space<vmem>>) semaphore(%run_scoped3A : memref<!tpu.dma_semaphore, #tpu.memory_space<semaphore_mem>>) {add = true}
        %dma_wait3A = tpu.memref_slice %arg10[%mul3A_175] : memref<2176xi32, #tpu.memory_space<vmem>> -> memref<128xi32, #tpu.memory_space<vmem>>
        %dma_wait3A_183 = arith.constant 0 : i32
        %dma_wait3A_184 = arith.constant 0 : i32
        %dma_wait3A_185 = tpu.memref_slice %arg14[%dma_wait3A_183, %dma_wait3A_184] : memref<1536x128xf32, #tpu.memory_space<vmem_shared>> -> memref<1536x128xf32, #tpu.memory_space<vmem_shared>>
        tpu.wait_indirect_dma semaphore(%run_scoped3A : memref<!tpu.dma_semaphore, #tpu.memory_space<semaphore_mem>>) src(%arg11 : memref<128x128xf32, #tpu.memory_space<vmem>>) dst(%dma_wait3A_185 : memref<1536x128xf32, #tpu.memory_space<vmem_shared>>)
        tpu.yield
      }) : () -> ()
      %mul3A_176 = arith.constant 128 : i32
      %mul3A_177 = arith.muli %while3A_171, %mul3A_176 : i32
      %add3A_178 = arith.constant 0 : i32
      %add3A_179 = arith.addi %mul3A_177, %add3A_178 : i32
      "tpu.region"() ({
        %run_scoped3A = tpu.sem_alloc : memref<!tpu.dma_semaphore, #tpu.memory_space<semaphore_mem>>
        %dma_start3A = tpu.memref_slice %arg10[%add3A_179] : memref<2176xi32, #tpu.memory_space<vmem>> -> memref<128xi32, #tpu.memory_space<vmem>>
        %dma_start3A_180 = arith.constant 0 : i32
        %dma_start3A_181 = arith.constant 0 : i32
        %dma_start3A_182 = tpu.memref_slice %arg15[%dma_start3A_180, %dma_start3A_181] : memref<1536x128xf32, #tpu.memory_space<vmem_shared>> -> memref<1536x128xf32, #tpu.memory_space<vmem_shared>>
        tpu.enqueue_indirect_dma source(%arg12 : memref<128x128xf32, #tpu.memory_space<vmem>>) target(%dma_start3A_182 : memref<1536x128xf32, #tpu.memory_space<vmem_shared>>) offsets(%dma_start3A : memref<128xi32, #tpu.memory_space<vmem>>) semaphore(%run_scoped3A : memref<!tpu.dma_semaphore, #tpu.memory_space<semaphore_mem>>) {add = true}
        %dma_wait3A = tpu.memref_slice %arg10[%add3A_179] : memref<2176xi32, #tpu.memory_space<vmem>> -> memref<128xi32, #tpu.memory_space<vmem>>
        %dma_wait3A_183 = arith.constant 0 : i32
        %dma_wait3A_184 = arith.constant 0 : i32
        %dma_wait3A_185 = tpu.memref_slice %arg15[%dma_wait3A_183, %dma_wait3A_184] : memref<1536x128xf32, #tpu.memory_space<vmem_shared>> -> memref<1536x128xf32, #tpu.memory_space<vmem_shared>>
        tpu.wait_indirect_dma semaphore(%run_scoped3A : memref<!tpu.dma_semaphore, #tpu.memory_space<semaphore_mem>>) src(%arg12 : memref<128x128xf32, #tpu.memory_space<vmem>>) dst(%dma_wait3A_185 : memref<1536x128xf32, #tpu.memory_space<vmem_shared>>)
        tpu.yield
      }) : () -> ()
    }
    %barrier3A_168 = arith.constant 0 : index
    tpu.barrier barrier_id(%barrier3A_168)
    %mul3A_169 = arith.constant 64 : i32
    %mul3A_170 = arith.muli %arg1, %mul3A_169 : i32
    "tpu.region"() ({
      %run_scoped3A = tpu.sem_alloc : memref<!tpu.dma_semaphore, #tpu.memory_space<semaphore_mem>>
      %dma_start3A = arith.constant 0 : i32
      %dma_start3A_171 = tpu.memref_slice %arg5[%arg0, %mul3A_170, %dma_start3A] : memref<2x1024x128xf32, #tpu.memory_space<hbm>> -> memref<1x64x128xf32, #tpu.memory_space<hbm>>
      %dma_start3A_172 = tpu.memref_squeeze %dma_start3A_171 : memref<1x64x128xf32, #tpu.memory_space<hbm>> -> memref<64x128xf32, #tpu.memory_space<hbm>>
      %dma_start3A_173 = arith.constant 0 : i32
      %dma_start3A_174 = tpu.memref_slice %arg14[%mul3A_170, %dma_start3A_173] : memref<1536x128xf32, #tpu.memory_space<vmem_shared>> -> memref<64x128xf32, #tpu.memory_space<vmem_shared>>
      tpu.enqueue_dma source(%dma_start3A_174 : memref<64x128xf32, #tpu.memory_space<vmem_shared>>) target(%dma_start3A_172 : memref<64x128xf32, #tpu.memory_space<hbm>>) target_semaphore(%run_scoped3A : memref<!tpu.dma_semaphore, #tpu.memory_space<semaphore_mem>>)
      %dma_wait3A = arith.constant 0 : i32
      %dma_wait3A_175 = tpu.memref_slice %arg5[%arg0, %mul3A_170, %dma_wait3A] : memref<2x1024x128xf32, #tpu.memory_space<hbm>> -> memref<1x64x128xf32, #tpu.memory_space<hbm>>
      %dma_wait3A_176 = tpu.memref_squeeze %dma_wait3A_175 : memref<1x64x128xf32, #tpu.memory_space<hbm>> -> memref<64x128xf32, #tpu.memory_space<hbm>>
      %dma_wait3A_177 = arith.constant 0 : i32
      %dma_wait3A_178 = tpu.memref_slice %arg14[%mul3A_170, %dma_wait3A_177] : memref<1536x128xf32, #tpu.memory_space<vmem_shared>> -> memref<64x128xf32, #tpu.memory_space<vmem_shared>>
      tpu.wait_dma2 semaphore(%run_scoped3A : memref<!tpu.dma_semaphore, #tpu.memory_space<semaphore_mem>>) src(%dma_wait3A_178 : memref<64x128xf32, #tpu.memory_space<vmem_shared>>) dst(%dma_wait3A_176 : memref<64x128xf32, #tpu.memory_space<hbm>>)
      tpu.yield
    }) : () -> ()
    "tpu.region"() ({
      %run_scoped3A = tpu.sem_alloc : memref<!tpu.dma_semaphore, #tpu.memory_space<semaphore_mem>>
      %dma_start3A = arith.constant 0 : i32
      %dma_start3A_171 = tpu.memref_slice %arg6[%arg0, %mul3A_170, %dma_start3A] : memref<2x1024x128xf32, #tpu.memory_space<hbm>> -> memref<1x64x128xf32, #tpu.memory_space<hbm>>
      %dma_start3A_172 = tpu.memref_squeeze %dma_start3A_171 : memref<1x64x128xf32, #tpu.memory_space<hbm>> -> memref<64x128xf32, #tpu.memory_space<hbm>>
      %dma_start3A_173 = arith.constant 0 : i32
      %dma_start3A_174 = tpu.memref_slice %arg15[%mul3A_170, %dma_start3A_173] : memref<1536x128xf32, #tpu.memory_space<vmem_shared>> -> memref<64x128xf32, #tpu.memory_space<vmem_shared>>
      tpu.enqueue_dma source(%dma_start3A_174 : memref<64x128xf32, #tpu.memory_space<vmem_shared>>) target(%dma_start3A_172 : memref<64x128xf32, #tpu.memory_space<hbm>>) target_semaphore(%run_scoped3A : memref<!tpu.dma_semaphore, #tpu.memory_space<semaphore_mem>>)
      %dma_wait3A = arith.constant 0 : i32
      %dma_wait3A_175 = tpu.memref_slice %arg6[%arg0, %mul3A_170, %dma_wait3A] : memref<2x1024x128xf32, #tpu.memory_space<hbm>> -> memref<1x64x128xf32, #tpu.memory_space<hbm>>
      %dma_wait3A_176 = tpu.memref_squeeze %dma_wait3A_175 : memref<1x64x128xf32, #tpu.memory_space<hbm>> -> memref<64x128xf32, #tpu.memory_space<hbm>>
      %dma_wait3A_177 = arith.constant 0 : i32
      %dma_wait3A_178 = tpu.memref_slice %arg15[%mul3A_170, %dma_wait3A_177] : memref<1536x128xf32, #tpu.memory_space<vmem_shared>> -> memref<64x128xf32, #tpu.memory_space<vmem_shared>>
      tpu.wait_dma2 semaphore(%run_scoped3A : memref<!tpu.dma_semaphore, #tpu.memory_space<semaphore_mem>>) src(%dma_wait3A_178 : memref<64x128xf32, #tpu.memory_space<vmem_shared>>) dst(%dma_wait3A_176 : memref<64x128xf32, #tpu.memory_space<hbm>>)
      tpu.yield
    }) : () -> ()
    return
  }
}

#map = affine_map<(d0, d1) -> (0, 0)>
#map1 = affine_map<(d0, d1) -> (0, 0, 0)>
module attributes {stable_mosaic.version = 14 : i64} {
  func.func @seg(%arg0: i32, %arg1: i32, %arg2: memref<50000x128xf32, #tpu.memory_space<hbm>>, %arg3: memref<32x79x128xi32, #tpu.memory_space<hbm>>, %arg4: memref<32x79x128xi32, #tpu.memory_space<hbm>>, %arg5: memref<2x2048x128xf32, #tpu.memory_space<hbm>>, %arg6: memref<2x2048x128xf32, #tpu.memory_space<hbm>>, %arg7: memref<79x128xi32, #tpu.memory_space<vmem>>, %arg8: memref<79x128xi32, #tpu.memory_space<vmem>>, %arg9: memref<10240xi32, #tpu.memory_space<vmem>>, %arg10: memref<10240xi32, #tpu.memory_space<vmem>>, %arg11: memref<128x128xf32, #tpu.memory_space<vmem>>, %arg12: memref<128x128xf32, #tpu.memory_space<vmem>>, %arg13: memref<32x128xf32, #tpu.memory_space<vmem>>, %arg14: memref<2560x128xf32, #tpu.memory_space<vmem_shared>>, %arg15: memref<2560x128xf32, #tpu.memory_space<vmem_shared>>) attributes {dimension_semantics = [#tpu.dimension_semantics<core_parallel>, #tpu.dimension_semantics<subcore_parallel>], iteration_bounds = array<i64: 2, 16>, scalar_prefetch = 0 : i64, scratch_operands = 9 : i64, tpu.core_type = #tpu.core_type<sc_vector_subcore>, window_params = [{transform_indices = #map}, {transform_indices = #map1}, {transform_indices = #map1}, {transform_indices = #map1}, {transform_indices = #map1}]} {
    %mul3A = arith.constant 16 : i32
    %mul3A_0 = arith.muli %arg0, %mul3A : i32
    %add3A = arith.addi %mul3A_0, %arg1 : i32
    %scan3A = arith.constant 0 : i32
    %scan3A_1 = arith.constant 0 : i32
    %scan3A_2 = arith.constant 32 : i32
    %scan3A_3 = arith.addi %scan3A_1, %scan3A_2 : i32
    %scan3A_4 = arith.constant 1 : i32
    scf.for %scan3A_179 = %scan3A_1 to %scan3A_3 step %scan3A_4  : i32 {
      %broadcast_in_dim3A_180 = arith.constant 0.000000e+00 : f32
      %broadcast_in_dim3A_181 = vector.broadcast %broadcast_in_dim3A_180 : f32 to vector<16xf32>
      %swap3A_182 = arith.index_cast %scan3A_179 : i32 to index
      %swap3A_183 = arith.constant 0 : index
      %swap3A_184 = tpu.vector_load %arg13[%swap3A_182, %swap3A_183] {strides = array<i32>} : memref<32x128xf32, #tpu.memory_space<vmem>>, vector<16xf32>,
      tpu.vector_store %arg13[%swap3A_182, %swap3A_183], %broadcast_in_dim3A_181 {strides = array<i32>} : memref<32x128xf32, #tpu.memory_space<vmem>>, vector<16xf32>,
      %broadcast_in_dim3A_185 = arith.constant 0.000000e+00 : f32
      %broadcast_in_dim3A_186 = vector.broadcast %broadcast_in_dim3A_185 : f32 to vector<16xf32>
      %swap3A_187 = arith.index_cast %scan3A_179 : i32 to index
      %swap3A_188 = arith.constant 16 : index
      %swap3A_189 = tpu.vector_load %arg13[%swap3A_187, %swap3A_188] {strides = array<i32>} : memref<32x128xf32, #tpu.memory_space<vmem>>, vector<16xf32>,
      tpu.vector_store %arg13[%swap3A_187, %swap3A_188], %broadcast_in_dim3A_186 {strides = array<i32>} : memref<32x128xf32, #tpu.memory_space<vmem>>, vector<16xf32>,
      %broadcast_in_dim3A_190 = arith.constant 0.000000e+00 : f32
      %broadcast_in_dim3A_191 = vector.broadcast %broadcast_in_dim3A_190 : f32 to vector<16xf32>
      %swap3A_192 = arith.index_cast %scan3A_179 : i32 to index
      %swap3A_193 = arith.constant 32 : index
      %swap3A_194 = tpu.vector_load %arg13[%swap3A_192, %swap3A_193] {strides = array<i32>} : memref<32x128xf32, #tpu.memory_space<vmem>>, vector<16xf32>,
      tpu.vector_store %arg13[%swap3A_192, %swap3A_193], %broadcast_in_dim3A_191 {strides = array<i32>} : memref<32x128xf32, #tpu.memory_space<vmem>>, vector<16xf32>,
      %broadcast_in_dim3A_195 = arith.constant 0.000000e+00 : f32
      %broadcast_in_dim3A_196 = vector.broadcast %broadcast_in_dim3A_195 : f32 to vector<16xf32>
      %swap3A_197 = arith.index_cast %scan3A_179 : i32 to index
      %swap3A_198 = arith.constant 48 : index
      %swap3A_199 = tpu.vector_load %arg13[%swap3A_197, %swap3A_198] {strides = array<i32>} : memref<32x128xf32, #tpu.memory_space<vmem>>, vector<16xf32>,
      tpu.vector_store %arg13[%swap3A_197, %swap3A_198], %broadcast_in_dim3A_196 {strides = array<i32>} : memref<32x128xf32, #tpu.memory_space<vmem>>, vector<16xf32>,
      %broadcast_in_dim3A_200 = arith.constant 0.000000e+00 : f32
      %broadcast_in_dim3A_201 = vector.broadcast %broadcast_in_dim3A_200 : f32 to vector<16xf32>
      %swap3A_202 = arith.index_cast %scan3A_179 : i32 to index
      %swap3A_203 = arith.constant 64 : index
      %swap3A_204 = tpu.vector_load %arg13[%swap3A_202, %swap3A_203] {strides = array<i32>} : memref<32x128xf32, #tpu.memory_space<vmem>>, vector<16xf32>,
      tpu.vector_store %arg13[%swap3A_202, %swap3A_203], %broadcast_in_dim3A_201 {strides = array<i32>} : memref<32x128xf32, #tpu.memory_space<vmem>>, vector<16xf32>,
      %broadcast_in_dim3A_205 = arith.constant 0.000000e+00 : f32
      %broadcast_in_dim3A_206 = vector.broadcast %broadcast_in_dim3A_205 : f32 to vector<16xf32>
      %swap3A_207 = arith.index_cast %scan3A_179 : i32 to index
      %swap3A_208 = arith.constant 80 : index
      %swap3A_209 = tpu.vector_load %arg13[%swap3A_207, %swap3A_208] {strides = array<i32>} : memref<32x128xf32, #tpu.memory_space<vmem>>, vector<16xf32>,
      tpu.vector_store %arg13[%swap3A_207, %swap3A_208], %broadcast_in_dim3A_206 {strides = array<i32>} : memref<32x128xf32, #tpu.memory_space<vmem>>, vector<16xf32>,
      %broadcast_in_dim3A_210 = arith.constant 0.000000e+00 : f32
      %broadcast_in_dim3A_211 = vector.broadcast %broadcast_in_dim3A_210 : f32 to vector<16xf32>
      %swap3A_212 = arith.index_cast %scan3A_179 : i32 to index
      %swap3A_213 = arith.constant 96 : index
      %swap3A_214 = tpu.vector_load %arg13[%swap3A_212, %swap3A_213] {strides = array<i32>} : memref<32x128xf32, #tpu.memory_space<vmem>>, vector<16xf32>,
      tpu.vector_store %arg13[%swap3A_212, %swap3A_213], %broadcast_in_dim3A_211 {strides = array<i32>} : memref<32x128xf32, #tpu.memory_space<vmem>>, vector<16xf32>,
      %broadcast_in_dim3A_215 = arith.constant 0.000000e+00 : f32
      %broadcast_in_dim3A_216 = vector.broadcast %broadcast_in_dim3A_215 : f32 to vector<16xf32>
      %swap3A_217 = arith.index_cast %scan3A_179 : i32 to index
      %swap3A_218 = arith.constant 112 : index
      %swap3A_219 = tpu.vector_load %arg13[%swap3A_217, %swap3A_218] {strides = array<i32>} : memref<32x128xf32, #tpu.memory_space<vmem>>, vector<16xf32>,
      tpu.vector_store %arg13[%swap3A_217, %swap3A_218], %broadcast_in_dim3A_216 {strides = array<i32>} : memref<32x128xf32, #tpu.memory_space<vmem>>, vector<16xf32>,
    }
    %scan3A_5 = arith.constant 32 : i32
    %scan3A_6 = arith.constant 0 : i32
    %scan3A_7 = arith.constant 0 : i32
    %scan3A_8 = arith.constant 128 : i32
    %scan3A_9 = arith.addi %scan3A_7, %scan3A_8 : i32
    %scan3A_10 = arith.constant 1 : i32
    scf.for %scan3A_179 = %scan3A_7 to %scan3A_9 step %scan3A_10  : i32 {
      %broadcast_in_dim3A_180 = arith.constant 1.000000e+00 : f32
      %broadcast_in_dim3A_181 = vector.broadcast %broadcast_in_dim3A_180 : f32 to vector<16xf32>
      %swap3A_182 = arith.index_cast %scan3A_179 : i32 to index
      %swap3A_183 = arith.constant 0 : index
      %swap3A_184 = tpu.vector_load %arg12[%swap3A_182, %swap3A_183] {strides = array<i32>} : memref<128x128xf32, #tpu.memory_space<vmem>>, vector<16xf32>,
      tpu.vector_store %arg12[%swap3A_182, %swap3A_183], %broadcast_in_dim3A_181 {strides = array<i32>} : memref<128x128xf32, #tpu.memory_space<vmem>>, vector<16xf32>,
      %broadcast_in_dim3A_185 = arith.constant 1.000000e+00 : f32
      %broadcast_in_dim3A_186 = vector.broadcast %broadcast_in_dim3A_185 : f32 to vector<16xf32>
      %swap3A_187 = arith.index_cast %scan3A_179 : i32 to index
      %swap3A_188 = arith.constant 16 : index
      %swap3A_189 = tpu.vector_load %arg12[%swap3A_187, %swap3A_188] {strides = array<i32>} : memref<128x128xf32, #tpu.memory_space<vmem>>, vector<16xf32>,
      tpu.vector_store %arg12[%swap3A_187, %swap3A_188], %broadcast_in_dim3A_186 {strides = array<i32>} : memref<128x128xf32, #tpu.memory_space<vmem>>, vector<16xf32>,
      %broadcast_in_dim3A_190 = arith.constant 1.000000e+00 : f32
      %broadcast_in_dim3A_191 = vector.broadcast %broadcast_in_dim3A_190 : f32 to vector<16xf32>
      %swap3A_192 = arith.index_cast %scan3A_179 : i32 to index
      %swap3A_193 = arith.constant 32 : index
      %swap3A_194 = tpu.vector_load %arg12[%swap3A_192, %swap3A_193] {strides = array<i32>} : memref<128x128xf32, #tpu.memory_space<vmem>>, vector<16xf32>,
      tpu.vector_store %arg12[%swap3A_192, %swap3A_193], %broadcast_in_dim3A_191 {strides = array<i32>} : memref<128x128xf32, #tpu.memory_space<vmem>>, vector<16xf32>,
      %broadcast_in_dim3A_195 = arith.constant 1.000000e+00 : f32
      %broadcast_in_dim3A_196 = vector.broadcast %broadcast_in_dim3A_195 : f32 to vector<16xf32>
      %swap3A_197 = arith.index_cast %scan3A_179 : i32 to index
      %swap3A_198 = arith.constant 48 : index
      %swap3A_199 = tpu.vector_load %arg12[%swap3A_197, %swap3A_198] {strides = array<i32>} : memref<128x128xf32, #tpu.memory_space<vmem>>, vector<16xf32>,
      tpu.vector_store %arg12[%swap3A_197, %swap3A_198], %broadcast_in_dim3A_196 {strides = array<i32>} : memref<128x128xf32, #tpu.memory_space<vmem>>, vector<16xf32>,
      %broadcast_in_dim3A_200 = arith.constant 1.000000e+00 : f32
      %broadcast_in_dim3A_201 = vector.broadcast %broadcast_in_dim3A_200 : f32 to vector<16xf32>
      %swap3A_202 = arith.index_cast %scan3A_179 : i32 to index
      %swap3A_203 = arith.constant 64 : index
      %swap3A_204 = tpu.vector_load %arg12[%swap3A_202, %swap3A_203] {strides = array<i32>} : memref<128x128xf32, #tpu.memory_space<vmem>>, vector<16xf32>,
      tpu.vector_store %arg12[%swap3A_202, %swap3A_203], %broadcast_in_dim3A_201 {strides = array<i32>} : memref<128x128xf32, #tpu.memory_space<vmem>>, vector<16xf32>,
      %broadcast_in_dim3A_205 = arith.constant 1.000000e+00 : f32
      %broadcast_in_dim3A_206 = vector.broadcast %broadcast_in_dim3A_205 : f32 to vector<16xf32>
      %swap3A_207 = arith.index_cast %scan3A_179 : i32 to index
      %swap3A_208 = arith.constant 80 : index
      %swap3A_209 = tpu.vector_load %arg12[%swap3A_207, %swap3A_208] {strides = array<i32>} : memref<128x128xf32, #tpu.memory_space<vmem>>, vector<16xf32>,
      tpu.vector_store %arg12[%swap3A_207, %swap3A_208], %broadcast_in_dim3A_206 {strides = array<i32>} : memref<128x128xf32, #tpu.memory_space<vmem>>, vector<16xf32>,
      %broadcast_in_dim3A_210 = arith.constant 1.000000e+00 : f32
      %broadcast_in_dim3A_211 = vector.broadcast %broadcast_in_dim3A_210 : f32 to vector<16xf32>
      %swap3A_212 = arith.index_cast %scan3A_179 : i32 to index
      %swap3A_213 = arith.constant 96 : index
      %swap3A_214 = tpu.vector_load %arg12[%swap3A_212, %swap3A_213] {strides = array<i32>} : memref<128x128xf32, #tpu.memory_space<vmem>>, vector<16xf32>,
      tpu.vector_store %arg12[%swap3A_212, %swap3A_213], %broadcast_in_dim3A_211 {strides = array<i32>} : memref<128x128xf32, #tpu.memory_space<vmem>>, vector<16xf32>,
      %broadcast_in_dim3A_215 = arith.constant 1.000000e+00 : f32
      %broadcast_in_dim3A_216 = vector.broadcast %broadcast_in_dim3A_215 : f32 to vector<16xf32>
      %swap3A_217 = arith.index_cast %scan3A_179 : i32 to index
      %swap3A_218 = arith.constant 112 : index
      %swap3A_219 = tpu.vector_load %arg12[%swap3A_217, %swap3A_218] {strides = array<i32>} : memref<128x128xf32, #tpu.memory_space<vmem>>, vector<16xf32>,
      tpu.vector_store %arg12[%swap3A_217, %swap3A_218], %broadcast_in_dim3A_216 {strides = array<i32>} : memref<128x128xf32, #tpu.memory_space<vmem>>, vector<16xf32>,
    }
    %scan3A_11 = arith.constant 128 : i32
    %mul3A_12 = arith.constant 160 : i32
    %mul3A_13 = arith.muli %arg1, %mul3A_12 : i32
    %add3A_14 = arith.constant 0 : i32
    %add3A_15 = arith.addi %mul3A_13, %add3A_14 : i32
    "tpu.region"() ({
      %run_scoped3A = tpu.sem_alloc : memref<!tpu.dma_semaphore, #tpu.memory_space<semaphore_mem>>
      %dma_start3A = arith.constant 0 : i32
      %dma_start3A_179 = tpu.memref_slice %arg14[%add3A_15, %dma_start3A] : memref<2560x128xf32, #tpu.memory_space<vmem_shared>> -> memref<32x128xf32, #tpu.memory_space<vmem_shared>>
      %dma_start3A_180 = arith.constant 0 : i32
      %dma_start3A_181 = tpu.memref_slice %arg14[%add3A_15, %dma_start3A_180] : memref<2560x128xf32, #tpu.memory_space<vmem_shared>> -> memref<32x128xf32, #tpu.memory_space<vmem_shared>>
      tpu.enqueue_dma source(%arg13 : memref<32x128xf32, #tpu.memory_space<vmem>>) target(%dma_start3A_181 : memref<32x128xf32, #tpu.memory_space<vmem_shared>>) target_semaphore(%run_scoped3A : memref<!tpu.dma_semaphore, #tpu.memory_space<semaphore_mem>>)
      %dma_wait3A = arith.constant 0 : i32
      %dma_wait3A_182 = tpu.memref_slice %arg14[%add3A_15, %dma_wait3A] : memref<2560x128xf32, #tpu.memory_space<vmem_shared>> -> memref<32x128xf32, #tpu.memory_space<vmem_shared>>
      %dma_wait3A_183 = arith.constant 0 : i32
      %dma_wait3A_184 = tpu.memref_slice %arg14[%add3A_15, %dma_wait3A_183] : memref<2560x128xf32, #tpu.memory_space<vmem_shared>> -> memref<32x128xf32, #tpu.memory_space<vmem_shared>>
      tpu.wait_dma2 semaphore(%run_scoped3A : memref<!tpu.dma_semaphore, #tpu.memory_space<semaphore_mem>>) src(%arg13 : memref<32x128xf32, #tpu.memory_space<vmem>>) dst(%dma_wait3A_184 : memref<32x128xf32, #tpu.memory_space<vmem_shared>>)
      tpu.yield
    }) : () -> ()
    %add3A_16 = arith.constant 0 : i32
    %add3A_17 = arith.addi %mul3A_13, %add3A_16 : i32
    "tpu.region"() ({
      %run_scoped3A = tpu.sem_alloc : memref<!tpu.dma_semaphore, #tpu.memory_space<semaphore_mem>>
      %dma_start3A = arith.constant 0 : i32
      %dma_start3A_179 = tpu.memref_slice %arg15[%add3A_17, %dma_start3A] : memref<2560x128xf32, #tpu.memory_space<vmem_shared>> -> memref<32x128xf32, #tpu.memory_space<vmem_shared>>
      %dma_start3A_180 = arith.constant 0 : i32
      %dma_start3A_181 = tpu.memref_slice %arg15[%add3A_17, %dma_start3A_180] : memref<2560x128xf32, #tpu.memory_space<vmem_shared>> -> memref<32x128xf32, #tpu.memory_space<vmem_shared>>
      tpu.enqueue_dma source(%arg13 : memref<32x128xf32, #tpu.memory_space<vmem>>) target(%dma_start3A_181 : memref<32x128xf32, #tpu.memory_space<vmem_shared>>) target_semaphore(%run_scoped3A : memref<!tpu.dma_semaphore, #tpu.memory_space<semaphore_mem>>)
      %dma_wait3A = arith.constant 0 : i32
      %dma_wait3A_182 = tpu.memref_slice %arg15[%add3A_17, %dma_wait3A] : memref<2560x128xf32, #tpu.memory_space<vmem_shared>> -> memref<32x128xf32, #tpu.memory_space<vmem_shared>>
      %dma_wait3A_183 = arith.constant 0 : i32
      %dma_wait3A_184 = tpu.memref_slice %arg15[%add3A_17, %dma_wait3A_183] : memref<2560x128xf32, #tpu.memory_space<vmem_shared>> -> memref<32x128xf32, #tpu.memory_space<vmem_shared>>
      tpu.wait_dma2 semaphore(%run_scoped3A : memref<!tpu.dma_semaphore, #tpu.memory_space<semaphore_mem>>) src(%arg13 : memref<32x128xf32, #tpu.memory_space<vmem>>) dst(%dma_wait3A_184 : memref<32x128xf32, #tpu.memory_space<vmem_shared>>)
      tpu.yield
    }) : () -> ()
    %add3A_18 = arith.constant 32 : i32
    %add3A_19 = arith.addi %mul3A_13, %add3A_18 : i32
    "tpu.region"() ({
      %run_scoped3A = tpu.sem_alloc : memref<!tpu.dma_semaphore, #tpu.memory_space<semaphore_mem>>
      %dma_start3A = arith.constant 0 : i32
      %dma_start3A_179 = tpu.memref_slice %arg14[%add3A_19, %dma_start3A] : memref<2560x128xf32, #tpu.memory_space<vmem_shared>> -> memref<32x128xf32, #tpu.memory_space<vmem_shared>>
      %dma_start3A_180 = arith.constant 0 : i32
      %dma_start3A_181 = tpu.memref_slice %arg14[%add3A_19, %dma_start3A_180] : memref<2560x128xf32, #tpu.memory_space<vmem_shared>> -> memref<32x128xf32, #tpu.memory_space<vmem_shared>>
      tpu.enqueue_dma source(%arg13 : memref<32x128xf32, #tpu.memory_space<vmem>>) target(%dma_start3A_181 : memref<32x128xf32, #tpu.memory_space<vmem_shared>>) target_semaphore(%run_scoped3A : memref<!tpu.dma_semaphore, #tpu.memory_space<semaphore_mem>>)
      %dma_wait3A = arith.constant 0 : i32
      %dma_wait3A_182 = tpu.memref_slice %arg14[%add3A_19, %dma_wait3A] : memref<2560x128xf32, #tpu.memory_space<vmem_shared>> -> memref<32x128xf32, #tpu.memory_space<vmem_shared>>
      %dma_wait3A_183 = arith.constant 0 : i32
      %dma_wait3A_184 = tpu.memref_slice %arg14[%add3A_19, %dma_wait3A_183] : memref<2560x128xf32, #tpu.memory_space<vmem_shared>> -> memref<32x128xf32, #tpu.memory_space<vmem_shared>>
      tpu.wait_dma2 semaphore(%run_scoped3A : memref<!tpu.dma_semaphore, #tpu.memory_space<semaphore_mem>>) src(%arg13 : memref<32x128xf32, #tpu.memory_space<vmem>>) dst(%dma_wait3A_184 : memref<32x128xf32, #tpu.memory_space<vmem_shared>>)
      tpu.yield
    }) : () -> ()
    %add3A_20 = arith.constant 32 : i32
    %add3A_21 = arith.addi %mul3A_13, %add3A_20 : i32
    "tpu.region"() ({
      %run_scoped3A = tpu.sem_alloc : memref<!tpu.dma_semaphore, #tpu.memory_space<semaphore_mem>>
      %dma_start3A = arith.constant 0 : i32
      %dma_start3A_179 = tpu.memref_slice %arg15[%add3A_21, %dma_start3A] : memref<2560x128xf32, #tpu.memory_space<vmem_shared>> -> memref<32x128xf32, #tpu.memory_space<vmem_shared>>
      %dma_start3A_180 = arith.constant 0 : i32
      %dma_start3A_181 = tpu.memref_slice %arg15[%add3A_21, %dma_start3A_180] : memref<2560x128xf32, #tpu.memory_space<vmem_shared>> -> memref<32x128xf32, #tpu.memory_space<vmem_shared>>
      tpu.enqueue_dma source(%arg13 : memref<32x128xf32, #tpu.memory_space<vmem>>) target(%dma_start3A_181 : memref<32x128xf32, #tpu.memory_space<vmem_shared>>) target_semaphore(%run_scoped3A : memref<!tpu.dma_semaphore, #tpu.memory_space<semaphore_mem>>)
      %dma_wait3A = arith.constant 0 : i32
      %dma_wait3A_182 = tpu.memref_slice %arg15[%add3A_21, %dma_wait3A] : memref<2560x128xf32, #tpu.memory_space<vmem_shared>> -> memref<32x128xf32, #tpu.memory_space<vmem_shared>>
      %dma_wait3A_183 = arith.constant 0 : i32
      %dma_wait3A_184 = tpu.memref_slice %arg15[%add3A_21, %dma_wait3A_183] : memref<2560x128xf32, #tpu.memory_space<vmem_shared>> -> memref<32x128xf32, #tpu.memory_space<vmem_shared>>
      tpu.wait_dma2 semaphore(%run_scoped3A : memref<!tpu.dma_semaphore, #tpu.memory_space<semaphore_mem>>) src(%arg13 : memref<32x128xf32, #tpu.memory_space<vmem>>) dst(%dma_wait3A_184 : memref<32x128xf32, #tpu.memory_space<vmem_shared>>)
      tpu.yield
    }) : () -> ()
    %add3A_22 = arith.constant 64 : i32
    %add3A_23 = arith.addi %mul3A_13, %add3A_22 : i32
    "tpu.region"() ({
      %run_scoped3A = tpu.sem_alloc : memref<!tpu.dma_semaphore, #tpu.memory_space<semaphore_mem>>
      %dma_start3A = arith.constant 0 : i32
      %dma_start3A_179 = tpu.memref_slice %arg14[%add3A_23, %dma_start3A] : memref<2560x128xf32, #tpu.memory_space<vmem_shared>> -> memref<32x128xf32, #tpu.memory_space<vmem_shared>>
      %dma_start3A_180 = arith.constant 0 : i32
      %dma_start3A_181 = tpu.memref_slice %arg14[%add3A_23, %dma_start3A_180] : memref<2560x128xf32, #tpu.memory_space<vmem_shared>> -> memref<32x128xf32, #tpu.memory_space<vmem_shared>>
      tpu.enqueue_dma source(%arg13 : memref<32x128xf32, #tpu.memory_space<vmem>>) target(%dma_start3A_181 : memref<32x128xf32, #tpu.memory_space<vmem_shared>>) target_semaphore(%run_scoped3A : memref<!tpu.dma_semaphore, #tpu.memory_space<semaphore_mem>>)
      %dma_wait3A = arith.constant 0 : i32
      %dma_wait3A_182 = tpu.memref_slice %arg14[%add3A_23, %dma_wait3A] : memref<2560x128xf32, #tpu.memory_space<vmem_shared>> -> memref<32x128xf32, #tpu.memory_space<vmem_shared>>
      %dma_wait3A_183 = arith.constant 0 : i32
      %dma_wait3A_184 = tpu.memref_slice %arg14[%add3A_23, %dma_wait3A_183] : memref<2560x128xf32, #tpu.memory_space<vmem_shared>> -> memref<32x128xf32, #tpu.memory_space<vmem_shared>>
      tpu.wait_dma2 semaphore(%run_scoped3A : memref<!tpu.dma_semaphore, #tpu.memory_space<semaphore_mem>>) src(%arg13 : memref<32x128xf32, #tpu.memory_space<vmem>>) dst(%dma_wait3A_184 : memref<32x128xf32, #tpu.memory_space<vmem_shared>>)
      tpu.yield
    }) : () -> ()
    %add3A_24 = arith.constant 64 : i32
    %add3A_25 = arith.addi %mul3A_13, %add3A_24 : i32
    "tpu.region"() ({
      %run_scoped3A = tpu.sem_alloc : memref<!tpu.dma_semaphore, #tpu.memory_space<semaphore_mem>>
      %dma_start3A = arith.constant 0 : i32
      %dma_start3A_179 = tpu.memref_slice %arg15[%add3A_25, %dma_start3A] : memref<2560x128xf32, #tpu.memory_space<vmem_shared>> -> memref<32x128xf32, #tpu.memory_space<vmem_shared>>
      %dma_start3A_180 = arith.constant 0 : i32
      %dma_start3A_181 = tpu.memref_slice %arg15[%add3A_25, %dma_start3A_180] : memref<2560x128xf32, #tpu.memory_space<vmem_shared>> -> memref<32x128xf32, #tpu.memory_space<vmem_shared>>
      tpu.enqueue_dma source(%arg13 : memref<32x128xf32, #tpu.memory_space<vmem>>) target(%dma_start3A_181 : memref<32x128xf32, #tpu.memory_space<vmem_shared>>) target_semaphore(%run_scoped3A : memref<!tpu.dma_semaphore, #tpu.memory_space<semaphore_mem>>)
      %dma_wait3A = arith.constant 0 : i32
      %dma_wait3A_182 = tpu.memref_slice %arg15[%add3A_25, %dma_wait3A] : memref<2560x128xf32, #tpu.memory_space<vmem_shared>> -> memref<32x128xf32, #tpu.memory_space<vmem_shared>>
      %dma_wait3A_183 = arith.constant 0 : i32
      %dma_wait3A_184 = tpu.memref_slice %arg15[%add3A_25, %dma_wait3A_183] : memref<2560x128xf32, #tpu.memory_space<vmem_shared>> -> memref<32x128xf32, #tpu.memory_space<vmem_shared>>
      tpu.wait_dma2 semaphore(%run_scoped3A : memref<!tpu.dma_semaphore, #tpu.memory_space<semaphore_mem>>) src(%arg13 : memref<32x128xf32, #tpu.memory_space<vmem>>) dst(%dma_wait3A_184 : memref<32x128xf32, #tpu.memory_space<vmem_shared>>)
      tpu.yield
    }) : () -> ()
    %add3A_26 = arith.constant 96 : i32
    %add3A_27 = arith.addi %mul3A_13, %add3A_26 : i32
    "tpu.region"() ({
      %run_scoped3A = tpu.sem_alloc : memref<!tpu.dma_semaphore, #tpu.memory_space<semaphore_mem>>
      %dma_start3A = arith.constant 0 : i32
      %dma_start3A_179 = tpu.memref_slice %arg14[%add3A_27, %dma_start3A] : memref<2560x128xf32, #tpu.memory_space<vmem_shared>> -> memref<32x128xf32, #tpu.memory_space<vmem_shared>>
      %dma_start3A_180 = arith.constant 0 : i32
      %dma_start3A_181 = tpu.memref_slice %arg14[%add3A_27, %dma_start3A_180] : memref<2560x128xf32, #tpu.memory_space<vmem_shared>> -> memref<32x128xf32, #tpu.memory_space<vmem_shared>>
      tpu.enqueue_dma source(%arg13 : memref<32x128xf32, #tpu.memory_space<vmem>>) target(%dma_start3A_181 : memref<32x128xf32, #tpu.memory_space<vmem_shared>>) target_semaphore(%run_scoped3A : memref<!tpu.dma_semaphore, #tpu.memory_space<semaphore_mem>>)
      %dma_wait3A = arith.constant 0 : i32
      %dma_wait3A_182 = tpu.memref_slice %arg14[%add3A_27, %dma_wait3A] : memref<2560x128xf32, #tpu.memory_space<vmem_shared>> -> memref<32x128xf32, #tpu.memory_space<vmem_shared>>
      %dma_wait3A_183 = arith.constant 0 : i32
      %dma_wait3A_184 = tpu.memref_slice %arg14[%add3A_27, %dma_wait3A_183] : memref<2560x128xf32, #tpu.memory_space<vmem_shared>> -> memref<32x128xf32, #tpu.memory_space<vmem_shared>>
      tpu.wait_dma2 semaphore(%run_scoped3A : memref<!tpu.dma_semaphore, #tpu.memory_space<semaphore_mem>>) src(%arg13 : memref<32x128xf32, #tpu.memory_space<vmem>>) dst(%dma_wait3A_184 : memref<32x128xf32, #tpu.memory_space<vmem_shared>>)
      tpu.yield
    }) : () -> ()
    %add3A_28 = arith.constant 96 : i32
    %add3A_29 = arith.addi %mul3A_13, %add3A_28 : i32
    "tpu.region"() ({
      %run_scoped3A = tpu.sem_alloc : memref<!tpu.dma_semaphore, #tpu.memory_space<semaphore_mem>>
      %dma_start3A = arith.constant 0 : i32
      %dma_start3A_179 = tpu.memref_slice %arg15[%add3A_29, %dma_start3A] : memref<2560x128xf32, #tpu.memory_space<vmem_shared>> -> memref<32x128xf32, #tpu.memory_space<vmem_shared>>
      %dma_start3A_180 = arith.constant 0 : i32
      %dma_start3A_181 = tpu.memref_slice %arg15[%add3A_29, %dma_start3A_180] : memref<2560x128xf32, #tpu.memory_space<vmem_shared>> -> memref<32x128xf32, #tpu.memory_space<vmem_shared>>
      tpu.enqueue_dma source(%arg13 : memref<32x128xf32, #tpu.memory_space<vmem>>) target(%dma_start3A_181 : memref<32x128xf32, #tpu.memory_space<vmem_shared>>) target_semaphore(%run_scoped3A : memref<!tpu.dma_semaphore, #tpu.memory_space<semaphore_mem>>)
      %dma_wait3A = arith.constant 0 : i32
      %dma_wait3A_182 = tpu.memref_slice %arg15[%add3A_29, %dma_wait3A] : memref<2560x128xf32, #tpu.memory_space<vmem_shared>> -> memref<32x128xf32, #tpu.memory_space<vmem_shared>>
      %dma_wait3A_183 = arith.constant 0 : i32
      %dma_wait3A_184 = tpu.memref_slice %arg15[%add3A_29, %dma_wait3A_183] : memref<2560x128xf32, #tpu.memory_space<vmem_shared>> -> memref<32x128xf32, #tpu.memory_space<vmem_shared>>
      tpu.wait_dma2 semaphore(%run_scoped3A : memref<!tpu.dma_semaphore, #tpu.memory_space<semaphore_mem>>) src(%arg13 : memref<32x128xf32, #tpu.memory_space<vmem>>) dst(%dma_wait3A_184 : memref<32x128xf32, #tpu.memory_space<vmem_shared>>)
      tpu.yield
    }) : () -> ()
    %add3A_30 = arith.constant 128 : i32
    %add3A_31 = arith.addi %mul3A_13, %add3A_30 : i32
    "tpu.region"() ({
      %run_scoped3A = tpu.sem_alloc : memref<!tpu.dma_semaphore, #tpu.memory_space<semaphore_mem>>
      %dma_start3A = arith.constant 0 : i32
      %dma_start3A_179 = tpu.memref_slice %arg14[%add3A_31, %dma_start3A] : memref<2560x128xf32, #tpu.memory_space<vmem_shared>> -> memref<32x128xf32, #tpu.memory_space<vmem_shared>>
      %dma_start3A_180 = arith.constant 0 : i32
      %dma_start3A_181 = tpu.memref_slice %arg14[%add3A_31, %dma_start3A_180] : memref<2560x128xf32, #tpu.memory_space<vmem_shared>> -> memref<32x128xf32, #tpu.memory_space<vmem_shared>>
      tpu.enqueue_dma source(%arg13 : memref<32x128xf32, #tpu.memory_space<vmem>>) target(%dma_start3A_181 : memref<32x128xf32, #tpu.memory_space<vmem_shared>>) target_semaphore(%run_scoped3A : memref<!tpu.dma_semaphore, #tpu.memory_space<semaphore_mem>>)
      %dma_wait3A = arith.constant 0 : i32
      %dma_wait3A_182 = tpu.memref_slice %arg14[%add3A_31, %dma_wait3A] : memref<2560x128xf32, #tpu.memory_space<vmem_shared>> -> memref<32x128xf32, #tpu.memory_space<vmem_shared>>
      %dma_wait3A_183 = arith.constant 0 : i32
      %dma_wait3A_184 = tpu.memref_slice %arg14[%add3A_31, %dma_wait3A_183] : memref<2560x128xf32, #tpu.memory_space<vmem_shared>> -> memref<32x128xf32, #tpu.memory_space<vmem_shared>>
      tpu.wait_dma2 semaphore(%run_scoped3A : memref<!tpu.dma_semaphore, #tpu.memory_space<semaphore_mem>>) src(%arg13 : memref<32x128xf32, #tpu.memory_space<vmem>>) dst(%dma_wait3A_184 : memref<32x128xf32, #tpu.memory_space<vmem_shared>>)
      tpu.yield
    }) : () -> ()
    %add3A_32 = arith.constant 128 : i32
    %add3A_33 = arith.addi %mul3A_13, %add3A_32 : i32
    "tpu.region"() ({
      %run_scoped3A = tpu.sem_alloc : memref<!tpu.dma_semaphore, #tpu.memory_space<semaphore_mem>>
      %dma_start3A = arith.constant 0 : i32
      %dma_start3A_179 = tpu.memref_slice %arg15[%add3A_33, %dma_start3A] : memref<2560x128xf32, #tpu.memory_space<vmem_shared>> -> memref<32x128xf32, #tpu.memory_space<vmem_shared>>
      %dma_start3A_180 = arith.constant 0 : i32
      %dma_start3A_181 = tpu.memref_slice %arg15[%add3A_33, %dma_start3A_180] : memref<2560x128xf32, #tpu.memory_space<vmem_shared>> -> memref<32x128xf32, #tpu.memory_space<vmem_shared>>
      tpu.enqueue_dma source(%arg13 : memref<32x128xf32, #tpu.memory_space<vmem>>) target(%dma_start3A_181 : memref<32x128xf32, #tpu.memory_space<vmem_shared>>) target_semaphore(%run_scoped3A : memref<!tpu.dma_semaphore, #tpu.memory_space<semaphore_mem>>)
      %dma_wait3A = arith.constant 0 : i32
      %dma_wait3A_182 = tpu.memref_slice %arg15[%add3A_33, %dma_wait3A] : memref<2560x128xf32, #tpu.memory_space<vmem_shared>> -> memref<32x128xf32, #tpu.memory_space<vmem_shared>>
      %dma_wait3A_183 = arith.constant 0 : i32
      %dma_wait3A_184 = tpu.memref_slice %arg15[%add3A_33, %dma_wait3A_183] : memref<2560x128xf32, #tpu.memory_space<vmem_shared>> -> memref<32x128xf32, #tpu.memory_space<vmem_shared>>
      tpu.wait_dma2 semaphore(%run_scoped3A : memref<!tpu.dma_semaphore, #tpu.memory_space<semaphore_mem>>) src(%arg13 : memref<32x128xf32, #tpu.memory_space<vmem>>) dst(%dma_wait3A_184 : memref<32x128xf32, #tpu.memory_space<vmem_shared>>)
      tpu.yield
    }) : () -> ()
    %barrier3A = arith.constant 0 : index
    tpu.barrier barrier_id(%barrier3A)
    "tpu.region"() ({
      %run_scoped3A = tpu.sem_alloc : memref<!tpu.dma_semaphore, #tpu.memory_space<semaphore_mem>>
      %dma_start3A = arith.constant 0 : i32
      %dma_start3A_179 = arith.constant 0 : i32
      %dma_start3A_180 = tpu.memref_slice %arg3[%add3A, %dma_start3A, %dma_start3A_179] : memref<32x79x128xi32, #tpu.memory_space<hbm>> -> memref<1x79x128xi32, #tpu.memory_space<hbm>>
      %dma_start3A_181 = tpu.memref_squeeze %dma_start3A_180 : memref<1x79x128xi32, #tpu.memory_space<hbm>> -> memref<79x128xi32, #tpu.memory_space<hbm>>
      %dma_start3A_182 = arith.constant 0 : i32
      %dma_start3A_183 = arith.constant 0 : i32
      %dma_start3A_184 = tpu.memref_slice %arg3[%add3A, %dma_start3A_182, %dma_start3A_183] : memref<32x79x128xi32, #tpu.memory_space<hbm>> -> memref<1x79x128xi32, #tpu.memory_space<hbm>>
      %dma_start3A_185 = tpu.memref_squeeze %dma_start3A_184 : memref<1x79x128xi32, #tpu.memory_space<hbm>> -> memref<79x128xi32, #tpu.memory_space<hbm>>
      tpu.enqueue_dma source(%dma_start3A_185 : memref<79x128xi32, #tpu.memory_space<hbm>>) target(%arg7 : memref<79x128xi32, #tpu.memory_space<vmem>>) target_semaphore(%run_scoped3A : memref<!tpu.dma_semaphore, #tpu.memory_space<semaphore_mem>>)
      %dma_wait3A = arith.constant 0 : i32
      %dma_wait3A_186 = arith.constant 0 : i32
      %dma_wait3A_187 = tpu.memref_slice %arg3[%add3A, %dma_wait3A, %dma_wait3A_186] : memref<32x79x128xi32, #tpu.memory_space<hbm>> -> memref<1x79x128xi32, #tpu.memory_space<hbm>>
      %dma_wait3A_188 = tpu.memref_squeeze %dma_wait3A_187 : memref<1x79x128xi32, #tpu.memory_space<hbm>> -> memref<79x128xi32, #tpu.memory_space<hbm>>
      %dma_wait3A_189 = arith.constant 0 : i32
      %dma_wait3A_190 = arith.constant 0 : i32
      %dma_wait3A_191 = tpu.memref_slice %arg3[%add3A, %dma_wait3A_189, %dma_wait3A_190] : memref<32x79x128xi32, #tpu.memory_space<hbm>> -> memref<1x79x128xi32, #tpu.memory_space<hbm>>
      %dma_wait3A_192 = tpu.memref_squeeze %dma_wait3A_191 : memref<1x79x128xi32, #tpu.memory_space<hbm>> -> memref<79x128xi32, #tpu.memory_space<hbm>>
      tpu.wait_dma2 semaphore(%run_scoped3A : memref<!tpu.dma_semaphore, #tpu.memory_space<semaphore_mem>>) src(%dma_wait3A_192 : memref<79x128xi32, #tpu.memory_space<hbm>>) dst(%arg7 : memref<79x128xi32, #tpu.memory_space<vmem>>)
      tpu.yield
    }) : () -> ()
    "tpu.region"() ({
      %run_scoped3A = tpu.sem_alloc : memref<!tpu.dma_semaphore, #tpu.memory_space<semaphore_mem>>
      %dma_start3A = arith.constant 0 : i32
      %dma_start3A_179 = arith.constant 0 : i32
      %dma_start3A_180 = tpu.memref_slice %arg4[%add3A, %dma_start3A, %dma_start3A_179] : memref<32x79x128xi32, #tpu.memory_space<hbm>> -> memref<1x79x128xi32, #tpu.memory_space<hbm>>
      %dma_start3A_181 = tpu.memref_squeeze %dma_start3A_180 : memref<1x79x128xi32, #tpu.memory_space<hbm>> -> memref<79x128xi32, #tpu.memory_space<hbm>>
      %dma_start3A_182 = arith.constant 0 : i32
      %dma_start3A_183 = arith.constant 0 : i32
      %dma_start3A_184 = tpu.memref_slice %arg4[%add3A, %dma_start3A_182, %dma_start3A_183] : memref<32x79x128xi32, #tpu.memory_space<hbm>> -> memref<1x79x128xi32, #tpu.memory_space<hbm>>
      %dma_start3A_185 = tpu.memref_squeeze %dma_start3A_184 : memref<1x79x128xi32, #tpu.memory_space<hbm>> -> memref<79x128xi32, #tpu.memory_space<hbm>>
      tpu.enqueue_dma source(%dma_start3A_185 : memref<79x128xi32, #tpu.memory_space<hbm>>) target(%arg8 : memref<79x128xi32, #tpu.memory_space<vmem>>) target_semaphore(%run_scoped3A : memref<!tpu.dma_semaphore, #tpu.memory_space<semaphore_mem>>)
      %dma_wait3A = arith.constant 0 : i32
      %dma_wait3A_186 = arith.constant 0 : i32
      %dma_wait3A_187 = tpu.memref_slice %arg4[%add3A, %dma_wait3A, %dma_wait3A_186] : memref<32x79x128xi32, #tpu.memory_space<hbm>> -> memref<1x79x128xi32, #tpu.memory_space<hbm>>
      %dma_wait3A_188 = tpu.memref_squeeze %dma_wait3A_187 : memref<1x79x128xi32, #tpu.memory_space<hbm>> -> memref<79x128xi32, #tpu.memory_space<hbm>>
      %dma_wait3A_189 = arith.constant 0 : i32
      %dma_wait3A_190 = arith.constant 0 : i32
      %dma_wait3A_191 = tpu.memref_slice %arg4[%add3A, %dma_wait3A_189, %dma_wait3A_190] : memref<32x79x128xi32, #tpu.memory_space<hbm>> -> memref<1x79x128xi32, #tpu.memory_space<hbm>>
      %dma_wait3A_192 = tpu.memref_squeeze %dma_wait3A_191 : memref<1x79x128xi32, #tpu.memory_space<hbm>> -> memref<79x128xi32, #tpu.memory_space<hbm>>
      tpu.wait_dma2 semaphore(%run_scoped3A : memref<!tpu.dma_semaphore, #tpu.memory_space<semaphore_mem>>) src(%dma_wait3A_192 : memref<79x128xi32, #tpu.memory_space<hbm>>) dst(%arg8 : memref<79x128xi32, #tpu.memory_space<vmem>>)
      tpu.yield
    }) : () -> ()
    %scan3A_34 = arith.constant 0 : i32
    %scan3A_35 = arith.constant 0 : i32
    %scan3A_36 = arith.constant 632 : i32
    %scan3A_37 = arith.addi %scan3A_35, %scan3A_36 : i32
    %scan3A_38 = arith.constant 1 : i32
    %scan3A_39 = scf.for %scan3A_179 = %scan3A_35 to %scan3A_37 step %scan3A_38 iter_args(%scan3A_180 = %scan3A_34) -> (i32)  : i32 {
      %jit3A_181 = arith.constant 8 : i32
      %div3A_182 = arith.divsi %scan3A_179, %jit3A_181 : i32
      %sign3A_183 = arith.constant 0 : i32
      %sign3A_184 = arith.cmpi sgt, %scan3A_179, %sign3A_183 : i32
      %sign3A_185 = arith.extui %sign3A_184 : i1 to i32
      %sign3A_186 = arith.constant 0 : i32
      %sign3A_187 = arith.cmpi slt, %scan3A_179, %sign3A_186 : i32
      %sign3A_188 = arith.extui %sign3A_187 : i1 to i32
      %sign3A_189 = arith.subi %sign3A_185, %sign3A_188 : i32
      %sign3A_190 = arith.constant 0 : i32
      %sign3A_191 = arith.cmpi sgt, %jit3A_181, %sign3A_190 : i32
      %sign3A_192 = arith.extui %sign3A_191 : i1 to i32
      %sign3A_193 = arith.constant 0 : i32
      %sign3A_194 = arith.cmpi slt, %jit3A_181, %sign3A_193 : i32
      %sign3A_195 = arith.extui %sign3A_194 : i1 to i32
      %sign3A_196 = arith.subi %sign3A_192, %sign3A_195 : i32
      %ne3A_197 = arith.cmpi ne, %sign3A_189, %sign3A_196 : i32
      %rem3A_198 = arith.remsi %scan3A_179, %jit3A_181 : i32
      %ne3A_199 = arith.constant 0 : i32
      %ne3A_200 = arith.cmpi ne, %rem3A_198, %ne3A_199 : i32
      %and3A_201 = arith.andi %ne3A_197, %ne3A_200 : i1
      %sub3A_202 = arith.constant 1 : i32
      %sub3A_203 = arith.subi %div3A_182, %sub3A_202 : i32
      %select_n3A_204 = arith.select %and3A_201, %sub3A_203, %div3A_182 : i32
      %jit3A_205 = arith.constant 8 : i32
      %eq3A = arith.constant 0 : i32
      %eq3A_206 = arith.cmpi eq, %jit3A_205, %eq3A : i32
      %jit3A_207 = arith.constant 1 : i32
      %select_n3A_208 = arith.select %eq3A_206, %jit3A_207, %jit3A_205 : i32
      %rem3A_209 = arith.remsi %scan3A_179, %select_n3A_208 : i32
      %ne3A_210 = arith.constant 0 : i32
      %ne3A_211 = arith.cmpi ne, %rem3A_209, %ne3A_210 : i32
      %lt3A = arith.constant 0 : i32
      %lt3A_212 = arith.cmpi slt, %rem3A_209, %lt3A : i32
      %lt3A_213 = arith.constant 0 : i32
      %lt3A_214 = arith.cmpi slt, %select_n3A_208, %lt3A_213 : i32
      %ne3A_215 = arith.xori %lt3A_212, %lt3A_214 : i1
      %and3A_216 = arith.andi %ne3A_215, %ne3A_211 : i1
      %add3A_217 = arith.addi %rem3A_209, %select_n3A_208 : i32
      %select_n3A_218 = arith.select %and3A_216, %add3A_217, %rem3A_209 : i32
      %mul3A_219 = arith.constant 16 : i32
      %mul3A_220 = arith.muli %select_n3A_218, %mul3A_219 : i32
      %get3A = arith.index_cast %select_n3A_204 : i32 to index
      %get3A_221 = arith.index_cast %mul3A_220 : i32 to index
      %get3A_222 = tpu.vector_load %arg8[%get3A, %get3A_221] {strides = array<i32>} : memref<79x128xi32, #tpu.memory_space<vmem>>, vector<16xi32>,
      %get3A_223 = arith.index_cast %select_n3A_204 : i32 to index
      %get3A_224 = arith.index_cast %mul3A_220 : i32 to index
      %get3A_225 = tpu.vector_load %arg7[%get3A_223, %get3A_224] {strides = array<i32>} : memref<79x128xi32, #tpu.memory_space<vmem>>, vector<16xi32>,
      %masked_sort3A = arith.constant dense<true> : vector<16xi1>
      %masked_sort3A_226 = arith.constant -2147483648 : i32
      %masked_sort3A_227 = vector.broadcast %masked_sort3A_226 : i32 to vector<16xi32>
      %masked_sort3A_228 = arith.xori %get3A_222, %masked_sort3A_227 : vector<16xi32>
      %masked_sort3A_229, %masked_sort3A_230, %masked_sort3A_231 = tpu.sort %masked_sort3A_228, %get3A_225 masked %masked_sort3A : (vector<16xi32>, vector<16xi32>, vector<16xi1>) -> (vector<16xi1>, vector<16xi32>, vector<16xi32>)
      %masked_sort3A_232 = arith.xori %masked_sort3A_230, %masked_sort3A_227 : vector<16xi32>
      %swap3A_233 = arith.index_cast %scan3A_180 : i32 to index
      %swap3A_234 = tpu.vector_load %arg10[%swap3A_233] {strides = array<i32>} : memref<10240xi32, #tpu.memory_space<vmem>>, vector<16xi32>,
      tpu.vector_store %arg10[%swap3A_233], %masked_sort3A_232 {strides = array<i32>} : memref<10240xi32, #tpu.memory_space<vmem>>, vector<16xi32>,
      %swap3A_235 = arith.index_cast %scan3A_180 : i32 to index
      %swap3A_236 = tpu.vector_load %arg9[%swap3A_235] {strides = array<i32>} : memref<10240xi32, #tpu.memory_space<vmem>>, vector<16xi32>,
      tpu.vector_store %arg9[%swap3A_235], %masked_sort3A_231 {strides = array<i32>} : memref<10240xi32, #tpu.memory_space<vmem>>, vector<16xi32>,
      %lt3A_237 = arith.constant 2048 : i32
      %lt3A_238 = vector.broadcast %lt3A_237 : i32 to vector<16xi32>
      %lt3A_239 = arith.cmpi slt, %masked_sort3A_232, %lt3A_238 : vector<16xi32>
      %convert_element_type3A = arith.extui %lt3A_239 : vector<16xi1> to vector<16xi32>
      %reduce_sum3A = arith.constant true
      %reduce_sum3A_240 = vector.broadcast %reduce_sum3A : i1 to vector<16xi1>
      %reduce_sum3A_241 = tpu.scan <sum>, %convert_element_type3A masked %reduce_sum3A_240 : vector<16xi32>, vector<16xi1> -> vector<16xi32>
      %reduce_sum3A_242 = vector.extract %reduce_sum3A_241[15] : i32 from vector<16xi32>
      %add3A_243 = arith.addi %scan3A_180, %reduce_sum3A_242 : i32
      scf.yield %add3A_243 : i32
    }
    %scan3A_40 = arith.constant 632 : i32
    %iota3A = tpu.iota {dimensions = array<i32: 0>} : vector<16xi32>
    %add3A_41 = arith.constant 2048 : i32
    %add3A_42 = vector.broadcast %add3A_41 : i32 to vector<16xi32>
    %add3A_43 = arith.addi %add3A_42, %iota3A : vector<16xi32>
    %add3A_44 = arith.constant 0 : i32
    %add3A_45 = vector.broadcast %add3A_44 : i32 to vector<16xi32>
    %add3A_46 = arith.addi %add3A_43, %add3A_45 : vector<16xi32>
    %add3A_47 = arith.constant 0 : i32
    %add3A_48 = arith.addi %scan3A_39, %add3A_47 : i32
    %swap3A = arith.index_cast %add3A_48 : i32 to index
    %swap3A_49 = tpu.vector_load %arg10[%swap3A] {strides = array<i32>} : memref<10240xi32, #tpu.memory_space<vmem>>, vector<16xi32>,
    tpu.vector_store %arg10[%swap3A], %add3A_46 {strides = array<i32>} : memref<10240xi32, #tpu.memory_space<vmem>>, vector<16xi32>,
    %broadcast_in_dim3A = arith.constant 0 : i32
    %broadcast_in_dim3A_50 = vector.broadcast %broadcast_in_dim3A : i32 to vector<16xi32>
    %add3A_51 = arith.constant 0 : i32
    %add3A_52 = arith.addi %scan3A_39, %add3A_51 : i32
    %swap3A_53 = arith.index_cast %add3A_52 : i32 to index
    %swap3A_54 = tpu.vector_load %arg9[%swap3A_53] {strides = array<i32>} : memref<10240xi32, #tpu.memory_space<vmem>>, vector<16xi32>,
    tpu.vector_store %arg9[%swap3A_53], %broadcast_in_dim3A_50 {strides = array<i32>} : memref<10240xi32, #tpu.memory_space<vmem>>, vector<16xi32>,
    %add3A_55 = arith.constant 16 : i32
    %add3A_56 = vector.broadcast %add3A_55 : i32 to vector<16xi32>
    %add3A_57 = arith.addi %add3A_43, %add3A_56 : vector<16xi32>
    %add3A_58 = arith.constant 16 : i32
    %add3A_59 = arith.addi %scan3A_39, %add3A_58 : i32
    %swap3A_60 = arith.index_cast %add3A_59 : i32 to index
    %swap3A_61 = tpu.vector_load %arg10[%swap3A_60] {strides = array<i32>} : memref<10240xi32, #tpu.memory_space<vmem>>, vector<16xi32>,
    tpu.vector_store %arg10[%swap3A_60], %add3A_57 {strides = array<i32>} : memref<10240xi32, #tpu.memory_space<vmem>>, vector<16xi32>,
    %broadcast_in_dim3A_62 = arith.constant 0 : i32
    %broadcast_in_dim3A_63 = vector.broadcast %broadcast_in_dim3A_62 : i32 to vector<16xi32>
    %add3A_64 = arith.constant 16 : i32
    %add3A_65 = arith.addi %scan3A_39, %add3A_64 : i32
    %swap3A_66 = arith.index_cast %add3A_65 : i32 to index
    %swap3A_67 = tpu.vector_load %arg9[%swap3A_66] {strides = array<i32>} : memref<10240xi32, #tpu.memory_space<vmem>>, vector<16xi32>,
    tpu.vector_store %arg9[%swap3A_66], %broadcast_in_dim3A_63 {strides = array<i32>} : memref<10240xi32, #tpu.memory_space<vmem>>, vector<16xi32>,
    %add3A_68 = arith.constant 32 : i32
    %add3A_69 = vector.broadcast %add3A_68 : i32 to vector<16xi32>
    %add3A_70 = arith.addi %add3A_43, %add3A_69 : vector<16xi32>
    %add3A_71 = arith.constant 32 : i32
    %add3A_72 = arith.addi %scan3A_39, %add3A_71 : i32
    %swap3A_73 = arith.index_cast %add3A_72 : i32 to index
    %swap3A_74 = tpu.vector_load %arg10[%swap3A_73] {strides = array<i32>} : memref<10240xi32, #tpu.memory_space<vmem>>, vector<16xi32>,
    tpu.vector_store %arg10[%swap3A_73], %add3A_70 {strides = array<i32>} : memref<10240xi32, #tpu.memory_space<vmem>>, vector<16xi32>,
    %broadcast_in_dim3A_75 = arith.constant 0 : i32
    %broadcast_in_dim3A_76 = vector.broadcast %broadcast_in_dim3A_75 : i32 to vector<16xi32>
    %add3A_77 = arith.constant 32 : i32
    %add3A_78 = arith.addi %scan3A_39, %add3A_77 : i32
    %swap3A_79 = arith.index_cast %add3A_78 : i32 to index
    %swap3A_80 = tpu.vector_load %arg9[%swap3A_79] {strides = array<i32>} : memref<10240xi32, #tpu.memory_space<vmem>>, vector<16xi32>,
    tpu.vector_store %arg9[%swap3A_79], %broadcast_in_dim3A_76 {strides = array<i32>} : memref<10240xi32, #tpu.memory_space<vmem>>, vector<16xi32>,
    %add3A_81 = arith.constant 48 : i32
    %add3A_82 = vector.broadcast %add3A_81 : i32 to vector<16xi32>
    %add3A_83 = arith.addi %add3A_43, %add3A_82 : vector<16xi32>
    %add3A_84 = arith.constant 48 : i32
    %add3A_85 = arith.addi %scan3A_39, %add3A_84 : i32
    %swap3A_86 = arith.index_cast %add3A_85 : i32 to index
    %swap3A_87 = tpu.vector_load %arg10[%swap3A_86] {strides = array<i32>} : memref<10240xi32, #tpu.memory_space<vmem>>, vector<16xi32>,
    tpu.vector_store %arg10[%swap3A_86], %add3A_83 {strides = array<i32>} : memref<10240xi32, #tpu.memory_space<vmem>>, vector<16xi32>,
    %broadcast_in_dim3A_88 = arith.constant 0 : i32
    %broadcast_in_dim3A_89 = vector.broadcast %broadcast_in_dim3A_88 : i32 to vector<16xi32>
    %add3A_90 = arith.constant 48 : i32
    %add3A_91 = arith.addi %scan3A_39, %add3A_90 : i32
    %swap3A_92 = arith.index_cast %add3A_91 : i32 to index
    %swap3A_93 = tpu.vector_load %arg9[%swap3A_92] {strides = array<i32>} : memref<10240xi32, #tpu.memory_space<vmem>>, vector<16xi32>,
    tpu.vector_store %arg9[%swap3A_92], %broadcast_in_dim3A_89 {strides = array<i32>} : memref<10240xi32, #tpu.memory_space<vmem>>, vector<16xi32>,
    %add3A_94 = arith.constant 64 : i32
    %add3A_95 = vector.broadcast %add3A_94 : i32 to vector<16xi32>
    %add3A_96 = arith.addi %add3A_43, %add3A_95 : vector<16xi32>
    %add3A_97 = arith.constant 64 : i32
    %add3A_98 = arith.addi %scan3A_39, %add3A_97 : i32
    %swap3A_99 = arith.index_cast %add3A_98 : i32 to index
    %swap3A_100 = tpu.vector_load %arg10[%swap3A_99] {strides = array<i32>} : memref<10240xi32, #tpu.memory_space<vmem>>, vector<16xi32>,
    tpu.vector_store %arg10[%swap3A_99], %add3A_96 {strides = array<i32>} : memref<10240xi32, #tpu.memory_space<vmem>>, vector<16xi32>,
    %broadcast_in_dim3A_101 = arith.constant 0 : i32
    %broadcast_in_dim3A_102 = vector.broadcast %broadcast_in_dim3A_101 : i32 to vector<16xi32>
    %add3A_103 = arith.constant 64 : i32
    %add3A_104 = arith.addi %scan3A_39, %add3A_103 : i32
    %swap3A_105 = arith.index_cast %add3A_104 : i32 to index
    %swap3A_106 = tpu.vector_load %arg9[%swap3A_105] {strides = array<i32>} : memref<10240xi32, #tpu.memory_space<vmem>>, vector<16xi32>,
    tpu.vector_store %arg9[%swap3A_105], %broadcast_in_dim3A_102 {strides = array<i32>} : memref<10240xi32, #tpu.memory_space<vmem>>, vector<16xi32>,
    %add3A_107 = arith.constant 80 : i32
    %add3A_108 = vector.broadcast %add3A_107 : i32 to vector<16xi32>
    %add3A_109 = arith.addi %add3A_43, %add3A_108 : vector<16xi32>
    %add3A_110 = arith.constant 80 : i32
    %add3A_111 = arith.addi %scan3A_39, %add3A_110 : i32
    %swap3A_112 = arith.index_cast %add3A_111 : i32 to index
    %swap3A_113 = tpu.vector_load %arg10[%swap3A_112] {strides = array<i32>} : memref<10240xi32, #tpu.memory_space<vmem>>, vector<16xi32>,
    tpu.vector_store %arg10[%swap3A_112], %add3A_109 {strides = array<i32>} : memref<10240xi32, #tpu.memory_space<vmem>>, vector<16xi32>,
    %broadcast_in_dim3A_114 = arith.constant 0 : i32
    %broadcast_in_dim3A_115 = vector.broadcast %broadcast_in_dim3A_114 : i32 to vector<16xi32>
    %add3A_116 = arith.constant 80 : i32
    %add3A_117 = arith.addi %scan3A_39, %add3A_116 : i32
    %swap3A_118 = arith.index_cast %add3A_117 : i32 to index
    %swap3A_119 = tpu.vector_load %arg9[%swap3A_118] {strides = array<i32>} : memref<10240xi32, #tpu.memory_space<vmem>>, vector<16xi32>,
    tpu.vector_store %arg9[%swap3A_118], %broadcast_in_dim3A_115 {strides = array<i32>} : memref<10240xi32, #tpu.memory_space<vmem>>, vector<16xi32>,
    %add3A_120 = arith.constant 96 : i32
    %add3A_121 = vector.broadcast %add3A_120 : i32 to vector<16xi32>
    %add3A_122 = arith.addi %add3A_43, %add3A_121 : vector<16xi32>
    %add3A_123 = arith.constant 96 : i32
    %add3A_124 = arith.addi %scan3A_39, %add3A_123 : i32
    %swap3A_125 = arith.index_cast %add3A_124 : i32 to index
    %swap3A_126 = tpu.vector_load %arg10[%swap3A_125] {strides = array<i32>} : memref<10240xi32, #tpu.memory_space<vmem>>, vector<16xi32>,
    tpu.vector_store %arg10[%swap3A_125], %add3A_122 {strides = array<i32>} : memref<10240xi32, #tpu.memory_space<vmem>>, vector<16xi32>,
    %broadcast_in_dim3A_127 = arith.constant 0 : i32
    %broadcast_in_dim3A_128 = vector.broadcast %broadcast_in_dim3A_127 : i32 to vector<16xi32>
    %add3A_129 = arith.constant 96 : i32
    %add3A_130 = arith.addi %scan3A_39, %add3A_129 : i32
    %swap3A_131 = arith.index_cast %add3A_130 : i32 to index
    %swap3A_132 = tpu.vector_load %arg9[%swap3A_131] {strides = array<i32>} : memref<10240xi32, #tpu.memory_space<vmem>>, vector<16xi32>,
    tpu.vector_store %arg9[%swap3A_131], %broadcast_in_dim3A_128 {strides = array<i32>} : memref<10240xi32, #tpu.memory_space<vmem>>, vector<16xi32>,
    %add3A_133 = arith.constant 112 : i32
    %add3A_134 = vector.broadcast %add3A_133 : i32 to vector<16xi32>
    %add3A_135 = arith.addi %add3A_43, %add3A_134 : vector<16xi32>
    %add3A_136 = arith.constant 112 : i32
    %add3A_137 = arith.addi %scan3A_39, %add3A_136 : i32
    %swap3A_138 = arith.index_cast %add3A_137 : i32 to index
    %swap3A_139 = tpu.vector_load %arg10[%swap3A_138] {strides = array<i32>} : memref<10240xi32, #tpu.memory_space<vmem>>, vector<16xi32>,
    tpu.vector_store %arg10[%swap3A_138], %add3A_135 {strides = array<i32>} : memref<10240xi32, #tpu.memory_space<vmem>>, vector<16xi32>,
    %broadcast_in_dim3A_140 = arith.constant 0 : i32
    %broadcast_in_dim3A_141 = vector.broadcast %broadcast_in_dim3A_140 : i32 to vector<16xi32>
    %add3A_142 = arith.constant 112 : i32
    %add3A_143 = arith.addi %scan3A_39, %add3A_142 : i32
    %swap3A_144 = arith.index_cast %add3A_143 : i32 to index
    %swap3A_145 = tpu.vector_load %arg9[%swap3A_144] {strides = array<i32>} : memref<10240xi32, #tpu.memory_space<vmem>>, vector<16xi32>,
    tpu.vector_store %arg9[%swap3A_144], %broadcast_in_dim3A_141 {strides = array<i32>} : memref<10240xi32, #tpu.memory_space<vmem>>, vector<16xi32>,
    %add3A_146 = arith.constant 128 : i32
    %add3A_147 = arith.addi %scan3A_39, %add3A_146 : i32
    %sub3A = arith.constant 1 : i32
    %sub3A_148 = arith.subi %add3A_147, %sub3A : i32
    %jit3A = arith.constant 128 : i32
    %div3A = arith.divsi %sub3A_148, %jit3A : i32
    %sign3A = arith.constant 0 : i32
    %sign3A_149 = arith.cmpi sgt, %sub3A_148, %sign3A : i32
    %sign3A_150 = arith.extui %sign3A_149 : i1 to i32
    %sign3A_151 = arith.constant 0 : i32
    %sign3A_152 = arith.cmpi slt, %sub3A_148, %sign3A_151 : i32
    %sign3A_153 = arith.extui %sign3A_152 : i1 to i32
    %sign3A_154 = arith.subi %sign3A_150, %sign3A_153 : i32
    %sign3A_155 = arith.constant 0 : i32
    %sign3A_156 = arith.cmpi sgt, %jit3A, %sign3A_155 : i32
    %sign3A_157 = arith.extui %sign3A_156 : i1 to i32
    %sign3A_158 = arith.constant 0 : i32
    %sign3A_159 = arith.cmpi slt, %jit3A, %sign3A_158 : i32
    %sign3A_160 = arith.extui %sign3A_159 : i1 to i32
    %sign3A_161 = arith.subi %sign3A_157, %sign3A_160 : i32
    %ne3A = arith.cmpi ne, %sign3A_154, %sign3A_161 : i32
    %rem3A = arith.remsi %sub3A_148, %jit3A : i32
    %ne3A_162 = arith.constant 0 : i32
    %ne3A_163 = arith.cmpi ne, %rem3A, %ne3A_162 : i32
    %and3A = arith.andi %ne3A, %ne3A_163 : i1
    %sub3A_164 = arith.constant 1 : i32
    %sub3A_165 = arith.subi %div3A, %sub3A_164 : i32
    %select_n3A = arith.select %and3A, %sub3A_165, %div3A : i32
    %max3A = arith.constant 1 : i32
    %max3A_166 = arith.maxsi %select_n3A, %max3A : i32
    %while3A = arith.constant 0 : i32
    %while3A_167 = arith.constant 0 : i32
    %while3A_168 = arith.subi %max3A_166, %while3A_167 : i32
    %while3A_169 = arith.addi %while3A_167, %while3A_168 : i32
    %while3A_170 = arith.constant 1 : i32
    %while3A_171 = arith.divsi %while3A_168, %while3A_170 : i32
    %while3A_172 = arith.muli %while3A_171, %while3A_170 : i32
    %while3A_173 = arith.addi %while3A_167, %while3A_172 : i32
    %while3A_174 = arith.constant 1 : i32
    scf.for %while3A_179 = %while3A_167 to %while3A_173 step %while3A_174  : i32 {
      %mul3A_180 = arith.constant 128 : i32
      %mul3A_181 = arith.muli %while3A_179, %mul3A_180 : i32
      "tpu.region"() ({
        %run_scoped3A = tpu.sem_alloc : memref<!tpu.dma_semaphore, #tpu.memory_space<semaphore_mem>>
        %dma_start3A = tpu.memref_slice %arg9[%mul3A_181] : memref<10240xi32, #tpu.memory_space<vmem>> -> memref<128xi32, #tpu.memory_space<vmem>>
        %dma_start3A_188 = arith.constant 0 : i32
        %dma_start3A_189 = arith.constant 0 : i32
        %dma_start3A_190 = tpu.memref_slice %arg2[%dma_start3A_188, %dma_start3A_189] : memref<50000x128xf32, #tpu.memory_space<hbm>> -> memref<50000x128xf32, #tpu.memory_space<hbm>>
        tpu.enqueue_indirect_dma source(%dma_start3A_190 : memref<50000x128xf32, #tpu.memory_space<hbm>>) target(%arg11 : memref<128x128xf32, #tpu.memory_space<vmem>>) offsets(%dma_start3A : memref<128xi32, #tpu.memory_space<vmem>>) semaphore(%run_scoped3A : memref<!tpu.dma_semaphore, #tpu.memory_space<semaphore_mem>>)
        %dma_wait3A = tpu.memref_slice %arg9[%mul3A_181] : memref<10240xi32, #tpu.memory_space<vmem>> -> memref<128xi32, #tpu.memory_space<vmem>>
        %dma_wait3A_191 = arith.constant 0 : i32
        %dma_wait3A_192 = arith.constant 0 : i32
        %dma_wait3A_193 = tpu.memref_slice %arg2[%dma_wait3A_191, %dma_wait3A_192] : memref<50000x128xf32, #tpu.memory_space<hbm>> -> memref<50000x128xf32, #tpu.memory_space<hbm>>
        tpu.wait_indirect_dma semaphore(%run_scoped3A : memref<!tpu.dma_semaphore, #tpu.memory_space<semaphore_mem>>) src(%dma_wait3A_193 : memref<50000x128xf32, #tpu.memory_space<hbm>>) dst(%arg11 : memref<128x128xf32, #tpu.memory_space<vmem>>)
        tpu.yield
      }) : () -> ()
      %mul3A_182 = arith.constant 128 : i32
      %mul3A_183 = arith.muli %while3A_179, %mul3A_182 : i32
      "tpu.region"() ({
        %run_scoped3A = tpu.sem_alloc : memref<!tpu.dma_semaphore, #tpu.memory_space<semaphore_mem>>
        %dma_start3A = tpu.memref_slice %arg10[%mul3A_183] : memref<10240xi32, #tpu.memory_space<vmem>> -> memref<128xi32, #tpu.memory_space<vmem>>
        %dma_start3A_188 = arith.constant 0 : i32
        %dma_start3A_189 = arith.constant 0 : i32
        %dma_start3A_190 = tpu.memref_slice %arg14[%dma_start3A_188, %dma_start3A_189] : memref<2560x128xf32, #tpu.memory_space<vmem_shared>> -> memref<2560x128xf32, #tpu.memory_space<vmem_shared>>
        tpu.enqueue_indirect_dma source(%arg11 : memref<128x128xf32, #tpu.memory_space<vmem>>) target(%dma_start3A_190 : memref<2560x128xf32, #tpu.memory_space<vmem_shared>>) offsets(%dma_start3A : memref<128xi32, #tpu.memory_space<vmem>>) semaphore(%run_scoped3A : memref<!tpu.dma_semaphore, #tpu.memory_space<semaphore_mem>>) {add = true}
        %dma_wait3A = tpu.memref_slice %arg10[%mul3A_183] : memref<10240xi32, #tpu.memory_space<vmem>> -> memref<128xi32, #tpu.memory_space<vmem>>
        %dma_wait3A_191 = arith.constant 0 : i32
        %dma_wait3A_192 = arith.constant 0 : i32
        %dma_wait3A_193 = tpu.memref_slice %arg14[%dma_wait3A_191, %dma_wait3A_192] : memref<2560x128xf32, #tpu.memory_space<vmem_shared>> -> memref<2560x128xf32, #tpu.memory_space<vmem_shared>>
        tpu.wait_indirect_dma semaphore(%run_scoped3A : memref<!tpu.dma_semaphore, #tpu.memory_space<semaphore_mem>>) src(%arg11 : memref<128x128xf32, #tpu.memory_space<vmem>>) dst(%dma_wait3A_193 : memref<2560x128xf32, #tpu.memory_space<vmem_shared>>)
        tpu.yield
      }) : () -> ()
      %mul3A_184 = arith.constant 128 : i32
      %mul3A_185 = arith.muli %while3A_179, %mul3A_184 : i32
      %add3A_186 = arith.constant 0 : i32
      %add3A_187 = arith.addi %mul3A_185, %add3A_186 : i32
      "tpu.region"() ({
        %run_scoped3A = tpu.sem_alloc : memref<!tpu.dma_semaphore, #tpu.memory_space<semaphore_mem>>
        %dma_start3A = tpu.memref_slice %arg10[%add3A_187] : memref<10240xi32, #tpu.memory_space<vmem>> -> memref<128xi32, #tpu.memory_space<vmem>>
        %dma_start3A_188 = arith.constant 0 : i32
        %dma_start3A_189 = arith.constant 0 : i32
        %dma_start3A_190 = tpu.memref_slice %arg15[%dma_start3A_188, %dma_start3A_189] : memref<2560x128xf32, #tpu.memory_space<vmem_shared>> -> memref<2560x128xf32, #tpu.memory_space<vmem_shared>>
        tpu.enqueue_indirect_dma source(%arg12 : memref<128x128xf32, #tpu.memory_space<vmem>>) target(%dma_start3A_190 : memref<2560x128xf32, #tpu.memory_space<vmem_shared>>) offsets(%dma_start3A : memref<128xi32, #tpu.memory_space<vmem>>) semaphore(%run_scoped3A : memref<!tpu.dma_semaphore, #tpu.memory_space<semaphore_mem>>) {add = true}
        %dma_wait3A = tpu.memref_slice %arg10[%add3A_187] : memref<10240xi32, #tpu.memory_space<vmem>> -> memref<128xi32, #tpu.memory_space<vmem>>
        %dma_wait3A_191 = arith.constant 0 : i32
        %dma_wait3A_192 = arith.constant 0 : i32
        %dma_wait3A_193 = tpu.memref_slice %arg15[%dma_wait3A_191, %dma_wait3A_192] : memref<2560x128xf32, #tpu.memory_space<vmem_shared>> -> memref<2560x128xf32, #tpu.memory_space<vmem_shared>>
        tpu.wait_indirect_dma semaphore(%run_scoped3A : memref<!tpu.dma_semaphore, #tpu.memory_space<semaphore_mem>>) src(%arg12 : memref<128x128xf32, #tpu.memory_space<vmem>>) dst(%dma_wait3A_193 : memref<2560x128xf32, #tpu.memory_space<vmem_shared>>)
        tpu.yield
      }) : () -> ()
    }
    %while3A_175 = arith.constant 1 : i32
    scf.for %while3A_179 = %while3A_173 to %while3A_169 step %while3A_175  : i32 {
      %mul3A_180 = arith.constant 128 : i32
      %mul3A_181 = arith.muli %while3A_179, %mul3A_180 : i32
      "tpu.region"() ({
        %run_scoped3A = tpu.sem_alloc : memref<!tpu.dma_semaphore, #tpu.memory_space<semaphore_mem>>
        %dma_start3A = tpu.memref_slice %arg9[%mul3A_181] : memref<10240xi32, #tpu.memory_space<vmem>> -> memref<128xi32, #tpu.memory_space<vmem>>
        %dma_start3A_188 = arith.constant 0 : i32
        %dma_start3A_189 = arith.constant 0 : i32
        %dma_start3A_190 = tpu.memref_slice %arg2[%dma_start3A_188, %dma_start3A_189] : memref<50000x128xf32, #tpu.memory_space<hbm>> -> memref<50000x128xf32, #tpu.memory_space<hbm>>
        tpu.enqueue_indirect_dma source(%dma_start3A_190 : memref<50000x128xf32, #tpu.memory_space<hbm>>) target(%arg11 : memref<128x128xf32, #tpu.memory_space<vmem>>) offsets(%dma_start3A : memref<128xi32, #tpu.memory_space<vmem>>) semaphore(%run_scoped3A : memref<!tpu.dma_semaphore, #tpu.memory_space<semaphore_mem>>)
        %dma_wait3A = tpu.memref_slice %arg9[%mul3A_181] : memref<10240xi32, #tpu.memory_space<vmem>> -> memref<128xi32, #tpu.memory_space<vmem>>
        %dma_wait3A_191 = arith.constant 0 : i32
        %dma_wait3A_192 = arith.constant 0 : i32
        %dma_wait3A_193 = tpu.memref_slice %arg2[%dma_wait3A_191, %dma_wait3A_192] : memref<50000x128xf32, #tpu.memory_space<hbm>> -> memref<50000x128xf32, #tpu.memory_space<hbm>>
        tpu.wait_indirect_dma semaphore(%run_scoped3A : memref<!tpu.dma_semaphore, #tpu.memory_space<semaphore_mem>>) src(%dma_wait3A_193 : memref<50000x128xf32, #tpu.memory_space<hbm>>) dst(%arg11 : memref<128x128xf32, #tpu.memory_space<vmem>>)
        tpu.yield
      }) : () -> ()
      %mul3A_182 = arith.constant 128 : i32
      %mul3A_183 = arith.muli %while3A_179, %mul3A_182 : i32
      "tpu.region"() ({
        %run_scoped3A = tpu.sem_alloc : memref<!tpu.dma_semaphore, #tpu.memory_space<semaphore_mem>>
        %dma_start3A = tpu.memref_slice %arg10[%mul3A_183] : memref<10240xi32, #tpu.memory_space<vmem>> -> memref<128xi32, #tpu.memory_space<vmem>>
        %dma_start3A_188 = arith.constant 0 : i32
        %dma_start3A_189 = arith.constant 0 : i32
        %dma_start3A_190 = tpu.memref_slice %arg14[%dma_start3A_188, %dma_start3A_189] : memref<2560x128xf32, #tpu.memory_space<vmem_shared>> -> memref<2560x128xf32, #tpu.memory_space<vmem_shared>>
        tpu.enqueue_indirect_dma source(%arg11 : memref<128x128xf32, #tpu.memory_space<vmem>>) target(%dma_start3A_190 : memref<2560x128xf32, #tpu.memory_space<vmem_shared>>) offsets(%dma_start3A : memref<128xi32, #tpu.memory_space<vmem>>) semaphore(%run_scoped3A : memref<!tpu.dma_semaphore, #tpu.memory_space<semaphore_mem>>) {add = true}
        %dma_wait3A = tpu.memref_slice %arg10[%mul3A_183] : memref<10240xi32, #tpu.memory_space<vmem>> -> memref<128xi32, #tpu.memory_space<vmem>>
        %dma_wait3A_191 = arith.constant 0 : i32
        %dma_wait3A_192 = arith.constant 0 : i32
        %dma_wait3A_193 = tpu.memref_slice %arg14[%dma_wait3A_191, %dma_wait3A_192] : memref<2560x128xf32, #tpu.memory_space<vmem_shared>> -> memref<2560x128xf32, #tpu.memory_space<vmem_shared>>
        tpu.wait_indirect_dma semaphore(%run_scoped3A : memref<!tpu.dma_semaphore, #tpu.memory_space<semaphore_mem>>) src(%arg11 : memref<128x128xf32, #tpu.memory_space<vmem>>) dst(%dma_wait3A_193 : memref<2560x128xf32, #tpu.memory_space<vmem_shared>>)
        tpu.yield
      }) : () -> ()
      %mul3A_184 = arith.constant 128 : i32
      %mul3A_185 = arith.muli %while3A_179, %mul3A_184 : i32
      %add3A_186 = arith.constant 0 : i32
      %add3A_187 = arith.addi %mul3A_185, %add3A_186 : i32
      "tpu.region"() ({
        %run_scoped3A = tpu.sem_alloc : memref<!tpu.dma_semaphore, #tpu.memory_space<semaphore_mem>>
        %dma_start3A = tpu.memref_slice %arg10[%add3A_187] : memref<10240xi32, #tpu.memory_space<vmem>> -> memref<128xi32, #tpu.memory_space<vmem>>
        %dma_start3A_188 = arith.constant 0 : i32
        %dma_start3A_189 = arith.constant 0 : i32
        %dma_start3A_190 = tpu.memref_slice %arg15[%dma_start3A_188, %dma_start3A_189] : memref<2560x128xf32, #tpu.memory_space<vmem_shared>> -> memref<2560x128xf32, #tpu.memory_space<vmem_shared>>
        tpu.enqueue_indirect_dma source(%arg12 : memref<128x128xf32, #tpu.memory_space<vmem>>) target(%dma_start3A_190 : memref<2560x128xf32, #tpu.memory_space<vmem_shared>>) offsets(%dma_start3A : memref<128xi32, #tpu.memory_space<vmem>>) semaphore(%run_scoped3A : memref<!tpu.dma_semaphore, #tpu.memory_space<semaphore_mem>>) {add = true}
        %dma_wait3A = tpu.memref_slice %arg10[%add3A_187] : memref<10240xi32, #tpu.memory_space<vmem>> -> memref<128xi32, #tpu.memory_space<vmem>>
        %dma_wait3A_191 = arith.constant 0 : i32
        %dma_wait3A_192 = arith.constant 0 : i32
        %dma_wait3A_193 = tpu.memref_slice %arg15[%dma_wait3A_191, %dma_wait3A_192] : memref<2560x128xf32, #tpu.memory_space<vmem_shared>> -> memref<2560x128xf32, #tpu.memory_space<vmem_shared>>
        tpu.wait_indirect_dma semaphore(%run_scoped3A : memref<!tpu.dma_semaphore, #tpu.memory_space<semaphore_mem>>) src(%arg12 : memref<128x128xf32, #tpu.memory_space<vmem>>) dst(%dma_wait3A_193 : memref<2560x128xf32, #tpu.memory_space<vmem_shared>>)
        tpu.yield
      }) : () -> ()
    }
    %barrier3A_176 = arith.constant 0 : index
    tpu.barrier barrier_id(%barrier3A_176)
    %mul3A_177 = arith.constant 128 : i32
    %mul3A_178 = arith.muli %arg1, %mul3A_177 : i32
    "tpu.region"() ({
      %run_scoped3A = tpu.sem_alloc : memref<!tpu.dma_semaphore, #tpu.memory_space<semaphore_mem>>
      %dma_start3A = arith.constant 0 : i32
      %dma_start3A_179 = tpu.memref_slice %arg5[%arg0, %mul3A_178, %dma_start3A] : memref<2x2048x128xf32, #tpu.memory_space<hbm>> -> memref<1x128x128xf32, #tpu.memory_space<hbm>>
      %dma_start3A_180 = tpu.memref_squeeze %dma_start3A_179 : memref<1x128x128xf32, #tpu.memory_space<hbm>> -> memref<128x128xf32, #tpu.memory_space<hbm>>
      %dma_start3A_181 = arith.constant 0 : i32
      %dma_start3A_182 = tpu.memref_slice %arg14[%mul3A_178, %dma_start3A_181] : memref<2560x128xf32, #tpu.memory_space<vmem_shared>> -> memref<128x128xf32, #tpu.memory_space<vmem_shared>>
      tpu.enqueue_dma source(%dma_start3A_182 : memref<128x128xf32, #tpu.memory_space<vmem_shared>>) target(%dma_start3A_180 : memref<128x128xf32, #tpu.memory_space<hbm>>) target_semaphore(%run_scoped3A : memref<!tpu.dma_semaphore, #tpu.memory_space<semaphore_mem>>)
      %dma_wait3A = arith.constant 0 : i32
      %dma_wait3A_183 = tpu.memref_slice %arg5[%arg0, %mul3A_178, %dma_wait3A] : memref<2x2048x128xf32, #tpu.memory_space<hbm>> -> memref<1x128x128xf32, #tpu.memory_space<hbm>>
      %dma_wait3A_184 = tpu.memref_squeeze %dma_wait3A_183 : memref<1x128x128xf32, #tpu.memory_space<hbm>> -> memref<128x128xf32, #tpu.memory_space<hbm>>
      %dma_wait3A_185 = arith.constant 0 : i32
      %dma_wait3A_186 = tpu.memref_slice %arg14[%mul3A_178, %dma_wait3A_185] : memref<2560x128xf32, #tpu.memory_space<vmem_shared>> -> memref<128x128xf32, #tpu.memory_space<vmem_shared>>
      tpu.wait_dma2 semaphore(%run_scoped3A : memref<!tpu.dma_semaphore, #tpu.memory_space<semaphore_mem>>) src(%dma_wait3A_186 : memref<128x128xf32, #tpu.memory_space<vmem_shared>>) dst(%dma_wait3A_184 : memref<128x128xf32, #tpu.memory_space<hbm>>)
      tpu.yield
    }) : () -> ()
    "tpu.region"() ({
      %run_scoped3A = tpu.sem_alloc : memref<!tpu.dma_semaphore, #tpu.memory_space<semaphore_mem>>
      %dma_start3A = arith.constant 0 : i32
      %dma_start3A_179 = tpu.memref_slice %arg6[%arg0, %mul3A_178, %dma_start3A] : memref<2x2048x128xf32, #tpu.memory_space<hbm>> -> memref<1x128x128xf32, #tpu.memory_space<hbm>>
      %dma_start3A_180 = tpu.memref_squeeze %dma_start3A_179 : memref<1x128x128xf32, #tpu.memory_space<hbm>> -> memref<128x128xf32, #tpu.memory_space<hbm>>
      %dma_start3A_181 = arith.constant 0 : i32
      %dma_start3A_182 = tpu.memref_slice %arg15[%mul3A_178, %dma_start3A_181] : memref<2560x128xf32, #tpu.memory_space<vmem_shared>> -> memref<128x128xf32, #tpu.memory_space<vmem_shared>>
      tpu.enqueue_dma source(%dma_start3A_182 : memref<128x128xf32, #tpu.memory_space<vmem_shared>>) target(%dma_start3A_180 : memref<128x128xf32, #tpu.memory_space<hbm>>) target_semaphore(%run_scoped3A : memref<!tpu.dma_semaphore, #tpu.memory_space<semaphore_mem>>)
      %dma_wait3A = arith.constant 0 : i32
      %dma_wait3A_183 = tpu.memref_slice %arg6[%arg0, %mul3A_178, %dma_wait3A] : memref<2x2048x128xf32, #tpu.memory_space<hbm>> -> memref<1x128x128xf32, #tpu.memory_space<hbm>>
      %dma_wait3A_184 = tpu.memref_squeeze %dma_wait3A_183 : memref<1x128x128xf32, #tpu.memory_space<hbm>> -> memref<128x128xf32, #tpu.memory_space<hbm>>
      %dma_wait3A_185 = arith.constant 0 : i32
      %dma_wait3A_186 = tpu.memref_slice %arg15[%mul3A_178, %dma_wait3A_185] : memref<2560x128xf32, #tpu.memory_space<vmem_shared>> -> memref<128x128xf32, #tpu.memory_space<vmem_shared>>
      tpu.wait_dma2 semaphore(%run_scoped3A : memref<!tpu.dma_semaphore, #tpu.memory_space<semaphore_mem>>) src(%dma_wait3A_186 : memref<128x128xf32, #tpu.memory_space<vmem_shared>>) dst(%dma_wait3A_184 : memref<128x128xf32, #tpu.memory_space<hbm>>)
      tpu.yield
    }) : () -> ()
    return
  }
}

#map = affine_map<(d0, d1) -> (0, 0)>
#map1 = affine_map<(d0, d1) -> (0, 0, 0)>
module attributes {stable_mosaic.version = 14 : i64} {
  func.func @seg(%arg0: i32, %arg1: i32, %arg2: memref<2048x128xf32, #tpu.memory_space<hbm>>, %arg3: memref<32x16x128xi32, #tpu.memory_space<hbm>>, %arg4: memref<32x16x128xi32, #tpu.memory_space<hbm>>, %arg5: memref<2x1024x128xf32, #tpu.memory_space<hbm>>, %arg6: memref<2x1024x128xf32, #tpu.memory_space<hbm>>, %arg7: memref<16x128xi32, #tpu.memory_space<vmem>>, %arg8: memref<16x128xi32, #tpu.memory_space<vmem>>, %arg9: memref<2176xi32, #tpu.memory_space<vmem>>, %arg10: memref<2176xi32, #tpu.memory_space<vmem>>, %arg11: memref<128x128xf32, #tpu.memory_space<vmem>>, %arg12: memref<128x128xf32, #tpu.memory_space<vmem>>, %arg13: memref<32x128xf32, #tpu.memory_space<vmem>>, %arg14: memref<1536x128xf32, #tpu.memory_space<vmem_shared>>, %arg15: memref<1536x128xf32, #tpu.memory_space<vmem_shared>>) attributes {dimension_semantics = [#tpu.dimension_semantics<core_parallel>, #tpu.dimension_semantics<subcore_parallel>], iteration_bounds = array<i64: 2, 16>, scalar_prefetch = 0 : i64, scratch_operands = 9 : i64, tpu.core_type = #tpu.core_type<sc_vector_subcore>, window_params = [{transform_indices = #map}, {transform_indices = #map1}, {transform_indices = #map1}, {transform_indices = #map1}, {transform_indices = #map1}]} {
    %mul3A = arith.constant 16 : i32
    %mul3A_0 = arith.muli %arg0, %mul3A : i32
    %add3A = arith.addi %mul3A_0, %arg1 : i32
    %scan3A = arith.constant 0 : i32
    %scan3A_1 = arith.constant 0 : i32
    %scan3A_2 = arith.constant 32 : i32
    %scan3A_3 = arith.addi %scan3A_1, %scan3A_2 : i32
    %scan3A_4 = arith.constant 1 : i32
    scf.for %scan3A_171 = %scan3A_1 to %scan3A_3 step %scan3A_4  : i32 {
      %broadcast_in_dim3A_172 = arith.constant 0.000000e+00 : f32
      %broadcast_in_dim3A_173 = vector.broadcast %broadcast_in_dim3A_172 : f32 to vector<16xf32>
      %swap3A_174 = arith.index_cast %scan3A_171 : i32 to index
      %swap3A_175 = arith.constant 0 : index
      %swap3A_176 = tpu.vector_load %arg13[%swap3A_174, %swap3A_175] {strides = array<i32>} : memref<32x128xf32, #tpu.memory_space<vmem>>, vector<16xf32>,
      tpu.vector_store %arg13[%swap3A_174, %swap3A_175], %broadcast_in_dim3A_173 {strides = array<i32>} : memref<32x128xf32, #tpu.memory_space<vmem>>, vector<16xf32>,
      %broadcast_in_dim3A_177 = arith.constant 0.000000e+00 : f32
      %broadcast_in_dim3A_178 = vector.broadcast %broadcast_in_dim3A_177 : f32 to vector<16xf32>
      %swap3A_179 = arith.index_cast %scan3A_171 : i32 to index
      %swap3A_180 = arith.constant 16 : index
      %swap3A_181 = tpu.vector_load %arg13[%swap3A_179, %swap3A_180] {strides = array<i32>} : memref<32x128xf32, #tpu.memory_space<vmem>>, vector<16xf32>,
      tpu.vector_store %arg13[%swap3A_179, %swap3A_180], %broadcast_in_dim3A_178 {strides = array<i32>} : memref<32x128xf32, #tpu.memory_space<vmem>>, vector<16xf32>,
      %broadcast_in_dim3A_182 = arith.constant 0.000000e+00 : f32
      %broadcast_in_dim3A_183 = vector.broadcast %broadcast_in_dim3A_182 : f32 to vector<16xf32>
      %swap3A_184 = arith.index_cast %scan3A_171 : i32 to index
      %swap3A_185 = arith.constant 32 : index
      %swap3A_186 = tpu.vector_load %arg13[%swap3A_184, %swap3A_185] {strides = array<i32>} : memref<32x128xf32, #tpu.memory_space<vmem>>, vector<16xf32>,
      tpu.vector_store %arg13[%swap3A_184, %swap3A_185], %broadcast_in_dim3A_183 {strides = array<i32>} : memref<32x128xf32, #tpu.memory_space<vmem>>, vector<16xf32>,
      %broadcast_in_dim3A_187 = arith.constant 0.000000e+00 : f32
      %broadcast_in_dim3A_188 = vector.broadcast %broadcast_in_dim3A_187 : f32 to vector<16xf32>
      %swap3A_189 = arith.index_cast %scan3A_171 : i32 to index
      %swap3A_190 = arith.constant 48 : index
      %swap3A_191 = tpu.vector_load %arg13[%swap3A_189, %swap3A_190] {strides = array<i32>} : memref<32x128xf32, #tpu.memory_space<vmem>>, vector<16xf32>,
      tpu.vector_store %arg13[%swap3A_189, %swap3A_190], %broadcast_in_dim3A_188 {strides = array<i32>} : memref<32x128xf32, #tpu.memory_space<vmem>>, vector<16xf32>,
      %broadcast_in_dim3A_192 = arith.constant 0.000000e+00 : f32
      %broadcast_in_dim3A_193 = vector.broadcast %broadcast_in_dim3A_192 : f32 to vector<16xf32>
      %swap3A_194 = arith.index_cast %scan3A_171 : i32 to index
      %swap3A_195 = arith.constant 64 : index
      %swap3A_196 = tpu.vector_load %arg13[%swap3A_194, %swap3A_195] {strides = array<i32>} : memref<32x128xf32, #tpu.memory_space<vmem>>, vector<16xf32>,
      tpu.vector_store %arg13[%swap3A_194, %swap3A_195], %broadcast_in_dim3A_193 {strides = array<i32>} : memref<32x128xf32, #tpu.memory_space<vmem>>, vector<16xf32>,
      %broadcast_in_dim3A_197 = arith.constant 0.000000e+00 : f32
      %broadcast_in_dim3A_198 = vector.broadcast %broadcast_in_dim3A_197 : f32 to vector<16xf32>
      %swap3A_199 = arith.index_cast %scan3A_171 : i32 to index
      %swap3A_200 = arith.constant 80 : index
      %swap3A_201 = tpu.vector_load %arg13[%swap3A_199, %swap3A_200] {strides = array<i32>} : memref<32x128xf32, #tpu.memory_space<vmem>>, vector<16xf32>,
      tpu.vector_store %arg13[%swap3A_199, %swap3A_200], %broadcast_in_dim3A_198 {strides = array<i32>} : memref<32x128xf32, #tpu.memory_space<vmem>>, vector<16xf32>,
      %broadcast_in_dim3A_202 = arith.constant 0.000000e+00 : f32
      %broadcast_in_dim3A_203 = vector.broadcast %broadcast_in_dim3A_202 : f32 to vector<16xf32>
      %swap3A_204 = arith.index_cast %scan3A_171 : i32 to index
      %swap3A_205 = arith.constant 96 : index
      %swap3A_206 = tpu.vector_load %arg13[%swap3A_204, %swap3A_205] {strides = array<i32>} : memref<32x128xf32, #tpu.memory_space<vmem>>, vector<16xf32>,
      tpu.vector_store %arg13[%swap3A_204, %swap3A_205], %broadcast_in_dim3A_203 {strides = array<i32>} : memref<32x128xf32, #tpu.memory_space<vmem>>, vector<16xf32>,
      %broadcast_in_dim3A_207 = arith.constant 0.000000e+00 : f32
      %broadcast_in_dim3A_208 = vector.broadcast %broadcast_in_dim3A_207 : f32 to vector<16xf32>
      %swap3A_209 = arith.index_cast %scan3A_171 : i32 to index
      %swap3A_210 = arith.constant 112 : index
      %swap3A_211 = tpu.vector_load %arg13[%swap3A_209, %swap3A_210] {strides = array<i32>} : memref<32x128xf32, #tpu.memory_space<vmem>>, vector<16xf32>,
      tpu.vector_store %arg13[%swap3A_209, %swap3A_210], %broadcast_in_dim3A_208 {strides = array<i32>} : memref<32x128xf32, #tpu.memory_space<vmem>>, vector<16xf32>,
    }
    %scan3A_5 = arith.constant 32 : i32
    %scan3A_6 = arith.constant 0 : i32
    %scan3A_7 = arith.constant 0 : i32
    %scan3A_8 = arith.constant 128 : i32
    %scan3A_9 = arith.addi %scan3A_7, %scan3A_8 : i32
    %scan3A_10 = arith.constant 1 : i32
    scf.for %scan3A_171 = %scan3A_7 to %scan3A_9 step %scan3A_10  : i32 {
      %broadcast_in_dim3A_172 = arith.constant 1.000000e+00 : f32
      %broadcast_in_dim3A_173 = vector.broadcast %broadcast_in_dim3A_172 : f32 to vector<16xf32>
      %swap3A_174 = arith.index_cast %scan3A_171 : i32 to index
      %swap3A_175 = arith.constant 0 : index
      %swap3A_176 = tpu.vector_load %arg12[%swap3A_174, %swap3A_175] {strides = array<i32>} : memref<128x128xf32, #tpu.memory_space<vmem>>, vector<16xf32>,
      tpu.vector_store %arg12[%swap3A_174, %swap3A_175], %broadcast_in_dim3A_173 {strides = array<i32>} : memref<128x128xf32, #tpu.memory_space<vmem>>, vector<16xf32>,
      %broadcast_in_dim3A_177 = arith.constant 1.000000e+00 : f32
      %broadcast_in_dim3A_178 = vector.broadcast %broadcast_in_dim3A_177 : f32 to vector<16xf32>
      %swap3A_179 = arith.index_cast %scan3A_171 : i32 to index
      %swap3A_180 = arith.constant 16 : index
      %swap3A_181 = tpu.vector_load %arg12[%swap3A_179, %swap3A_180] {strides = array<i32>} : memref<128x128xf32, #tpu.memory_space<vmem>>, vector<16xf32>,
      tpu.vector_store %arg12[%swap3A_179, %swap3A_180], %broadcast_in_dim3A_178 {strides = array<i32>} : memref<128x128xf32, #tpu.memory_space<vmem>>, vector<16xf32>,
      %broadcast_in_dim3A_182 = arith.constant 1.000000e+00 : f32
      %broadcast_in_dim3A_183 = vector.broadcast %broadcast_in_dim3A_182 : f32 to vector<16xf32>
      %swap3A_184 = arith.index_cast %scan3A_171 : i32 to index
      %swap3A_185 = arith.constant 32 : index
      %swap3A_186 = tpu.vector_load %arg12[%swap3A_184, %swap3A_185] {strides = array<i32>} : memref<128x128xf32, #tpu.memory_space<vmem>>, vector<16xf32>,
      tpu.vector_store %arg12[%swap3A_184, %swap3A_185], %broadcast_in_dim3A_183 {strides = array<i32>} : memref<128x128xf32, #tpu.memory_space<vmem>>, vector<16xf32>,
      %broadcast_in_dim3A_187 = arith.constant 1.000000e+00 : f32
      %broadcast_in_dim3A_188 = vector.broadcast %broadcast_in_dim3A_187 : f32 to vector<16xf32>
      %swap3A_189 = arith.index_cast %scan3A_171 : i32 to index
      %swap3A_190 = arith.constant 48 : index
      %swap3A_191 = tpu.vector_load %arg12[%swap3A_189, %swap3A_190] {strides = array<i32>} : memref<128x128xf32, #tpu.memory_space<vmem>>, vector<16xf32>,
      tpu.vector_store %arg12[%swap3A_189, %swap3A_190], %broadcast_in_dim3A_188 {strides = array<i32>} : memref<128x128xf32, #tpu.memory_space<vmem>>, vector<16xf32>,
      %broadcast_in_dim3A_192 = arith.constant 1.000000e+00 : f32
      %broadcast_in_dim3A_193 = vector.broadcast %broadcast_in_dim3A_192 : f32 to vector<16xf32>
      %swap3A_194 = arith.index_cast %scan3A_171 : i32 to index
      %swap3A_195 = arith.constant 64 : index
      %swap3A_196 = tpu.vector_load %arg12[%swap3A_194, %swap3A_195] {strides = array<i32>} : memref<128x128xf32, #tpu.memory_space<vmem>>, vector<16xf32>,
      tpu.vector_store %arg12[%swap3A_194, %swap3A_195], %broadcast_in_dim3A_193 {strides = array<i32>} : memref<128x128xf32, #tpu.memory_space<vmem>>, vector<16xf32>,
      %broadcast_in_dim3A_197 = arith.constant 1.000000e+00 : f32
      %broadcast_in_dim3A_198 = vector.broadcast %broadcast_in_dim3A_197 : f32 to vector<16xf32>
      %swap3A_199 = arith.index_cast %scan3A_171 : i32 to index
      %swap3A_200 = arith.constant 80 : index
      %swap3A_201 = tpu.vector_load %arg12[%swap3A_199, %swap3A_200] {strides = array<i32>} : memref<128x128xf32, #tpu.memory_space<vmem>>, vector<16xf32>,
      tpu.vector_store %arg12[%swap3A_199, %swap3A_200], %broadcast_in_dim3A_198 {strides = array<i32>} : memref<128x128xf32, #tpu.memory_space<vmem>>, vector<16xf32>,
      %broadcast_in_dim3A_202 = arith.constant 1.000000e+00 : f32
      %broadcast_in_dim3A_203 = vector.broadcast %broadcast_in_dim3A_202 : f32 to vector<16xf32>
      %swap3A_204 = arith.index_cast %scan3A_171 : i32 to index
      %swap3A_205 = arith.constant 96 : index
      %swap3A_206 = tpu.vector_load %arg12[%swap3A_204, %swap3A_205] {strides = array<i32>} : memref<128x128xf32, #tpu.memory_space<vmem>>, vector<16xf32>,
      tpu.vector_store %arg12[%swap3A_204, %swap3A_205], %broadcast_in_dim3A_203 {strides = array<i32>} : memref<128x128xf32, #tpu.memory_space<vmem>>, vector<16xf32>,
      %broadcast_in_dim3A_207 = arith.constant 1.000000e+00 : f32
      %broadcast_in_dim3A_208 = vector.broadcast %broadcast_in_dim3A_207 : f32 to vector<16xf32>
      %swap3A_209 = arith.index_cast %scan3A_171 : i32 to index
      %swap3A_210 = arith.constant 112 : index
      %swap3A_211 = tpu.vector_load %arg12[%swap3A_209, %swap3A_210] {strides = array<i32>} : memref<128x128xf32, #tpu.memory_space<vmem>>, vector<16xf32>,
      tpu.vector_store %arg12[%swap3A_209, %swap3A_210], %broadcast_in_dim3A_208 {strides = array<i32>} : memref<128x128xf32, #tpu.memory_space<vmem>>, vector<16xf32>,
    }
    %scan3A_11 = arith.constant 128 : i32
    %mul3A_12 = arith.constant 96 : i32
    %mul3A_13 = arith.muli %arg1, %mul3A_12 : i32
    %add3A_14 = arith.constant 0 : i32
    %add3A_15 = arith.addi %mul3A_13, %add3A_14 : i32
    "tpu.region"() ({
      %run_scoped3A = tpu.sem_alloc : memref<!tpu.dma_semaphore, #tpu.memory_space<semaphore_mem>>
      %dma_start3A = arith.constant 0 : i32
      %dma_start3A_171 = tpu.memref_slice %arg14[%add3A_15, %dma_start3A] : memref<1536x128xf32, #tpu.memory_space<vmem_shared>> -> memref<32x128xf32, #tpu.memory_space<vmem_shared>>
      %dma_start3A_172 = arith.constant 0 : i32
      %dma_start3A_173 = tpu.memref_slice %arg14[%add3A_15, %dma_start3A_172] : memref<1536x128xf32, #tpu.memory_space<vmem_shared>> -> memref<32x128xf32, #tpu.memory_space<vmem_shared>>
      tpu.enqueue_dma source(%arg13 : memref<32x128xf32, #tpu.memory_space<vmem>>) target(%dma_start3A_173 : memref<32x128xf32, #tpu.memory_space<vmem_shared>>) target_semaphore(%run_scoped3A : memref<!tpu.dma_semaphore, #tpu.memory_space<semaphore_mem>>)
      %dma_wait3A = arith.constant 0 : i32
      %dma_wait3A_174 = tpu.memref_slice %arg14[%add3A_15, %dma_wait3A] : memref<1536x128xf32, #tpu.memory_space<vmem_shared>> -> memref<32x128xf32, #tpu.memory_space<vmem_shared>>
      %dma_wait3A_175 = arith.constant 0 : i32
      %dma_wait3A_176 = tpu.memref_slice %arg14[%add3A_15, %dma_wait3A_175] : memref<1536x128xf32, #tpu.memory_space<vmem_shared>> -> memref<32x128xf32, #tpu.memory_space<vmem_shared>>
      tpu.wait_dma2 semaphore(%run_scoped3A : memref<!tpu.dma_semaphore, #tpu.memory_space<semaphore_mem>>) src(%arg13 : memref<32x128xf32, #tpu.memory_space<vmem>>) dst(%dma_wait3A_176 : memref<32x128xf32, #tpu.memory_space<vmem_shared>>)
      tpu.yield
    }) : () -> ()
    %add3A_16 = arith.constant 0 : i32
    %add3A_17 = arith.addi %mul3A_13, %add3A_16 : i32
    "tpu.region"() ({
      %run_scoped3A = tpu.sem_alloc : memref<!tpu.dma_semaphore, #tpu.memory_space<semaphore_mem>>
      %dma_start3A = arith.constant 0 : i32
      %dma_start3A_171 = tpu.memref_slice %arg15[%add3A_17, %dma_start3A] : memref<1536x128xf32, #tpu.memory_space<vmem_shared>> -> memref<32x128xf32, #tpu.memory_space<vmem_shared>>
      %dma_start3A_172 = arith.constant 0 : i32
      %dma_start3A_173 = tpu.memref_slice %arg15[%add3A_17, %dma_start3A_172] : memref<1536x128xf32, #tpu.memory_space<vmem_shared>> -> memref<32x128xf32, #tpu.memory_space<vmem_shared>>
      tpu.enqueue_dma source(%arg13 : memref<32x128xf32, #tpu.memory_space<vmem>>) target(%dma_start3A_173 : memref<32x128xf32, #tpu.memory_space<vmem_shared>>) target_semaphore(%run_scoped3A : memref<!tpu.dma_semaphore, #tpu.memory_space<semaphore_mem>>)
      %dma_wait3A = arith.constant 0 : i32
      %dma_wait3A_174 = tpu.memref_slice %arg15[%add3A_17, %dma_wait3A] : memref<1536x128xf32, #tpu.memory_space<vmem_shared>> -> memref<32x128xf32, #tpu.memory_space<vmem_shared>>
      %dma_wait3A_175 = arith.constant 0 : i32
      %dma_wait3A_176 = tpu.memref_slice %arg15[%add3A_17, %dma_wait3A_175] : memref<1536x128xf32, #tpu.memory_space<vmem_shared>> -> memref<32x128xf32, #tpu.memory_space<vmem_shared>>
      tpu.wait_dma2 semaphore(%run_scoped3A : memref<!tpu.dma_semaphore, #tpu.memory_space<semaphore_mem>>) src(%arg13 : memref<32x128xf32, #tpu.memory_space<vmem>>) dst(%dma_wait3A_176 : memref<32x128xf32, #tpu.memory_space<vmem_shared>>)
      tpu.yield
    }) : () -> ()
    %add3A_18 = arith.constant 32 : i32
    %add3A_19 = arith.addi %mul3A_13, %add3A_18 : i32
    "tpu.region"() ({
      %run_scoped3A = tpu.sem_alloc : memref<!tpu.dma_semaphore, #tpu.memory_space<semaphore_mem>>
      %dma_start3A = arith.constant 0 : i32
      %dma_start3A_171 = tpu.memref_slice %arg14[%add3A_19, %dma_start3A] : memref<1536x128xf32, #tpu.memory_space<vmem_shared>> -> memref<32x128xf32, #tpu.memory_space<vmem_shared>>
      %dma_start3A_172 = arith.constant 0 : i32
      %dma_start3A_173 = tpu.memref_slice %arg14[%add3A_19, %dma_start3A_172] : memref<1536x128xf32, #tpu.memory_space<vmem_shared>> -> memref<32x128xf32, #tpu.memory_space<vmem_shared>>
      tpu.enqueue_dma source(%arg13 : memref<32x128xf32, #tpu.memory_space<vmem>>) target(%dma_start3A_173 : memref<32x128xf32, #tpu.memory_space<vmem_shared>>) target_semaphore(%run_scoped3A : memref<!tpu.dma_semaphore, #tpu.memory_space<semaphore_mem>>)
      %dma_wait3A = arith.constant 0 : i32
      %dma_wait3A_174 = tpu.memref_slice %arg14[%add3A_19, %dma_wait3A] : memref<1536x128xf32, #tpu.memory_space<vmem_shared>> -> memref<32x128xf32, #tpu.memory_space<vmem_shared>>
      %dma_wait3A_175 = arith.constant 0 : i32
      %dma_wait3A_176 = tpu.memref_slice %arg14[%add3A_19, %dma_wait3A_175] : memref<1536x128xf32, #tpu.memory_space<vmem_shared>> -> memref<32x128xf32, #tpu.memory_space<vmem_shared>>
      tpu.wait_dma2 semaphore(%run_scoped3A : memref<!tpu.dma_semaphore, #tpu.memory_space<semaphore_mem>>) src(%arg13 : memref<32x128xf32, #tpu.memory_space<vmem>>) dst(%dma_wait3A_176 : memref<32x128xf32, #tpu.memory_space<vmem_shared>>)
      tpu.yield
    }) : () -> ()
    %add3A_20 = arith.constant 32 : i32
    %add3A_21 = arith.addi %mul3A_13, %add3A_20 : i32
    "tpu.region"() ({
      %run_scoped3A = tpu.sem_alloc : memref<!tpu.dma_semaphore, #tpu.memory_space<semaphore_mem>>
      %dma_start3A = arith.constant 0 : i32
      %dma_start3A_171 = tpu.memref_slice %arg15[%add3A_21, %dma_start3A] : memref<1536x128xf32, #tpu.memory_space<vmem_shared>> -> memref<32x128xf32, #tpu.memory_space<vmem_shared>>
      %dma_start3A_172 = arith.constant 0 : i32
      %dma_start3A_173 = tpu.memref_slice %arg15[%add3A_21, %dma_start3A_172] : memref<1536x128xf32, #tpu.memory_space<vmem_shared>> -> memref<32x128xf32, #tpu.memory_space<vmem_shared>>
      tpu.enqueue_dma source(%arg13 : memref<32x128xf32, #tpu.memory_space<vmem>>) target(%dma_start3A_173 : memref<32x128xf32, #tpu.memory_space<vmem_shared>>) target_semaphore(%run_scoped3A : memref<!tpu.dma_semaphore, #tpu.memory_space<semaphore_mem>>)
      %dma_wait3A = arith.constant 0 : i32
      %dma_wait3A_174 = tpu.memref_slice %arg15[%add3A_21, %dma_wait3A] : memref<1536x128xf32, #tpu.memory_space<vmem_shared>> -> memref<32x128xf32, #tpu.memory_space<vmem_shared>>
      %dma_wait3A_175 = arith.constant 0 : i32
      %dma_wait3A_176 = tpu.memref_slice %arg15[%add3A_21, %dma_wait3A_175] : memref<1536x128xf32, #tpu.memory_space<vmem_shared>> -> memref<32x128xf32, #tpu.memory_space<vmem_shared>>
      tpu.wait_dma2 semaphore(%run_scoped3A : memref<!tpu.dma_semaphore, #tpu.memory_space<semaphore_mem>>) src(%arg13 : memref<32x128xf32, #tpu.memory_space<vmem>>) dst(%dma_wait3A_176 : memref<32x128xf32, #tpu.memory_space<vmem_shared>>)
      tpu.yield
    }) : () -> ()
    %add3A_22 = arith.constant 64 : i32
    %add3A_23 = arith.addi %mul3A_13, %add3A_22 : i32
    "tpu.region"() ({
      %run_scoped3A = tpu.sem_alloc : memref<!tpu.dma_semaphore, #tpu.memory_space<semaphore_mem>>
      %dma_start3A = arith.constant 0 : i32
      %dma_start3A_171 = tpu.memref_slice %arg14[%add3A_23, %dma_start3A] : memref<1536x128xf32, #tpu.memory_space<vmem_shared>> -> memref<32x128xf32, #tpu.memory_space<vmem_shared>>
      %dma_start3A_172 = arith.constant 0 : i32
      %dma_start3A_173 = tpu.memref_slice %arg14[%add3A_23, %dma_start3A_172] : memref<1536x128xf32, #tpu.memory_space<vmem_shared>> -> memref<32x128xf32, #tpu.memory_space<vmem_shared>>
      tpu.enqueue_dma source(%arg13 : memref<32x128xf32, #tpu.memory_space<vmem>>) target(%dma_start3A_173 : memref<32x128xf32, #tpu.memory_space<vmem_shared>>) target_semaphore(%run_scoped3A : memref<!tpu.dma_semaphore, #tpu.memory_space<semaphore_mem>>)
      %dma_wait3A = arith.constant 0 : i32
      %dma_wait3A_174 = tpu.memref_slice %arg14[%add3A_23, %dma_wait3A] : memref<1536x128xf32, #tpu.memory_space<vmem_shared>> -> memref<32x128xf32, #tpu.memory_space<vmem_shared>>
      %dma_wait3A_175 = arith.constant 0 : i32
      %dma_wait3A_176 = tpu.memref_slice %arg14[%add3A_23, %dma_wait3A_175] : memref<1536x128xf32, #tpu.memory_space<vmem_shared>> -> memref<32x128xf32, #tpu.memory_space<vmem_shared>>
      tpu.wait_dma2 semaphore(%run_scoped3A : memref<!tpu.dma_semaphore, #tpu.memory_space<semaphore_mem>>) src(%arg13 : memref<32x128xf32, #tpu.memory_space<vmem>>) dst(%dma_wait3A_176 : memref<32x128xf32, #tpu.memory_space<vmem_shared>>)
      tpu.yield
    }) : () -> ()
    %add3A_24 = arith.constant 64 : i32
    %add3A_25 = arith.addi %mul3A_13, %add3A_24 : i32
    "tpu.region"() ({
      %run_scoped3A = tpu.sem_alloc : memref<!tpu.dma_semaphore, #tpu.memory_space<semaphore_mem>>
      %dma_start3A = arith.constant 0 : i32
      %dma_start3A_171 = tpu.memref_slice %arg15[%add3A_25, %dma_start3A] : memref<1536x128xf32, #tpu.memory_space<vmem_shared>> -> memref<32x128xf32, #tpu.memory_space<vmem_shared>>
      %dma_start3A_172 = arith.constant 0 : i32
      %dma_start3A_173 = tpu.memref_slice %arg15[%add3A_25, %dma_start3A_172] : memref<1536x128xf32, #tpu.memory_space<vmem_shared>> -> memref<32x128xf32, #tpu.memory_space<vmem_shared>>
      tpu.enqueue_dma source(%arg13 : memref<32x128xf32, #tpu.memory_space<vmem>>) target(%dma_start3A_173 : memref<32x128xf32, #tpu.memory_space<vmem_shared>>) target_semaphore(%run_scoped3A : memref<!tpu.dma_semaphore, #tpu.memory_space<semaphore_mem>>)
      %dma_wait3A = arith.constant 0 : i32
      %dma_wait3A_174 = tpu.memref_slice %arg15[%add3A_25, %dma_wait3A] : memref<1536x128xf32, #tpu.memory_space<vmem_shared>> -> memref<32x128xf32, #tpu.memory_space<vmem_shared>>
      %dma_wait3A_175 = arith.constant 0 : i32
      %dma_wait3A_176 = tpu.memref_slice %arg15[%add3A_25, %dma_wait3A_175] : memref<1536x128xf32, #tpu.memory_space<vmem_shared>> -> memref<32x128xf32, #tpu.memory_space<vmem_shared>>
      tpu.wait_dma2 semaphore(%run_scoped3A : memref<!tpu.dma_semaphore, #tpu.memory_space<semaphore_mem>>) src(%arg13 : memref<32x128xf32, #tpu.memory_space<vmem>>) dst(%dma_wait3A_176 : memref<32x128xf32, #tpu.memory_space<vmem_shared>>)
      tpu.yield
    }) : () -> ()
    %barrier3A = arith.constant 0 : index
    tpu.barrier barrier_id(%barrier3A)
    "tpu.region"() ({
      %run_scoped3A = tpu.sem_alloc : memref<!tpu.dma_semaphore, #tpu.memory_space<semaphore_mem>>
      %dma_start3A = arith.constant 0 : i32
      %dma_start3A_171 = arith.constant 0 : i32
      %dma_start3A_172 = tpu.memref_slice %arg3[%add3A, %dma_start3A, %dma_start3A_171] : memref<32x16x128xi32, #tpu.memory_space<hbm>> -> memref<1x16x128xi32, #tpu.memory_space<hbm>>
      %dma_start3A_173 = tpu.memref_squeeze %dma_start3A_172 : memref<1x16x128xi32, #tpu.memory_space<hbm>> -> memref<16x128xi32, #tpu.memory_space<hbm>>
      %dma_start3A_174 = arith.constant 0 : i32
      %dma_start3A_175 = arith.constant 0 : i32
      %dma_start3A_176 = tpu.memref_slice %arg3[%add3A, %dma_start3A_174, %dma_start3A_175] : memref<32x16x128xi32, #tpu.memory_space<hbm>> -> memref<1x16x128xi32, #tpu.memory_space<hbm>>
      %dma_start3A_177 = tpu.memref_squeeze %dma_start3A_176 : memref<1x16x128xi32, #tpu.memory_space<hbm>> -> memref<16x128xi32, #tpu.memory_space<hbm>>
      tpu.enqueue_dma source(%dma_start3A_177 : memref<16x128xi32, #tpu.memory_space<hbm>>) target(%arg7 : memref<16x128xi32, #tpu.memory_space<vmem>>) target_semaphore(%run_scoped3A : memref<!tpu.dma_semaphore, #tpu.memory_space<semaphore_mem>>)
      %dma_wait3A = arith.constant 0 : i32
      %dma_wait3A_178 = arith.constant 0 : i32
      %dma_wait3A_179 = tpu.memref_slice %arg3[%add3A, %dma_wait3A, %dma_wait3A_178] : memref<32x16x128xi32, #tpu.memory_space<hbm>> -> memref<1x16x128xi32, #tpu.memory_space<hbm>>
      %dma_wait3A_180 = tpu.memref_squeeze %dma_wait3A_179 : memref<1x16x128xi32, #tpu.memory_space<hbm>> -> memref<16x128xi32, #tpu.memory_space<hbm>>
      %dma_wait3A_181 = arith.constant 0 : i32
      %dma_wait3A_182 = arith.constant 0 : i32
      %dma_wait3A_183 = tpu.memref_slice %arg3[%add3A, %dma_wait3A_181, %dma_wait3A_182] : memref<32x16x128xi32, #tpu.memory_space<hbm>> -> memref<1x16x128xi32, #tpu.memory_space<hbm>>
      %dma_wait3A_184 = tpu.memref_squeeze %dma_wait3A_183 : memref<1x16x128xi32, #tpu.memory_space<hbm>> -> memref<16x128xi32, #tpu.memory_space<hbm>>
      tpu.wait_dma2 semaphore(%run_scoped3A : memref<!tpu.dma_semaphore, #tpu.memory_space<semaphore_mem>>) src(%dma_wait3A_184 : memref<16x128xi32, #tpu.memory_space<hbm>>) dst(%arg7 : memref<16x128xi32, #tpu.memory_space<vmem>>)
      tpu.yield
    }) : () -> ()
    "tpu.region"() ({
      %run_scoped3A = tpu.sem_alloc : memref<!tpu.dma_semaphore, #tpu.memory_space<semaphore_mem>>
      %dma_start3A = arith.constant 0 : i32
      %dma_start3A_171 = arith.constant 0 : i32
      %dma_start3A_172 = tpu.memref_slice %arg4[%add3A, %dma_start3A, %dma_start3A_171] : memref<32x16x128xi32, #tpu.memory_space<hbm>> -> memref<1x16x128xi32, #tpu.memory_space<hbm>>
      %dma_start3A_173 = tpu.memref_squeeze %dma_start3A_172 : memref<1x16x128xi32, #tpu.memory_space<hbm>> -> memref<16x128xi32, #tpu.memory_space<hbm>>
      %dma_start3A_174 = arith.constant 0 : i32
      %dma_start3A_175 = arith.constant 0 : i32
      %dma_start3A_176 = tpu.memref_slice %arg4[%add3A, %dma_start3A_174, %dma_start3A_175] : memref<32x16x128xi32, #tpu.memory_space<hbm>> -> memref<1x16x128xi32, #tpu.memory_space<hbm>>
      %dma_start3A_177 = tpu.memref_squeeze %dma_start3A_176 : memref<1x16x128xi32, #tpu.memory_space<hbm>> -> memref<16x128xi32, #tpu.memory_space<hbm>>
      tpu.enqueue_dma source(%dma_start3A_177 : memref<16x128xi32, #tpu.memory_space<hbm>>) target(%arg8 : memref<16x128xi32, #tpu.memory_space<vmem>>) target_semaphore(%run_scoped3A : memref<!tpu.dma_semaphore, #tpu.memory_space<semaphore_mem>>)
      %dma_wait3A = arith.constant 0 : i32
      %dma_wait3A_178 = arith.constant 0 : i32
      %dma_wait3A_179 = tpu.memref_slice %arg4[%add3A, %dma_wait3A, %dma_wait3A_178] : memref<32x16x128xi32, #tpu.memory_space<hbm>> -> memref<1x16x128xi32, #tpu.memory_space<hbm>>
      %dma_wait3A_180 = tpu.memref_squeeze %dma_wait3A_179 : memref<1x16x128xi32, #tpu.memory_space<hbm>> -> memref<16x128xi32, #tpu.memory_space<hbm>>
      %dma_wait3A_181 = arith.constant 0 : i32
      %dma_wait3A_182 = arith.constant 0 : i32
      %dma_wait3A_183 = tpu.memref_slice %arg4[%add3A, %dma_wait3A_181, %dma_wait3A_182] : memref<32x16x128xi32, #tpu.memory_space<hbm>> -> memref<1x16x128xi32, #tpu.memory_space<hbm>>
      %dma_wait3A_184 = tpu.memref_squeeze %dma_wait3A_183 : memref<1x16x128xi32, #tpu.memory_space<hbm>> -> memref<16x128xi32, #tpu.memory_space<hbm>>
      tpu.wait_dma2 semaphore(%run_scoped3A : memref<!tpu.dma_semaphore, #tpu.memory_space<semaphore_mem>>) src(%dma_wait3A_184 : memref<16x128xi32, #tpu.memory_space<hbm>>) dst(%arg8 : memref<16x128xi32, #tpu.memory_space<vmem>>)
      tpu.yield
    }) : () -> ()
    %scan3A_26 = arith.constant 0 : i32
    %scan3A_27 = arith.constant 0 : i32
    %scan3A_28 = arith.constant 128 : i32
    %scan3A_29 = arith.addi %scan3A_27, %scan3A_28 : i32
    %scan3A_30 = arith.constant 1 : i32
    %scan3A_31 = scf.for %scan3A_171 = %scan3A_27 to %scan3A_29 step %scan3A_30 iter_args(%scan3A_172 = %scan3A_26) -> (i32)  : i32 {
      %jit3A_173 = arith.constant 8 : i32
      %div3A_174 = arith.divsi %scan3A_171, %jit3A_173 : i32
      %sign3A_175 = arith.constant 0 : i32
      %sign3A_176 = arith.cmpi sgt, %scan3A_171, %sign3A_175 : i32
      %sign3A_177 = arith.extui %sign3A_176 : i1 to i32
      %sign3A_178 = arith.constant 0 : i32
      %sign3A_179 = arith.cmpi slt, %scan3A_171, %sign3A_178 : i32
      %sign3A_180 = arith.extui %sign3A_179 : i1 to i32
      %sign3A_181 = arith.subi %sign3A_177, %sign3A_180 : i32
      %sign3A_182 = arith.constant 0 : i32
      %sign3A_183 = arith.cmpi sgt, %jit3A_173, %sign3A_182 : i32
      %sign3A_184 = arith.extui %sign3A_183 : i1 to i32
      %sign3A_185 = arith.constant 0 : i32
      %sign3A_186 = arith.cmpi slt, %jit3A_173, %sign3A_185 : i32
      %sign3A_187 = arith.extui %sign3A_186 : i1 to i32
      %sign3A_188 = arith.subi %sign3A_184, %sign3A_187 : i32
      %ne3A_189 = arith.cmpi ne, %sign3A_181, %sign3A_188 : i32
      %rem3A_190 = arith.remsi %scan3A_171, %jit3A_173 : i32
      %ne3A_191 = arith.constant 0 : i32
      %ne3A_192 = arith.cmpi ne, %rem3A_190, %ne3A_191 : i32
      %and3A_193 = arith.andi %ne3A_189, %ne3A_192 : i1
      %sub3A_194 = arith.constant 1 : i32
      %sub3A_195 = arith.subi %div3A_174, %sub3A_194 : i32
      %select_n3A_196 = arith.select %and3A_193, %sub3A_195, %div3A_174 : i32
      %jit3A_197 = arith.constant 8 : i32
      %eq3A = arith.constant 0 : i32
      %eq3A_198 = arith.cmpi eq, %jit3A_197, %eq3A : i32
      %jit3A_199 = arith.constant 1 : i32
      %select_n3A_200 = arith.select %eq3A_198, %jit3A_199, %jit3A_197 : i32
      %rem3A_201 = arith.remsi %scan3A_171, %select_n3A_200 : i32
      %ne3A_202 = arith.constant 0 : i32
      %ne3A_203 = arith.cmpi ne, %rem3A_201, %ne3A_202 : i32
      %lt3A = arith.constant 0 : i32
      %lt3A_204 = arith.cmpi slt, %rem3A_201, %lt3A : i32
      %lt3A_205 = arith.constant 0 : i32
      %lt3A_206 = arith.cmpi slt, %select_n3A_200, %lt3A_205 : i32
      %ne3A_207 = arith.xori %lt3A_204, %lt3A_206 : i1
      %and3A_208 = arith.andi %ne3A_207, %ne3A_203 : i1
      %add3A_209 = arith.addi %rem3A_201, %select_n3A_200 : i32
      %select_n3A_210 = arith.select %and3A_208, %add3A_209, %rem3A_201 : i32
      %mul3A_211 = arith.constant 16 : i32
      %mul3A_212 = arith.muli %select_n3A_210, %mul3A_211 : i32
      %get3A = arith.index_cast %select_n3A_196 : i32 to index
      %get3A_213 = arith.index_cast %mul3A_212 : i32 to index
      %get3A_214 = tpu.vector_load %arg8[%get3A, %get3A_213] {strides = array<i32>} : memref<16x128xi32, #tpu.memory_space<vmem>>, vector<16xi32>,
      %get3A_215 = arith.index_cast %select_n3A_196 : i32 to index
      %get3A_216 = arith.index_cast %mul3A_212 : i32 to index
      %get3A_217 = tpu.vector_load %arg7[%get3A_215, %get3A_216] {strides = array<i32>} : memref<16x128xi32, #tpu.memory_space<vmem>>, vector<16xi32>,
      %masked_sort3A = arith.constant dense<true> : vector<16xi1>
      %masked_sort3A_218 = arith.constant -2147483648 : i32
      %masked_sort3A_219 = vector.broadcast %masked_sort3A_218 : i32 to vector<16xi32>
      %masked_sort3A_220 = arith.xori %get3A_214, %masked_sort3A_219 : vector<16xi32>
      %masked_sort3A_221, %masked_sort3A_222, %masked_sort3A_223 = tpu.sort %masked_sort3A_220, %get3A_217 masked %masked_sort3A : (vector<16xi32>, vector<16xi32>, vector<16xi1>) -> (vector<16xi1>, vector<16xi32>, vector<16xi32>)
      %masked_sort3A_224 = arith.xori %masked_sort3A_222, %masked_sort3A_219 : vector<16xi32>
      %swap3A_225 = arith.index_cast %scan3A_172 : i32 to index
      %swap3A_226 = tpu.vector_load %arg10[%swap3A_225] {strides = array<i32>} : memref<2176xi32, #tpu.memory_space<vmem>>, vector<16xi32>,
      tpu.vector_store %arg10[%swap3A_225], %masked_sort3A_224 {strides = array<i32>} : memref<2176xi32, #tpu.memory_space<vmem>>, vector<16xi32>,
      %swap3A_227 = arith.index_cast %scan3A_172 : i32 to index
      %swap3A_228 = tpu.vector_load %arg9[%swap3A_227] {strides = array<i32>} : memref<2176xi32, #tpu.memory_space<vmem>>, vector<16xi32>,
      tpu.vector_store %arg9[%swap3A_227], %masked_sort3A_223 {strides = array<i32>} : memref<2176xi32, #tpu.memory_space<vmem>>, vector<16xi32>,
      %lt3A_229 = arith.constant 1024 : i32
      %lt3A_230 = vector.broadcast %lt3A_229 : i32 to vector<16xi32>
      %lt3A_231 = arith.cmpi slt, %masked_sort3A_224, %lt3A_230 : vector<16xi32>
      %convert_element_type3A = arith.extui %lt3A_231 : vector<16xi1> to vector<16xi32>
      %reduce_sum3A = arith.constant true
      %reduce_sum3A_232 = vector.broadcast %reduce_sum3A : i1 to vector<16xi1>
      %reduce_sum3A_233 = tpu.scan <sum>, %convert_element_type3A masked %reduce_sum3A_232 : vector<16xi32>, vector<16xi1> -> vector<16xi32>
      %reduce_sum3A_234 = vector.extract %reduce_sum3A_233[15] : i32 from vector<16xi32>
      %add3A_235 = arith.addi %scan3A_172, %reduce_sum3A_234 : i32
      scf.yield %add3A_235 : i32
    }
    %scan3A_32 = arith.constant 128 : i32
    %iota3A = tpu.iota {dimensions = array<i32: 0>} : vector<16xi32>
    %add3A_33 = arith.constant 1024 : i32
    %add3A_34 = vector.broadcast %add3A_33 : i32 to vector<16xi32>
    %add3A_35 = arith.addi %add3A_34, %iota3A : vector<16xi32>
    %add3A_36 = arith.constant 0 : i32
    %add3A_37 = vector.broadcast %add3A_36 : i32 to vector<16xi32>
    %add3A_38 = arith.addi %add3A_35, %add3A_37 : vector<16xi32>
    %add3A_39 = arith.constant 0 : i32
    %add3A_40 = arith.addi %scan3A_31, %add3A_39 : i32
    %swap3A = arith.index_cast %add3A_40 : i32 to index
    %swap3A_41 = tpu.vector_load %arg10[%swap3A] {strides = array<i32>} : memref<2176xi32, #tpu.memory_space<vmem>>, vector<16xi32>,
    tpu.vector_store %arg10[%swap3A], %add3A_38 {strides = array<i32>} : memref<2176xi32, #tpu.memory_space<vmem>>, vector<16xi32>,
    %broadcast_in_dim3A = arith.constant 0 : i32
    %broadcast_in_dim3A_42 = vector.broadcast %broadcast_in_dim3A : i32 to vector<16xi32>
    %add3A_43 = arith.constant 0 : i32
    %add3A_44 = arith.addi %scan3A_31, %add3A_43 : i32
    %swap3A_45 = arith.index_cast %add3A_44 : i32 to index
    %swap3A_46 = tpu.vector_load %arg9[%swap3A_45] {strides = array<i32>} : memref<2176xi32, #tpu.memory_space<vmem>>, vector<16xi32>,
    tpu.vector_store %arg9[%swap3A_45], %broadcast_in_dim3A_42 {strides = array<i32>} : memref<2176xi32, #tpu.memory_space<vmem>>, vector<16xi32>,
    %add3A_47 = arith.constant 16 : i32
    %add3A_48 = vector.broadcast %add3A_47 : i32 to vector<16xi32>
    %add3A_49 = arith.addi %add3A_35, %add3A_48 : vector<16xi32>
    %add3A_50 = arith.constant 16 : i32
    %add3A_51 = arith.addi %scan3A_31, %add3A_50 : i32
    %swap3A_52 = arith.index_cast %add3A_51 : i32 to index
    %swap3A_53 = tpu.vector_load %arg10[%swap3A_52] {strides = array<i32>} : memref<2176xi32, #tpu.memory_space<vmem>>, vector<16xi32>,
    tpu.vector_store %arg10[%swap3A_52], %add3A_49 {strides = array<i32>} : memref<2176xi32, #tpu.memory_space<vmem>>, vector<16xi32>,
    %broadcast_in_dim3A_54 = arith.constant 0 : i32
    %broadcast_in_dim3A_55 = vector.broadcast %broadcast_in_dim3A_54 : i32 to vector<16xi32>
    %add3A_56 = arith.constant 16 : i32
    %add3A_57 = arith.addi %scan3A_31, %add3A_56 : i32
    %swap3A_58 = arith.index_cast %add3A_57 : i32 to index
    %swap3A_59 = tpu.vector_load %arg9[%swap3A_58] {strides = array<i32>} : memref<2176xi32, #tpu.memory_space<vmem>>, vector<16xi32>,
    tpu.vector_store %arg9[%swap3A_58], %broadcast_in_dim3A_55 {strides = array<i32>} : memref<2176xi32, #tpu.memory_space<vmem>>, vector<16xi32>,
    %add3A_60 = arith.constant 32 : i32
    %add3A_61 = vector.broadcast %add3A_60 : i32 to vector<16xi32>
    %add3A_62 = arith.addi %add3A_35, %add3A_61 : vector<16xi32>
    %add3A_63 = arith.constant 32 : i32
    %add3A_64 = arith.addi %scan3A_31, %add3A_63 : i32
    %swap3A_65 = arith.index_cast %add3A_64 : i32 to index
    %swap3A_66 = tpu.vector_load %arg10[%swap3A_65] {strides = array<i32>} : memref<2176xi32, #tpu.memory_space<vmem>>, vector<16xi32>,
    tpu.vector_store %arg10[%swap3A_65], %add3A_62 {strides = array<i32>} : memref<2176xi32, #tpu.memory_space<vmem>>, vector<16xi32>,
    %broadcast_in_dim3A_67 = arith.constant 0 : i32
    %broadcast_in_dim3A_68 = vector.broadcast %broadcast_in_dim3A_67 : i32 to vector<16xi32>
    %add3A_69 = arith.constant 32 : i32
    %add3A_70 = arith.addi %scan3A_31, %add3A_69 : i32
    %swap3A_71 = arith.index_cast %add3A_70 : i32 to index
    %swap3A_72 = tpu.vector_load %arg9[%swap3A_71] {strides = array<i32>} : memref<2176xi32, #tpu.memory_space<vmem>>, vector<16xi32>,
    tpu.vector_store %arg9[%swap3A_71], %broadcast_in_dim3A_68 {strides = array<i32>} : memref<2176xi32, #tpu.memory_space<vmem>>, vector<16xi32>,
    %add3A_73 = arith.constant 48 : i32
    %add3A_74 = vector.broadcast %add3A_73 : i32 to vector<16xi32>
    %add3A_75 = arith.addi %add3A_35, %add3A_74 : vector<16xi32>
    %add3A_76 = arith.constant 48 : i32
    %add3A_77 = arith.addi %scan3A_31, %add3A_76 : i32
    %swap3A_78 = arith.index_cast %add3A_77 : i32 to index
    %swap3A_79 = tpu.vector_load %arg10[%swap3A_78] {strides = array<i32>} : memref<2176xi32, #tpu.memory_space<vmem>>, vector<16xi32>,
    tpu.vector_store %arg10[%swap3A_78], %add3A_75 {strides = array<i32>} : memref<2176xi32, #tpu.memory_space<vmem>>, vector<16xi32>,
    %broadcast_in_dim3A_80 = arith.constant 0 : i32
    %broadcast_in_dim3A_81 = vector.broadcast %broadcast_in_dim3A_80 : i32 to vector<16xi32>
    %add3A_82 = arith.constant 48 : i32
    %add3A_83 = arith.addi %scan3A_31, %add3A_82 : i32
    %swap3A_84 = arith.index_cast %add3A_83 : i32 to index
    %swap3A_85 = tpu.vector_load %arg9[%swap3A_84] {strides = array<i32>} : memref<2176xi32, #tpu.memory_space<vmem>>, vector<16xi32>,
    tpu.vector_store %arg9[%swap3A_84], %broadcast_in_dim3A_81 {strides = array<i32>} : memref<2176xi32, #tpu.memory_space<vmem>>, vector<16xi32>,
    %add3A_86 = arith.constant 64 : i32
    %add3A_87 = vector.broadcast %add3A_86 : i32 to vector<16xi32>
    %add3A_88 = arith.addi %add3A_35, %add3A_87 : vector<16xi32>
    %add3A_89 = arith.constant 64 : i32
    %add3A_90 = arith.addi %scan3A_31, %add3A_89 : i32
    %swap3A_91 = arith.index_cast %add3A_90 : i32 to index
    %swap3A_92 = tpu.vector_load %arg10[%swap3A_91] {strides = array<i32>} : memref<2176xi32, #tpu.memory_space<vmem>>, vector<16xi32>,
    tpu.vector_store %arg10[%swap3A_91], %add3A_88 {strides = array<i32>} : memref<2176xi32, #tpu.memory_space<vmem>>, vector<16xi32>,
    %broadcast_in_dim3A_93 = arith.constant 0 : i32
    %broadcast_in_dim3A_94 = vector.broadcast %broadcast_in_dim3A_93 : i32 to vector<16xi32>
    %add3A_95 = arith.constant 64 : i32
    %add3A_96 = arith.addi %scan3A_31, %add3A_95 : i32
    %swap3A_97 = arith.index_cast %add3A_96 : i32 to index
    %swap3A_98 = tpu.vector_load %arg9[%swap3A_97] {strides = array<i32>} : memref<2176xi32, #tpu.memory_space<vmem>>, vector<16xi32>,
    tpu.vector_store %arg9[%swap3A_97], %broadcast_in_dim3A_94 {strides = array<i32>} : memref<2176xi32, #tpu.memory_space<vmem>>, vector<16xi32>,
    %add3A_99 = arith.constant 80 : i32
    %add3A_100 = vector.broadcast %add3A_99 : i32 to vector<16xi32>
    %add3A_101 = arith.addi %add3A_35, %add3A_100 : vector<16xi32>
    %add3A_102 = arith.constant 80 : i32
    %add3A_103 = arith.addi %scan3A_31, %add3A_102 : i32
    %swap3A_104 = arith.index_cast %add3A_103 : i32 to index
    %swap3A_105 = tpu.vector_load %arg10[%swap3A_104] {strides = array<i32>} : memref<2176xi32, #tpu.memory_space<vmem>>, vector<16xi32>,
    tpu.vector_store %arg10[%swap3A_104], %add3A_101 {strides = array<i32>} : memref<2176xi32, #tpu.memory_space<vmem>>, vector<16xi32>,
    %broadcast_in_dim3A_106 = arith.constant 0 : i32
    %broadcast_in_dim3A_107 = vector.broadcast %broadcast_in_dim3A_106 : i32 to vector<16xi32>
    %add3A_108 = arith.constant 80 : i32
    %add3A_109 = arith.addi %scan3A_31, %add3A_108 : i32
    %swap3A_110 = arith.index_cast %add3A_109 : i32 to index
    %swap3A_111 = tpu.vector_load %arg9[%swap3A_110] {strides = array<i32>} : memref<2176xi32, #tpu.memory_space<vmem>>, vector<16xi32>,
    tpu.vector_store %arg9[%swap3A_110], %broadcast_in_dim3A_107 {strides = array<i32>} : memref<2176xi32, #tpu.memory_space<vmem>>, vector<16xi32>,
    %add3A_112 = arith.constant 96 : i32
    %add3A_113 = vector.broadcast %add3A_112 : i32 to vector<16xi32>
    %add3A_114 = arith.addi %add3A_35, %add3A_113 : vector<16xi32>
    %add3A_115 = arith.constant 96 : i32
    %add3A_116 = arith.addi %scan3A_31, %add3A_115 : i32
    %swap3A_117 = arith.index_cast %add3A_116 : i32 to index
    %swap3A_118 = tpu.vector_load %arg10[%swap3A_117] {strides = array<i32>} : memref<2176xi32, #tpu.memory_space<vmem>>, vector<16xi32>,
    tpu.vector_store %arg10[%swap3A_117], %add3A_114 {strides = array<i32>} : memref<2176xi32, #tpu.memory_space<vmem>>, vector<16xi32>,
    %broadcast_in_dim3A_119 = arith.constant 0 : i32
    %broadcast_in_dim3A_120 = vector.broadcast %broadcast_in_dim3A_119 : i32 to vector<16xi32>
    %add3A_121 = arith.constant 96 : i32
    %add3A_122 = arith.addi %scan3A_31, %add3A_121 : i32
    %swap3A_123 = arith.index_cast %add3A_122 : i32 to index
    %swap3A_124 = tpu.vector_load %arg9[%swap3A_123] {strides = array<i32>} : memref<2176xi32, #tpu.memory_space<vmem>>, vector<16xi32>,
    tpu.vector_store %arg9[%swap3A_123], %broadcast_in_dim3A_120 {strides = array<i32>} : memref<2176xi32, #tpu.memory_space<vmem>>, vector<16xi32>,
    %add3A_125 = arith.constant 112 : i32
    %add3A_126 = vector.broadcast %add3A_125 : i32 to vector<16xi32>
    %add3A_127 = arith.addi %add3A_35, %add3A_126 : vector<16xi32>
    %add3A_128 = arith.constant 112 : i32
    %add3A_129 = arith.addi %scan3A_31, %add3A_128 : i32
    %swap3A_130 = arith.index_cast %add3A_129 : i32 to index
    %swap3A_131 = tpu.vector_load %arg10[%swap3A_130] {strides = array<i32>} : memref<2176xi32, #tpu.memory_space<vmem>>, vector<16xi32>,
    tpu.vector_store %arg10[%swap3A_130], %add3A_127 {strides = array<i32>} : memref<2176xi32, #tpu.memory_space<vmem>>, vector<16xi32>,
    %broadcast_in_dim3A_132 = arith.constant 0 : i32
    %broadcast_in_dim3A_133 = vector.broadcast %broadcast_in_dim3A_132 : i32 to vector<16xi32>
    %add3A_134 = arith.constant 112 : i32
    %add3A_135 = arith.addi %scan3A_31, %add3A_134 : i32
    %swap3A_136 = arith.index_cast %add3A_135 : i32 to index
    %swap3A_137 = tpu.vector_load %arg9[%swap3A_136] {strides = array<i32>} : memref<2176xi32, #tpu.memory_space<vmem>>, vector<16xi32>,
    tpu.vector_store %arg9[%swap3A_136], %broadcast_in_dim3A_133 {strides = array<i32>} : memref<2176xi32, #tpu.memory_space<vmem>>, vector<16xi32>,
    %add3A_138 = arith.constant 128 : i32
    %add3A_139 = arith.addi %scan3A_31, %add3A_138 : i32
    %sub3A = arith.constant 1 : i32
    %sub3A_140 = arith.subi %add3A_139, %sub3A : i32
    %jit3A = arith.constant 128 : i32
    %div3A = arith.divsi %sub3A_140, %jit3A : i32
    %sign3A = arith.constant 0 : i32
    %sign3A_141 = arith.cmpi sgt, %sub3A_140, %sign3A : i32
    %sign3A_142 = arith.extui %sign3A_141 : i1 to i32
    %sign3A_143 = arith.constant 0 : i32
    %sign3A_144 = arith.cmpi slt, %sub3A_140, %sign3A_143 : i32
    %sign3A_145 = arith.extui %sign3A_144 : i1 to i32
    %sign3A_146 = arith.subi %sign3A_142, %sign3A_145 : i32
    %sign3A_147 = arith.constant 0 : i32
    %sign3A_148 = arith.cmpi sgt, %jit3A, %sign3A_147 : i32
    %sign3A_149 = arith.extui %sign3A_148 : i1 to i32
    %sign3A_150 = arith.constant 0 : i32
    %sign3A_151 = arith.cmpi slt, %jit3A, %sign3A_150 : i32
    %sign3A_152 = arith.extui %sign3A_151 : i1 to i32
    %sign3A_153 = arith.subi %sign3A_149, %sign3A_152 : i32
    %ne3A = arith.cmpi ne, %sign3A_146, %sign3A_153 : i32
    %rem3A = arith.remsi %sub3A_140, %jit3A : i32
    %ne3A_154 = arith.constant 0 : i32
    %ne3A_155 = arith.cmpi ne, %rem3A, %ne3A_154 : i32
    %and3A = arith.andi %ne3A, %ne3A_155 : i1
    %sub3A_156 = arith.constant 1 : i32
    %sub3A_157 = arith.subi %div3A, %sub3A_156 : i32
    %select_n3A = arith.select %and3A, %sub3A_157, %div3A : i32
    %max3A = arith.constant 1 : i32
    %max3A_158 = arith.maxsi %select_n3A, %max3A : i32
    %while3A = arith.constant 0 : i32
    %while3A_159 = arith.constant 0 : i32
    %while3A_160 = arith.subi %max3A_158, %while3A_159 : i32
    %while3A_161 = arith.addi %while3A_159, %while3A_160 : i32
    %while3A_162 = arith.constant 1 : i32
    %while3A_163 = arith.divsi %while3A_160, %while3A_162 : i32
    %while3A_164 = arith.muli %while3A_163, %while3A_162 : i32
    %while3A_165 = arith.addi %while3A_159, %while3A_164 : i32
    %while3A_166 = arith.constant 1 : i32
    scf.for %while3A_171 = %while3A_159 to %while3A_165 step %while3A_166  : i32 {
      %mul3A_172 = arith.constant 128 : i32
      %mul3A_173 = arith.muli %while3A_171, %mul3A_172 : i32
      "tpu.region"() ({
        %run_scoped3A = tpu.sem_alloc : memref<!tpu.dma_semaphore, #tpu.memory_space<semaphore_mem>>
        %dma_start3A = tpu.memref_slice %arg9[%mul3A_173] : memref<2176xi32, #tpu.memory_space<vmem>> -> memref<128xi32, #tpu.memory_space<vmem>>
        %dma_start3A_180 = arith.constant 0 : i32
        %dma_start3A_181 = arith.constant 0 : i32
        %dma_start3A_182 = tpu.memref_slice %arg2[%dma_start3A_180, %dma_start3A_181] : memref<2048x128xf32, #tpu.memory_space<hbm>> -> memref<2048x128xf32, #tpu.memory_space<hbm>>
        tpu.enqueue_indirect_dma source(%dma_start3A_182 : memref<2048x128xf32, #tpu.memory_space<hbm>>) target(%arg11 : memref<128x128xf32, #tpu.memory_space<vmem>>) offsets(%dma_start3A : memref<128xi32, #tpu.memory_space<vmem>>) semaphore(%run_scoped3A : memref<!tpu.dma_semaphore, #tpu.memory_space<semaphore_mem>>)
        %dma_wait3A = tpu.memref_slice %arg9[%mul3A_173] : memref<2176xi32, #tpu.memory_space<vmem>> -> memref<128xi32, #tpu.memory_space<vmem>>
        %dma_wait3A_183 = arith.constant 0 : i32
        %dma_wait3A_184 = arith.constant 0 : i32
        %dma_wait3A_185 = tpu.memref_slice %arg2[%dma_wait3A_183, %dma_wait3A_184] : memref<2048x128xf32, #tpu.memory_space<hbm>> -> memref<2048x128xf32, #tpu.memory_space<hbm>>
        tpu.wait_indirect_dma semaphore(%run_scoped3A : memref<!tpu.dma_semaphore, #tpu.memory_space<semaphore_mem>>) src(%dma_wait3A_185 : memref<2048x128xf32, #tpu.memory_space<hbm>>) dst(%arg11 : memref<128x128xf32, #tpu.memory_space<vmem>>)
        tpu.yield
      }) : () -> ()
      %mul3A_174 = arith.constant 128 : i32
      %mul3A_175 = arith.muli %while3A_171, %mul3A_174 : i32
      "tpu.region"() ({
        %run_scoped3A = tpu.sem_alloc : memref<!tpu.dma_semaphore, #tpu.memory_space<semaphore_mem>>
        %dma_start3A = tpu.memref_slice %arg10[%mul3A_175] : memref<2176xi32, #tpu.memory_space<vmem>> -> memref<128xi32, #tpu.memory_space<vmem>>
        %dma_start3A_180 = arith.constant 0 : i32
        %dma_start3A_181 = arith.constant 0 : i32
        %dma_start3A_182 = tpu.memref_slice %arg14[%dma_start3A_180, %dma_start3A_181] : memref<1536x128xf32, #tpu.memory_space<vmem_shared>> -> memref<1536x128xf32, #tpu.memory_space<vmem_shared>>
        tpu.enqueue_indirect_dma source(%arg11 : memref<128x128xf32, #tpu.memory_space<vmem>>) target(%dma_start3A_182 : memref<1536x128xf32, #tpu.memory_space<vmem_shared>>) offsets(%dma_start3A : memref<128xi32, #tpu.memory_space<vmem>>) semaphore(%run_scoped3A : memref<!tpu.dma_semaphore, #tpu.memory_space<semaphore_mem>>) {add = true}
        %dma_wait3A = tpu.memref_slice %arg10[%mul3A_175] : memref<2176xi32, #tpu.memory_space<vmem>> -> memref<128xi32, #tpu.memory_space<vmem>>
        %dma_wait3A_183 = arith.constant 0 : i32
        %dma_wait3A_184 = arith.constant 0 : i32
        %dma_wait3A_185 = tpu.memref_slice %arg14[%dma_wait3A_183, %dma_wait3A_184] : memref<1536x128xf32, #tpu.memory_space<vmem_shared>> -> memref<1536x128xf32, #tpu.memory_space<vmem_shared>>
        tpu.wait_indirect_dma semaphore(%run_scoped3A : memref<!tpu.dma_semaphore, #tpu.memory_space<semaphore_mem>>) src(%arg11 : memref<128x128xf32, #tpu.memory_space<vmem>>) dst(%dma_wait3A_185 : memref<1536x128xf32, #tpu.memory_space<vmem_shared>>)
        tpu.yield
      }) : () -> ()
      %mul3A_176 = arith.constant 128 : i32
      %mul3A_177 = arith.muli %while3A_171, %mul3A_176 : i32
      %add3A_178 = arith.constant 0 : i32
      %add3A_179 = arith.addi %mul3A_177, %add3A_178 : i32
      "tpu.region"() ({
        %run_scoped3A = tpu.sem_alloc : memref<!tpu.dma_semaphore, #tpu.memory_space<semaphore_mem>>
        %dma_start3A = tpu.memref_slice %arg10[%add3A_179] : memref<2176xi32, #tpu.memory_space<vmem>> -> memref<128xi32, #tpu.memory_space<vmem>>
        %dma_start3A_180 = arith.constant 0 : i32
        %dma_start3A_181 = arith.constant 0 : i32
        %dma_start3A_182 = tpu.memref_slice %arg15[%dma_start3A_180, %dma_start3A_181] : memref<1536x128xf32, #tpu.memory_space<vmem_shared>> -> memref<1536x128xf32, #tpu.memory_space<vmem_shared>>
        tpu.enqueue_indirect_dma source(%arg12 : memref<128x128xf32, #tpu.memory_space<vmem>>) target(%dma_start3A_182 : memref<1536x128xf32, #tpu.memory_space<vmem_shared>>) offsets(%dma_start3A : memref<128xi32, #tpu.memory_space<vmem>>) semaphore(%run_scoped3A : memref<!tpu.dma_semaphore, #tpu.memory_space<semaphore_mem>>) {add = true}
        %dma_wait3A = tpu.memref_slice %arg10[%add3A_179] : memref<2176xi32, #tpu.memory_space<vmem>> -> memref<128xi32, #tpu.memory_space<vmem>>
        %dma_wait3A_183 = arith.constant 0 : i32
        %dma_wait3A_184 = arith.constant 0 : i32
        %dma_wait3A_185 = tpu.memref_slice %arg15[%dma_wait3A_183, %dma_wait3A_184] : memref<1536x128xf32, #tpu.memory_space<vmem_shared>> -> memref<1536x128xf32, #tpu.memory_space<vmem_shared>>
        tpu.wait_indirect_dma semaphore(%run_scoped3A : memref<!tpu.dma_semaphore, #tpu.memory_space<semaphore_mem>>) src(%arg12 : memref<128x128xf32, #tpu.memory_space<vmem>>) dst(%dma_wait3A_185 : memref<1536x128xf32, #tpu.memory_space<vmem_shared>>)
        tpu.yield
      }) : () -> ()
    }
    %while3A_167 = arith.constant 1 : i32
    scf.for %while3A_171 = %while3A_165 to %while3A_161 step %while3A_167  : i32 {
      %mul3A_172 = arith.constant 128 : i32
      %mul3A_173 = arith.muli %while3A_171, %mul3A_172 : i32
      "tpu.region"() ({
        %run_scoped3A = tpu.sem_alloc : memref<!tpu.dma_semaphore, #tpu.memory_space<semaphore_mem>>
        %dma_start3A = tpu.memref_slice %arg9[%mul3A_173] : memref<2176xi32, #tpu.memory_space<vmem>> -> memref<128xi32, #tpu.memory_space<vmem>>
        %dma_start3A_180 = arith.constant 0 : i32
        %dma_start3A_181 = arith.constant 0 : i32
        %dma_start3A_182 = tpu.memref_slice %arg2[%dma_start3A_180, %dma_start3A_181] : memref<2048x128xf32, #tpu.memory_space<hbm>> -> memref<2048x128xf32, #tpu.memory_space<hbm>>
        tpu.enqueue_indirect_dma source(%dma_start3A_182 : memref<2048x128xf32, #tpu.memory_space<hbm>>) target(%arg11 : memref<128x128xf32, #tpu.memory_space<vmem>>) offsets(%dma_start3A : memref<128xi32, #tpu.memory_space<vmem>>) semaphore(%run_scoped3A : memref<!tpu.dma_semaphore, #tpu.memory_space<semaphore_mem>>)
        %dma_wait3A = tpu.memref_slice %arg9[%mul3A_173] : memref<2176xi32, #tpu.memory_space<vmem>> -> memref<128xi32, #tpu.memory_space<vmem>>
        %dma_wait3A_183 = arith.constant 0 : i32
        %dma_wait3A_184 = arith.constant 0 : i32
        %dma_wait3A_185 = tpu.memref_slice %arg2[%dma_wait3A_183, %dma_wait3A_184] : memref<2048x128xf32, #tpu.memory_space<hbm>> -> memref<2048x128xf32, #tpu.memory_space<hbm>>
        tpu.wait_indirect_dma semaphore(%run_scoped3A : memref<!tpu.dma_semaphore, #tpu.memory_space<semaphore_mem>>) src(%dma_wait3A_185 : memref<2048x128xf32, #tpu.memory_space<hbm>>) dst(%arg11 : memref<128x128xf32, #tpu.memory_space<vmem>>)
        tpu.yield
      }) : () -> ()
      %mul3A_174 = arith.constant 128 : i32
      %mul3A_175 = arith.muli %while3A_171, %mul3A_174 : i32
      "tpu.region"() ({
        %run_scoped3A = tpu.sem_alloc : memref<!tpu.dma_semaphore, #tpu.memory_space<semaphore_mem>>
        %dma_start3A = tpu.memref_slice %arg10[%mul3A_175] : memref<2176xi32, #tpu.memory_space<vmem>> -> memref<128xi32, #tpu.memory_space<vmem>>
        %dma_start3A_180 = arith.constant 0 : i32
        %dma_start3A_181 = arith.constant 0 : i32
        %dma_start3A_182 = tpu.memref_slice %arg14[%dma_start3A_180, %dma_start3A_181] : memref<1536x128xf32, #tpu.memory_space<vmem_shared>> -> memref<1536x128xf32, #tpu.memory_space<vmem_shared>>
        tpu.enqueue_indirect_dma source(%arg11 : memref<128x128xf32, #tpu.memory_space<vmem>>) target(%dma_start3A_182 : memref<1536x128xf32, #tpu.memory_space<vmem_shared>>) offsets(%dma_start3A : memref<128xi32, #tpu.memory_space<vmem>>) semaphore(%run_scoped3A : memref<!tpu.dma_semaphore, #tpu.memory_space<semaphore_mem>>) {add = true}
        %dma_wait3A = tpu.memref_slice %arg10[%mul3A_175] : memref<2176xi32, #tpu.memory_space<vmem>> -> memref<128xi32, #tpu.memory_space<vmem>>
        %dma_wait3A_183 = arith.constant 0 : i32
        %dma_wait3A_184 = arith.constant 0 : i32
        %dma_wait3A_185 = tpu.memref_slice %arg14[%dma_wait3A_183, %dma_wait3A_184] : memref<1536x128xf32, #tpu.memory_space<vmem_shared>> -> memref<1536x128xf32, #tpu.memory_space<vmem_shared>>
        tpu.wait_indirect_dma semaphore(%run_scoped3A : memref<!tpu.dma_semaphore, #tpu.memory_space<semaphore_mem>>) src(%arg11 : memref<128x128xf32, #tpu.memory_space<vmem>>) dst(%dma_wait3A_185 : memref<1536x128xf32, #tpu.memory_space<vmem_shared>>)
        tpu.yield
      }) : () -> ()
      %mul3A_176 = arith.constant 128 : i32
      %mul3A_177 = arith.muli %while3A_171, %mul3A_176 : i32
      %add3A_178 = arith.constant 0 : i32
      %add3A_179 = arith.addi %mul3A_177, %add3A_178 : i32
      "tpu.region"() ({
        %run_scoped3A = tpu.sem_alloc : memref<!tpu.dma_semaphore, #tpu.memory_space<semaphore_mem>>
        %dma_start3A = tpu.memref_slice %arg10[%add3A_179] : memref<2176xi32, #tpu.memory_space<vmem>> -> memref<128xi32, #tpu.memory_space<vmem>>
        %dma_start3A_180 = arith.constant 0 : i32
        %dma_start3A_181 = arith.constant 0 : i32
        %dma_start3A_182 = tpu.memref_slice %arg15[%dma_start3A_180, %dma_start3A_181] : memref<1536x128xf32, #tpu.memory_space<vmem_shared>> -> memref<1536x128xf32, #tpu.memory_space<vmem_shared>>
        tpu.enqueue_indirect_dma source(%arg12 : memref<128x128xf32, #tpu.memory_space<vmem>>) target(%dma_start3A_182 : memref<1536x128xf32, #tpu.memory_space<vmem_shared>>) offsets(%dma_start3A : memref<128xi32, #tpu.memory_space<vmem>>) semaphore(%run_scoped3A : memref<!tpu.dma_semaphore, #tpu.memory_space<semaphore_mem>>) {add = true}
        %dma_wait3A = tpu.memref_slice %arg10[%add3A_179] : memref<2176xi32, #tpu.memory_space<vmem>> -> memref<128xi32, #tpu.memory_space<vmem>>
        %dma_wait3A_183 = arith.constant 0 : i32
        %dma_wait3A_184 = arith.constant 0 : i32
        %dma_wait3A_185 = tpu.memref_slice %arg15[%dma_wait3A_183, %dma_wait3A_184] : memref<1536x128xf32, #tpu.memory_space<vmem_shared>> -> memref<1536x128xf32, #tpu.memory_space<vmem_shared>>
        tpu.wait_indirect_dma semaphore(%run_scoped3A : memref<!tpu.dma_semaphore, #tpu.memory_space<semaphore_mem>>) src(%arg12 : memref<128x128xf32, #tpu.memory_space<vmem>>) dst(%dma_wait3A_185 : memref<1536x128xf32, #tpu.memory_space<vmem_shared>>)
        tpu.yield
      }) : () -> ()
    }
    %barrier3A_168 = arith.constant 0 : index
    tpu.barrier barrier_id(%barrier3A_168)
    %mul3A_169 = arith.constant 64 : i32
    %mul3A_170 = arith.muli %arg1, %mul3A_169 : i32
    "tpu.region"() ({
      %run_scoped3A = tpu.sem_alloc : memref<!tpu.dma_semaphore, #tpu.memory_space<semaphore_mem>>
      %dma_start3A = arith.constant 0 : i32
      %dma_start3A_171 = tpu.memref_slice %arg5[%arg0, %mul3A_170, %dma_start3A] : memref<2x1024x128xf32, #tpu.memory_space<hbm>> -> memref<1x64x128xf32, #tpu.memory_space<hbm>>
      %dma_start3A_172 = tpu.memref_squeeze %dma_start3A_171 : memref<1x64x128xf32, #tpu.memory_space<hbm>> -> memref<64x128xf32, #tpu.memory_space<hbm>>
      %dma_start3A_173 = arith.constant 0 : i32
      %dma_start3A_174 = tpu.memref_slice %arg14[%mul3A_170, %dma_start3A_173] : memref<1536x128xf32, #tpu.memory_space<vmem_shared>> -> memref<64x128xf32, #tpu.memory_space<vmem_shared>>
      tpu.enqueue_dma source(%dma_start3A_174 : memref<64x128xf32, #tpu.memory_space<vmem_shared>>) target(%dma_start3A_172 : memref<64x128xf32, #tpu.memory_space<hbm>>) target_semaphore(%run_scoped3A : memref<!tpu.dma_semaphore, #tpu.memory_space<semaphore_mem>>)
      %dma_wait3A = arith.constant 0 : i32
      %dma_wait3A_175 = tpu.memref_slice %arg5[%arg0, %mul3A_170, %dma_wait3A] : memref<2x1024x128xf32, #tpu.memory_space<hbm>> -> memref<1x64x128xf32, #tpu.memory_space<hbm>>
      %dma_wait3A_176 = tpu.memref_squeeze %dma_wait3A_175 : memref<1x64x128xf32, #tpu.memory_space<hbm>> -> memref<64x128xf32, #tpu.memory_space<hbm>>
      %dma_wait3A_177 = arith.constant 0 : i32
      %dma_wait3A_178 = tpu.memref_slice %arg14[%mul3A_170, %dma_wait3A_177] : memref<1536x128xf32, #tpu.memory_space<vmem_shared>> -> memref<64x128xf32, #tpu.memory_space<vmem_shared>>
      tpu.wait_dma2 semaphore(%run_scoped3A : memref<!tpu.dma_semaphore, #tpu.memory_space<semaphore_mem>>) src(%dma_wait3A_178 : memref<64x128xf32, #tpu.memory_space<vmem_shared>>) dst(%dma_wait3A_176 : memref<64x128xf32, #tpu.memory_space<hbm>>)
      tpu.yield
    }) : () -> ()
    "tpu.region"() ({
      %run_scoped3A = tpu.sem_alloc : memref<!tpu.dma_semaphore, #tpu.memory_space<semaphore_mem>>
      %dma_start3A = arith.constant 0 : i32
      %dma_start3A_171 = tpu.memref_slice %arg6[%arg0, %mul3A_170, %dma_start3A] : memref<2x1024x128xf32, #tpu.memory_space<hbm>> -> memref<1x64x128xf32, #tpu.memory_space<hbm>>
      %dma_start3A_172 = tpu.memref_squeeze %dma_start3A_171 : memref<1x64x128xf32, #tpu.memory_space<hbm>> -> memref<64x128xf32, #tpu.memory_space<hbm>>
      %dma_start3A_173 = arith.constant 0 : i32
      %dma_start3A_174 = tpu.memref_slice %arg15[%mul3A_170, %dma_start3A_173] : memref<1536x128xf32, #tpu.memory_space<vmem_shared>> -> memref<64x128xf32, #tpu.memory_space<vmem_shared>>
      tpu.enqueue_dma source(%dma_start3A_174 : memref<64x128xf32, #tpu.memory_space<vmem_shared>>) target(%dma_start3A_172 : memref<64x128xf32, #tpu.memory_space<hbm>>) target_semaphore(%run_scoped3A : memref<!tpu.dma_semaphore, #tpu.memory_space<semaphore_mem>>)
      %dma_wait3A = arith.constant 0 : i32
      %dma_wait3A_175 = tpu.memref_slice %arg6[%arg0, %mul3A_170, %dma_wait3A] : memref<2x1024x128xf32, #tpu.memory_space<hbm>> -> memref<1x64x128xf32, #tpu.memory_space<hbm>>
      %dma_wait3A_176 = tpu.memref_squeeze %dma_wait3A_175 : memref<1x64x128xf32, #tpu.memory_space<hbm>> -> memref<64x128xf32, #tpu.memory_space<hbm>>
      %dma_wait3A_177 = arith.constant 0 : i32
      %dma_wait3A_178 = tpu.memref_slice %arg15[%mul3A_170, %dma_wait3A_177] : memref<1536x128xf32, #tpu.memory_space<vmem_shared>> -> memref<64x128xf32, #tpu.memory_space<vmem_shared>>
      tpu.wait_dma2 semaphore(%run_scoped3A : memref<!tpu.dma_semaphore, #tpu.memory_space<semaphore_mem>>) src(%dma_wait3A_178 : memref<64x128xf32, #tpu.memory_space<vmem_shared>>) dst(%dma_wait3A_176 : memref<64x128xf32, #tpu.memory_space<hbm>>)
      tpu.yield
    }) : () -> ()
    return
  }
}

module attributes {stable_mosaic.version = 14 : i64} {
  func.func @_dense_body(%arg0: memref<2x2048x128xf32, #tpu.memory_space<vmem>>, %arg1: memref<2x2048x128xf32, #tpu.memory_space<vmem>>, %arg2: memref<2048x128xf32, #tpu.memory_space<vmem>>, %arg3: memref<128x128xf32, #tpu.memory_space<vmem>>, %arg4: memref<1x128xf32, #tpu.memory_space<vmem>>, %arg5: memref<128x128xf32, #tpu.memory_space<vmem>>, %arg6: memref<1x128xf32, #tpu.memory_space<vmem>>, %arg7: memref<2048x128xf32, #tpu.memory_space<vmem>>) attributes {dimension_semantics = [], scalar_prefetch = 0 : i64, scratch_operands = 0 : i64, tpu.core_type = #tpu.core_type<tc>} {
    %get3A = arith.constant 0 : index
    %get3A_0 = arith.constant 0 : index
    %get3A_1 = arith.constant 0 : index
    %get3A_2 = vector.load %arg1[%get3A, %get3A_0, %get3A_1] : memref<2x2048x128xf32, #tpu.memory_space<vmem>>, vector<1x2048x1xf32>
    %get3A_3 = vector.shape_cast %get3A_2 : vector<1x2048x1xf32> to vector<2048x1xf32>
    %get3A_4 = arith.constant 1 : index
    %get3A_5 = arith.constant 0 : index
    %get3A_6 = arith.constant 0 : index
    %get3A_7 = vector.load %arg1[%get3A_4, %get3A_5, %get3A_6] : memref<2x2048x128xf32, #tpu.memory_space<vmem>>, vector<1x2048x1xf32>
    %get3A_8 = vector.shape_cast %get3A_7 : vector<1x2048x1xf32> to vector<2048x1xf32>
    %add3A = arith.addf %get3A_3, %get3A_8 : vector<2048x1xf32>
    %max3A = arith.constant 1.000000e+00 : f32
    %max3A_9 = vector.broadcast %max3A : f32 to vector<2048x1xf32>
    %max3A_10 = arith.maximumf %add3A, %max3A_9 : vector<2048x1xf32>
    %get3A_11 = arith.constant 0 : index
    %get3A_12 = arith.constant 0 : index
    %get3A_13 = arith.constant 0 : index
    %get3A_14 = vector.load %arg0[%get3A_11, %get3A_12, %get3A_13] : memref<2x2048x128xf32, #tpu.memory_space<vmem>>, vector<1x2048x128xf32>
    %get3A_15 = vector.shape_cast %get3A_14 : vector<1x2048x128xf32> to vector<2048x128xf32>
    %get3A_16 = arith.constant 1 : index
    %get3A_17 = arith.constant 0 : index
    %get3A_18 = arith.constant 0 : index
    %get3A_19 = vector.load %arg0[%get3A_16, %get3A_17, %get3A_18] : memref<2x2048x128xf32, #tpu.memory_space<vmem>>, vector<1x2048x128xf32>
    %get3A_20 = vector.shape_cast %get3A_19 : vector<1x2048x128xf32> to vector<2048x128xf32>
    %add3A_21 = arith.addf %get3A_15, %get3A_20 : vector<2048x128xf32>
    %div3A = vector.broadcast %max3A_10 : vector<2048x1xf32> to vector<2048x128xf32>
    %div3A_22 = arith.divf %add3A_21, %div3A : vector<2048x128xf32>
    %get3A_23 = arith.constant 0 : index
    %get3A_24 = arith.constant 0 : index
    %get3A_25 = vector.load %arg3[%get3A_23, %get3A_24] : memref<128x128xf32, #tpu.memory_space<vmem>>, vector<128x128xf32>
    %dot_general3A = arith.constant dense<0.000000e+00> : vector<2048x128xf32>
    %dot_general3A_26 = tpu.matmul %div3A_22, %get3A_25, %dot_general3A {dimension_numbers = #tpu.dot_dimension_numbers<[1], [0], [0], [1], [0, 0, 1, 1], [], []>, transpose_lhs_hint = false} : vector<2048x128xf32>, vector<128x128xf32>, vector<2048x128xf32> -> vector<2048x128xf32>
    %get3A_27 = arith.constant 0 : index
    %get3A_28 = arith.constant 0 : index
    %get3A_29 = vector.load %arg2[%get3A_27, %get3A_28] : memref<2048x128xf32, #tpu.memory_space<vmem>>, vector<2048x128xf32>
    %get3A_30 = arith.constant 0 : index
    %get3A_31 = arith.constant 0 : index
    %get3A_32 = vector.load %arg5[%get3A_30, %get3A_31] : memref<128x128xf32, #tpu.memory_space<vmem>>, vector<128x128xf32>
    %dot_general3A_33 = arith.constant dense<0.000000e+00> : vector<2048x128xf32>
    %dot_general3A_34 = tpu.matmul %get3A_29, %get3A_32, %dot_general3A_33 {dimension_numbers = #tpu.dot_dimension_numbers<[1], [0], [0], [1], [0, 0, 1, 1], [], []>, transpose_lhs_hint = false} : vector<2048x128xf32>, vector<128x128xf32>, vector<2048x128xf32> -> vector<2048x128xf32>
    %add3A_35 = arith.addf %dot_general3A_26, %dot_general3A_34 : vector<2048x128xf32>
    %get3A_36 = arith.constant 0 : index
    %get3A_37 = arith.constant 0 : index
    %get3A_38 = vector.load %arg4[%get3A_36, %get3A_37] : memref<1x128xf32, #tpu.memory_space<vmem>>, vector<1x128xf32>
    %add3A_39 = vector.broadcast %get3A_38 : vector<1x128xf32> to vector<2048x128xf32>
    %add3A_40 = arith.addf %add3A_35, %add3A_39 : vector<2048x128xf32>
    %ge3A = arith.constant 0.000000e+00 : f32
    %ge3A_41 = vector.broadcast %ge3A : f32 to vector<2048x128xf32>
    %ge3A_42 = arith.cmpf oge, %add3A_40, %ge3A_41 : vector<2048x128xf32>
    %get3A_43 = arith.constant 0 : index
    %get3A_44 = arith.constant 0 : index
    %get3A_45 = vector.load %arg6[%get3A_43, %get3A_44] : memref<1x128xf32, #tpu.memory_space<vmem>>, vector<1x128xf32>
    %mul3A = vector.broadcast %get3A_45 : vector<1x128xf32> to vector<2048x128xf32>
    %mul3A_46 = arith.mulf %mul3A, %add3A_40 : vector<2048x128xf32>
    %select_n3A = arith.select %ge3A_42, %add3A_40, %mul3A_46 : vector<2048x128xi1>, vector<2048x128xf32>
    %swap3A = arith.constant 0 : index
    %swap3A_47 = arith.constant 0 : index
    %swap3A_48 = vector.load %arg7[%swap3A, %swap3A_47] : memref<2048x128xf32, #tpu.memory_space<vmem>>, vector<2048x128xf32>
    tpu.vector_store %arg7[%swap3A, %swap3A_47], %select_n3A {strides = array<i32>} : memref<2048x128xf32, #tpu.memory_space<vmem>>, vector<2048x128xf32>,
    return
  }
}

module attributes {stable_mosaic.version = 14 : i64} {
  func.func @_dense_body(%arg0: memref<2x1024x128xf32, #tpu.memory_space<vmem>>, %arg1: memref<2x1024x128xf32, #tpu.memory_space<vmem>>, %arg2: memref<1024x128xf32, #tpu.memory_space<vmem>>, %arg3: memref<128x128xf32, #tpu.memory_space<vmem>>, %arg4: memref<1x128xf32, #tpu.memory_space<vmem>>, %arg5: memref<128x128xf32, #tpu.memory_space<vmem>>, %arg6: memref<1x128xf32, #tpu.memory_space<vmem>>, %arg7: memref<1024x128xf32, #tpu.memory_space<vmem>>) attributes {dimension_semantics = [], scalar_prefetch = 0 : i64, scratch_operands = 0 : i64, tpu.core_type = #tpu.core_type<tc>} {
    %get3A = arith.constant 0 : index
    %get3A_0 = arith.constant 0 : index
    %get3A_1 = arith.constant 0 : index
    %get3A_2 = vector.load %arg1[%get3A, %get3A_0, %get3A_1] : memref<2x1024x128xf32, #tpu.memory_space<vmem>>, vector<1x1024x1xf32>
    %get3A_3 = vector.shape_cast %get3A_2 : vector<1x1024x1xf32> to vector<1024x1xf32>
    %get3A_4 = arith.constant 1 : index
    %get3A_5 = arith.constant 0 : index
    %get3A_6 = arith.constant 0 : index
    %get3A_7 = vector.load %arg1[%get3A_4, %get3A_5, %get3A_6] : memref<2x1024x128xf32, #tpu.memory_space<vmem>>, vector<1x1024x1xf32>
    %get3A_8 = vector.shape_cast %get3A_7 : vector<1x1024x1xf32> to vector<1024x1xf32>
    %add3A = arith.addf %get3A_3, %get3A_8 : vector<1024x1xf32>
    %max3A = arith.constant 1.000000e+00 : f32
    %max3A_9 = vector.broadcast %max3A : f32 to vector<1024x1xf32>
    %max3A_10 = arith.maximumf %add3A, %max3A_9 : vector<1024x1xf32>
    %get3A_11 = arith.constant 0 : index
    %get3A_12 = arith.constant 0 : index
    %get3A_13 = arith.constant 0 : index
    %get3A_14 = vector.load %arg0[%get3A_11, %get3A_12, %get3A_13] : memref<2x1024x128xf32, #tpu.memory_space<vmem>>, vector<1x1024x128xf32>
    %get3A_15 = vector.shape_cast %get3A_14 : vector<1x1024x128xf32> to vector<1024x128xf32>
    %get3A_16 = arith.constant 1 : index
    %get3A_17 = arith.constant 0 : index
    %get3A_18 = arith.constant 0 : index
    %get3A_19 = vector.load %arg0[%get3A_16, %get3A_17, %get3A_18] : memref<2x1024x128xf32, #tpu.memory_space<vmem>>, vector<1x1024x128xf32>
    %get3A_20 = vector.shape_cast %get3A_19 : vector<1x1024x128xf32> to vector<1024x128xf32>
    %add3A_21 = arith.addf %get3A_15, %get3A_20 : vector<1024x128xf32>
    %div3A = vector.broadcast %max3A_10 : vector<1024x1xf32> to vector<1024x128xf32>
    %div3A_22 = arith.divf %add3A_21, %div3A : vector<1024x128xf32>
    %get3A_23 = arith.constant 0 : index
    %get3A_24 = arith.constant 0 : index
    %get3A_25 = vector.load %arg3[%get3A_23, %get3A_24] : memref<128x128xf32, #tpu.memory_space<vmem>>, vector<128x128xf32>
    %dot_general3A = arith.constant dense<0.000000e+00> : vector<1024x128xf32>
    %dot_general3A_26 = tpu.matmul %div3A_22, %get3A_25, %dot_general3A {dimension_numbers = #tpu.dot_dimension_numbers<[1], [0], [0], [1], [0, 0, 1, 1], [], []>, transpose_lhs_hint = false} : vector<1024x128xf32>, vector<128x128xf32>, vector<1024x128xf32> -> vector<1024x128xf32>
    %get3A_27 = arith.constant 0 : index
    %get3A_28 = arith.constant 0 : index
    %get3A_29 = vector.load %arg2[%get3A_27, %get3A_28] : memref<1024x128xf32, #tpu.memory_space<vmem>>, vector<1024x128xf32>
    %get3A_30 = arith.constant 0 : index
    %get3A_31 = arith.constant 0 : index
    %get3A_32 = vector.load %arg5[%get3A_30, %get3A_31] : memref<128x128xf32, #tpu.memory_space<vmem>>, vector<128x128xf32>
    %dot_general3A_33 = arith.constant dense<0.000000e+00> : vector<1024x128xf32>
    %dot_general3A_34 = tpu.matmul %get3A_29, %get3A_32, %dot_general3A_33 {dimension_numbers = #tpu.dot_dimension_numbers<[1], [0], [0], [1], [0, 0, 1, 1], [], []>, transpose_lhs_hint = false} : vector<1024x128xf32>, vector<128x128xf32>, vector<1024x128xf32> -> vector<1024x128xf32>
    %add3A_35 = arith.addf %dot_general3A_26, %dot_general3A_34 : vector<1024x128xf32>
    %get3A_36 = arith.constant 0 : index
    %get3A_37 = arith.constant 0 : index
    %get3A_38 = vector.load %arg4[%get3A_36, %get3A_37] : memref<1x128xf32, #tpu.memory_space<vmem>>, vector<1x128xf32>
    %add3A_39 = vector.broadcast %get3A_38 : vector<1x128xf32> to vector<1024x128xf32>
    %add3A_40 = arith.addf %add3A_35, %add3A_39 : vector<1024x128xf32>
    %ge3A = arith.constant 0.000000e+00 : f32
    %ge3A_41 = vector.broadcast %ge3A : f32 to vector<1024x128xf32>
    %ge3A_42 = arith.cmpf oge, %add3A_40, %ge3A_41 : vector<1024x128xf32>
    %get3A_43 = arith.constant 0 : index
    %get3A_44 = arith.constant 0 : index
    %get3A_45 = vector.load %arg6[%get3A_43, %get3A_44] : memref<1x128xf32, #tpu.memory_space<vmem>>, vector<1x128xf32>
    %mul3A = vector.broadcast %get3A_45 : vector<1x128xf32> to vector<1024x128xf32>
    %mul3A_46 = arith.mulf %mul3A, %add3A_40 : vector<1024x128xf32>
    %select_n3A = arith.select %ge3A_42, %add3A_40, %mul3A_46 : vector<1024x128xi1>, vector<1024x128xf32>
    %swap3A = arith.constant 0 : index
    %swap3A_47 = arith.constant 0 : index
    %swap3A_48 = vector.load %arg7[%swap3A, %swap3A_47] : memref<1024x128xf32, #tpu.memory_space<vmem>>, vector<1024x128xf32>
    tpu.vector_store %arg7[%swap3A, %swap3A_47], %select_n3A {strides = array<i32>} : memref<1024x128xf32, #tpu.memory_space<vmem>>, vector<1024x128xf32>,
    return
  }
}

module attributes {stable_mosaic.version = 14 : i64} {
  func.func @_dense_body(%arg0: memref<2x1024x128xf32, #tpu.memory_space<vmem>>, %arg1: memref<2x1024x128xf32, #tpu.memory_space<vmem>>, %arg2: memref<1024x128xf32, #tpu.memory_space<vmem>>, %arg3: memref<128x128xf32, #tpu.memory_space<vmem>>, %arg4: memref<1x128xf32, #tpu.memory_space<vmem>>, %arg5: memref<128x128xf32, #tpu.memory_space<vmem>>, %arg6: memref<1x128xf32, #tpu.memory_space<vmem>>, %arg7: memref<1024x128xf32, #tpu.memory_space<vmem>>) attributes {dimension_semantics = [], scalar_prefetch = 0 : i64, scratch_operands = 0 : i64, tpu.core_type = #tpu.core_type<tc>} {
    %get3A = arith.constant 0 : index
    %get3A_0 = arith.constant 0 : index
    %get3A_1 = arith.constant 0 : index
    %get3A_2 = vector.load %arg1[%get3A, %get3A_0, %get3A_1] : memref<2x1024x128xf32, #tpu.memory_space<vmem>>, vector<1x1024x1xf32>
    %get3A_3 = vector.shape_cast %get3A_2 : vector<1x1024x1xf32> to vector<1024x1xf32>
    %get3A_4 = arith.constant 1 : index
    %get3A_5 = arith.constant 0 : index
    %get3A_6 = arith.constant 0 : index
    %get3A_7 = vector.load %arg1[%get3A_4, %get3A_5, %get3A_6] : memref<2x1024x128xf32, #tpu.memory_space<vmem>>, vector<1x1024x1xf32>
    %get3A_8 = vector.shape_cast %get3A_7 : vector<1x1024x1xf32> to vector<1024x1xf32>
    %add3A = arith.addf %get3A_3, %get3A_8 : vector<1024x1xf32>
    %max3A = arith.constant 1.000000e+00 : f32
    %max3A_9 = vector.broadcast %max3A : f32 to vector<1024x1xf32>
    %max3A_10 = arith.maximumf %add3A, %max3A_9 : vector<1024x1xf32>
    %get3A_11 = arith.constant 0 : index
    %get3A_12 = arith.constant 0 : index
    %get3A_13 = arith.constant 0 : index
    %get3A_14 = vector.load %arg0[%get3A_11, %get3A_12, %get3A_13] : memref<2x1024x128xf32, #tpu.memory_space<vmem>>, vector<1x1024x128xf32>
    %get3A_15 = vector.shape_cast %get3A_14 : vector<1x1024x128xf32> to vector<1024x128xf32>
    %get3A_16 = arith.constant 1 : index
    %get3A_17 = arith.constant 0 : index
    %get3A_18 = arith.constant 0 : index
    %get3A_19 = vector.load %arg0[%get3A_16, %get3A_17, %get3A_18] : memref<2x1024x128xf32, #tpu.memory_space<vmem>>, vector<1x1024x128xf32>
    %get3A_20 = vector.shape_cast %get3A_19 : vector<1x1024x128xf32> to vector<1024x128xf32>
    %add3A_21 = arith.addf %get3A_15, %get3A_20 : vector<1024x128xf32>
    %div3A = vector.broadcast %max3A_10 : vector<1024x1xf32> to vector<1024x128xf32>
    %div3A_22 = arith.divf %add3A_21, %div3A : vector<1024x128xf32>
    %get3A_23 = arith.constant 0 : index
    %get3A_24 = arith.constant 0 : index
    %get3A_25 = vector.load %arg3[%get3A_23, %get3A_24] : memref<128x128xf32, #tpu.memory_space<vmem>>, vector<128x128xf32>
    %dot_general3A = arith.constant dense<0.000000e+00> : vector<1024x128xf32>
    %dot_general3A_26 = tpu.matmul %div3A_22, %get3A_25, %dot_general3A {dimension_numbers = #tpu.dot_dimension_numbers<[1], [0], [0], [1], [0, 0, 1, 1], [], []>, transpose_lhs_hint = false} : vector<1024x128xf32>, vector<128x128xf32>, vector<1024x128xf32> -> vector<1024x128xf32>
    %get3A_27 = arith.constant 0 : index
    %get3A_28 = arith.constant 0 : index
    %get3A_29 = vector.load %arg2[%get3A_27, %get3A_28] : memref<1024x128xf32, #tpu.memory_space<vmem>>, vector<1024x128xf32>
    %get3A_30 = arith.constant 0 : index
    %get3A_31 = arith.constant 0 : index
    %get3A_32 = vector.load %arg5[%get3A_30, %get3A_31] : memref<128x128xf32, #tpu.memory_space<vmem>>, vector<128x128xf32>
    %dot_general3A_33 = arith.constant dense<0.000000e+00> : vector<1024x128xf32>
    %dot_general3A_34 = tpu.matmul %get3A_29, %get3A_32, %dot_general3A_33 {dimension_numbers = #tpu.dot_dimension_numbers<[1], [0], [0], [1], [0, 0, 1, 1], [], []>, transpose_lhs_hint = false} : vector<1024x128xf32>, vector<128x128xf32>, vector<1024x128xf32> -> vector<1024x128xf32>
    %add3A_35 = arith.addf %dot_general3A_26, %dot_general3A_34 : vector<1024x128xf32>
    %get3A_36 = arith.constant 0 : index
    %get3A_37 = arith.constant 0 : index
    %get3A_38 = vector.load %arg4[%get3A_36, %get3A_37] : memref<1x128xf32, #tpu.memory_space<vmem>>, vector<1x128xf32>
    %add3A_39 = vector.broadcast %get3A_38 : vector<1x128xf32> to vector<1024x128xf32>
    %add3A_40 = arith.addf %add3A_35, %add3A_39 : vector<1024x128xf32>
    %ge3A = arith.constant 0.000000e+00 : f32
    %ge3A_41 = vector.broadcast %ge3A : f32 to vector<1024x128xf32>
    %ge3A_42 = arith.cmpf oge, %add3A_40, %ge3A_41 : vector<1024x128xf32>
    %get3A_43 = arith.constant 0 : index
    %get3A_44 = arith.constant 0 : index
    %get3A_45 = vector.load %arg6[%get3A_43, %get3A_44] : memref<1x128xf32, #tpu.memory_space<vmem>>, vector<1x128xf32>
    %mul3A = vector.broadcast %get3A_45 : vector<1x128xf32> to vector<1024x128xf32>
    %mul3A_46 = arith.mulf %mul3A, %add3A_40 : vector<1024x128xf32>
    %select_n3A = arith.select %ge3A_42, %add3A_40, %mul3A_46 : vector<1024x128xi1>, vector<1024x128xf32>
    %swap3A = arith.constant 0 : index
    %swap3A_47 = arith.constant 0 : index
    %swap3A_48 = vector.load %arg7[%swap3A, %swap3A_47] : memref<1024x128xf32, #tpu.memory_space<vmem>>, vector<1024x128xf32>
    tpu.vector_store %arg7[%swap3A, %swap3A_47], %select_n3A {strides = array<i32>} : memref<1024x128xf32, #tpu.memory_space<vmem>>, vector<1024x128xf32>,
    return
  }
}

</mosaic_0001>

<sc_bundles>
// kernel: kernel.11.cloned.1.call-start
scs
__scs_entry_jumppad:
0x0: {  	(pc) =	sbr.rel $0x88, $3  }
0x1: {  	(tag) =	ssettag $0x0;
	lr =	simm.s32 $0x1  }
0x2: {  	[smem:$0x3F91] =	sst lr;
	_ =	strace $0xD0000000  }
0x3: {  	_ = 	snop  }
0x4: {  	_ = 	snop  }
0x5: {  	_ = 	snop  }
0x6: {  	_ = 	snop  }
0x7: {  	_ = 	snop  }
__scs_overlays_trampoline_lowered:
0x8: {  	[smem:$0x3FA0] =	sst s0  }
0x9: {  	[smem:$0x3FA1] =	sst s1  }
0xa: {  	[smem:$0x3FA2] =	sst s2  }
0xb: {  	[smem:$0x3FA3] =	sst s3  }
0xc: {  	[smem:$0x3FA4] =	sst s4  }
0xd: {  	[smem:$0x3FA5] =	sst s5  }
0xe: {  	[smem:$0x3FA6] =	sst s6  }
0xf: {  	[smem:$0x3FA7] =	sst s7  }
0x10: {  	[smem:$0x3FA8] =	sst s8  }
0x11: {  	[smem:$0x3FA9] =	sst s9;
	s0 =	simm.s32 @!p0 $0x0  }
0x12: {  	s1 =	sld [smem:$0x3F8F];
	s0 =	simm.s32 @p0 $0x1  }
0x13: {  	[smem:$0x3FAA] =	sst s0;
	s0 =	simm.s32 @!p1 $0x0  }
0x14: {  	s2 =	sld [smem:$0x3F8E];
	s0 =	simm.s32 @p1 $0x1  }
0x15: {  	[smem:$0x3FAB] =	sst s0;
	s0 =	simm.s32 @!p2 $0x0  }
0x16: {  	s3 =	sld [smem:$0x3FDB];
	s0 =	simm.s32 @p2 $0x1  }
0x17: {  	s4 =	simm.s32 $0x1BF5;
	[smem:$0x3FAD] =	sst s0  }
0x18: {  	s0 =	sld [smem:$0x3F90];
	_ =	swait.ge [sflag:s4], $0x0  }
0x19: {  	s7 =	sld [smem:$0x3F91]  }
0x1a: {  	s8 =	sadd.s32 $0xFFFFE003, lr  }
0x1b: {  	s9 =	sadd.s32 $0xFFFFFEF7, lr;
	s5 =	simm.s32 $0xFFFFFFFF;
	p2 =	slt.u32 s8, $0xFFFFF086  }
0x1c: {  	p1 =	slt.u32 s9, $0xF7A;
	s5 =	simm.s32 @!p2 $0x0  }
0x1d: {  	s5 =	simm.s32 @p1 $0x1;
	p0 =	seq.s32 s7, s2  }
0x1e: {  	s7 =	smul.u32 @!p0 $0xF7A, s2;
	p2 =	seq.s32 @!p0 s5, $0x0  }
0x1f: {  	s9 =	smul.u32 $0xF7A, s1;
	s8 =	simm.s32 @!p0 $0x1BF5;
	p2 =	por !p2, p0  }
0x20: {  	[sflag:s8] =	ssyncset.s32 @!p0 $0xFFFFF086;
	s6 =	sadd.s32 @!p0 s3, s7;
	s7 =	simm.s32 @!p0 $0x108  }
0x21: {  	s3 =	sadd.s32 s3, s9;
	s6 =	sadd.s32 @!p0 $0x88, s6;
	s7 =	simm.s32 @p2 $0x1082  }
0x22: {  	[simem:s7], [sflag:s8] =	dma.local @!p0 [hbm:s6], $0xF7A  }
0x23: {  	s9 =	sor.u32 $0xD0000000, s2;
	s6 =	simm.s32 $0x108;
	_ =	swait.ge @!p0 [sflag:s8], $0x0  }
0x24: {  	s3 =	sadd.s32 $0x88, s3;
	s6 =	simm.s32 @!p1 $0x1082;
	[sflag:s4] =	ssyncset.s32 $0xFFFFF086  }
0x25: {  	[simem:s6], [sflag:s4] =	dma.local [hbm:s3], $0xF7A  }
0x26: {  	[smem:$0x3F91] =	sst s1;
	(tag) =	ssettag s2;
	_ =	strace s9  }
0x27: {  	s1 =	sld [smem:$0x3FA1]  }
0x28: {  	s2 =	sld [smem:$0x3FA2]  }
0x29: {  	s4 =	sld [smem:$0x3FA4]  }
0x2a: {  	p0 =	seq.s32 s5, $0x0;
	s5 =	sld [smem:$0x3FA5]  }
0x2b: {  	s6 =	sld [smem:$0x3FA6]  }
0x2c: {  	s7 =	sld [smem:$0x3FA7]  }
0x2d: {  	s3 =	simm.s32 $0x108;
	s8 =	sld [smem:$0x3FA8]  }
0x2e: {  	s3 =	simm.s32 @!p0 $0x1082;
	s9 =	sld [smem:$0x3FA9]  }
0x2f: {  	lr =	sadd.s32 s0, s3;
	s0 =	sld [smem:$0x3FA0]  }
0x30: {  	s3 =	sld [smem:$0x3FA3]  }
0x31: {  	[smem:$0x3FAC] =	sst s10  }
0x32: {  	s10 =	sld [smem:$0x3FAA];
	_ =	sdelay $0x3  }
0x33: {  	p0 =	seq.s32 s10, $0x1;
	s10 =	sld [smem:$0x3FAC];
	_ =	sdelay $0x3  }
0x34: {  	[smem:$0x3FAC] =	sst s10  }
0x35: {  	s10 =	sld [smem:$0x3FAB];
	_ =	sdelay $0x3  }
0x36: {  	p1 =	seq.s32 s10, $0x1;
	s10 =	sld [smem:$0x3FAC];
	_ =	sdelay $0x3  }
0x37: {  	[smem:$0x3FAC] =	sst s10  }
0x38: {  	s10 =	sld [smem:$0x3FAD]  }
0x39: {  	_ = 	snop;
	(pc) =	sbr.ind lr, $3  }
0x3a: {  	_ = 	snop  }
0x3b: {  	_ = 	snop  }
0x3c: {  	p2 =	seq.s32 s10, $0x1;
	s10 =	sld [smem:$0x3FAC]  }
0x3d: {  	_ =	shalt  }
0x3e: {  	_ =	shalt  }
0x3f: {  	_ =	shalt  }
0x40: {  	_ =	shalt  }
0x41: {  	_ =	shalt  }
0x42: {  	_ =	shalt  }
0x43: {  	_ =	shalt  }
0x44: {  	_ =	shalt  }
0x45: {  	_ =	shalt  }
0x46: {  	_ =	shalt  }
0x47: {  	_ =	shalt  }
0x48: {  	_ =	shalt  }
0x49: {  	_ =	shalt  }
0x4a: {  	_ =	shalt  }
0x4b: {  	_ =	shalt  }
0x4c: {  	_ =	shalt  }
0x4d: {  	_ =	shalt  }
0x4e: {  	_ =	shalt  }
0x4f: {  	_ =	shalt  }
0x50: {  	_ =	shalt  }
0x51: {  	_ =	shalt  }
0x52: {  	_ =	shalt  }
0x53: {  	_ =	shalt  }
0x54: {  	_ =	shalt  }
0x55: {  	_ =	shalt  }
0x56: {  	_ =	shalt  }
0x57: {  	_ =	shalt  }
0x58: {  	_ =	shalt  }
0x59: {  	_ =	shalt  }
0x5a: {  	_ =	shalt  }
0x5b: {  	_ =	shalt  }
0x5c: {  	_ =	shalt  }
0x5d: {  	_ =	shalt  }
0x5e: {  	_ =	shalt  }
0x5f: {  	_ =	shalt  }
0x60: {  	_ =	shalt  }
0x61: {  	_ =	shalt  }
0x62: {  	_ =	shalt  }
0x63: {  	_ =	shalt  }
0x64: {  	_ =	shalt  }
0x65: {  	_ =	shalt  }
0x66: {  	_ =	shalt  }
0x67: {  	_ =	shalt  }
0x68: {  	_ =	shalt  }
0x69: {  	_ =	shalt  }
0x6a: {  	_ =	shalt  }
0x6b: {  	_ =	shalt  }
0x6c: {  	_ =	shalt  }
0x6d: {  	_ =	shalt  }
0x6e: {  	_ =	shalt  }
0x6f: {  	_ =	shalt  }
0x70: {  	_ =	shalt  }
0x71: {  	_ =	shalt  }
0x72: {  	_ =	shalt  }
0x73: {  	_ =	shalt  }
0x74: {  	_ =	shalt  }
0x75: {  	_ =	shalt  }
0x76: {  	_ =	shalt  }
0x77: {  	_ =	shalt  }
0x78: {  	_ =	shalt  }
0x79: {  	_ =	shalt  }
0x7a: {  	_ =	shalt  }
0x7b: {  	_ =	shalt  }
0x7c: {  	_ =	shalt  }
0x7d: {  	_ =	shalt  }
0x7e: {  	_ =	shalt  }
0x7f: {  	_ =	shalt  }
0x80: {  	_ =	shalt  }
0x81: {  	_ =	shalt  }
0x82: {  	_ =	shalt  }
0x83: {  	_ =	shalt  }
0x84: {  	_ =	shalt  }
0x85: {  	_ =	shalt  }
0x86: {  	_ =	shalt  }
0x87: {  	_ =	shalt  }
.Lfunc_end0:
.L_simem_size_0:
called_computation.1_lowered:
.L_overlay_start_0:
0x88: {  	s2 =	sld [smem:$0x3FD9]  }
0x89: {  	s3 =	sld [smem:$0x3FFE];
	_ =	sdelay $0x1  }
0x8a: {  	s1 =	srdreg.scid  }
0x8b: {  	s0 =	sand.u32 $0x1, s1  }
0x8c: {  	s17 =	sshll.u32 s0, $0xA;
	s2 =	sadd.s32 s3, s2  }
0x8d: {  	s2 =	sadd.s32 s2, s17  }
0x8e: {  	[smem:$0x3FB8] =	sst s2  }
0x8f: {  	_ = 	snop  }
0x90: {  	s2 =	sld [smem:$0x3FD0];
	(tm) =	ssettm $0x1  }
0x91: {  	s18 =	sld [smem:$0x3FFB];
	_ =	sdelay $0x3  }
0x92: {  	_ =	strace s18  }
0x93: {  	s3 =	sld [smem:$0x3FFC];
	_ =	sdelay $0x3  }
0x94: {  	_ =	strace s3  }
0x95: {  	s3 =	sld [smem:$0x3FFD];
	_ =	sdelay $0x3  }
0x96: {  	_ =	strace s3  }
0x97: {  	_ =	strace $0x8FFFFFFF  }
0x98: {  	s19 =	sld [smem:$0x3FDB];
	_ =	sdelay $0x1  }
0x99: {  	s4 =	simm.s32 $_scs_section_size  }
0x9a: {  	s5 =	simm.s32 $_size__tile_overlayer_lowered;
	s6 =	simm.s32 $_tile_overlayer_lowered  }
0x9b: {  	s22 =	simm.s32 $0x1BFF;
	s21 =	sshll.u32 s6, $0x1;
	s3 =	sadd.s32 s4, s19  }
0x9c: {  	s7 =	simm.s32 $0x0;
	s20 =	sshll.u32 s5, $0x1;
	s5 =	sadd.s32 s21, s3  }
0x9d: {  	[timem:s7], [sflag:s22] =	dma.local [hbm:s5], s20  }
0x9e: {  	_ =	swait.ge [sflag:s22], s20  }
0x9f: {  	s4 =	ssub.s32 $0x0, s20;
	[sflag:s22] =	ssyncset.done $0x0  }
0xa0: {  	[sflag:s22] =	ssyncadd.s32 s4;
	_ =	sdelay $0x1  }
0xa1: {  	s23 =	simm.s32 $0x1B8B  }
0xa2: {  	_ =	swait.ge [sflag:s23], $0x1  }
0xa3: {  	[sflag:s23] =	ssyncset.done $0x0  }
0xa4: {  	s25 =	simm.s32 $0x1B8E;
	s24 =	sld [smem:$0x3FFE];
	[sflag:s23] =	ssyncadd.s32 $0xFFFFFFFF  }
0xa5: {  	s26 =	simm.s32 $execute0_lowered;
	[smem:$0x3FD2] =	sst s25  }
0xa6: {  	s5 =	sshll.u32 s26, $0x1;
	_ =	strace $0x80000049;
	[dreg:$0x1] =	wrdreg $0xFFFFFFFF  }
0xa7: {  	s28 =	simm.s32 $_size_execute0_lowered;
	s3 =	sadd.s32 s3, s5;
	[dreg:$0x0] =	wrdreg $0x0  }
0xa8: {  	s5 =	sshll.u32 s28, $0x1;
	[dreg:$0x2] =	wrdreg s3  }
0xa9: {  	[dreg:$0x3] =	wrdreg s5  }
0xaa: {  	[dreg:$0x4] =	wrdreg $0xC0  }
0xab: {  	_ =	task [dreg:s7], $0x5FFFF  }
0xac: {  	[dreg:$0x1] =	wrdreg $0xFFFFFFFF  }
0xad: {  	[dreg:$0x0] =	wrdreg $0x60  }
0xae: {  	[dreg:$0x2] =	wrdreg s24  }
0xaf: {  	[dreg:$0x3] =	wrdreg s2  }
0xb0: {  	[dreg:$0x4] =	wrdreg $0xB1000  }
0xb1: {  	[dreg:$0x5] =	wrdreg $0xE1000  }
0xb2: {  	[dreg:$0x6] =	wrdreg $0x9  }
0xb3: {  	_ =	task.clear_ibuf [dreg:s7], $0x7FFFF;
	_ =	strace $0x90000049  }
0xb4: {  	s29 =	simm.s32 $0x9;
	_ =	strace $0x8000004B  }
0xb5: {  	_ =	swait.ge [sflag:s29], $0x1  }
0xb6: {  	[sflag:s29] =	ssyncadd.s32 $0xFFFFFFFF  }
0xb7: {  	_ =	strace $0x9000004B  }
0xb8: {  	_ =	sfence  }
0xb9: {  	s30 =	sld [smem:$0x0];
	_ =	sdelay $0x2  }
0xba: {  	s31 =	sshll.u32 s1, $0xD;
	s1 =	sshrl.u32 s1, $0x2  }
0xbb: {  	s3 =	sand.u32 $0x4000, s31;
	s1 =	sadd.s32 s1, s30  }
0xbc: {  	s0 =	sor.u32 s3, s0;
	s1 =	sshll.u32 s1, $0x11  }
0xbd: {  	s0 =	sor.u32 s1, s0  }
0xbe: {  	s0 =	sadd.s32 $0x8F2B, s0  }
0xbf: {  	[sflag:s0] =	ssyncadd.remote.s32 $0x1  }
0xc0: {  	_ =	sfence.sel $0xFFFF  }
0xc1: {  	[dreg:$0x0] =	wrdreg $0xFFFFFFFF;
	(pc) =	sbr.abs _section_cstart, $3  }
0xc2: {  	[dreg:$0x1] =	wrdreg $0xFFFFFFFF  }
0xc3: {  	_ =	task.clear_ibuf [dreg:s7], $0x2FFFF;
	_ =	strace $0x9FFFFFFF  }
0xc4: {  	(tm) =	ssettm $0x7FFFFFFF  }
0xc5: {  	_ =	shalt  }
tec
execute0_lowered:
.L_overlay_start_1:
0x0: {  	(tag) =	ssettag $0x1  }
0x1: {  	s6 =	rddreg [dreg:$0x0]  }
0x2: {  	s13 =	rddreg [dreg:$0x1]  }
0x3: {  	s1 =	rddreg [dreg:$0x2]  }
0x4: {  	s2 =	rddreg [dreg:$0x3]  }
0x5: {  	s0 =	rddreg [dreg:$0x4];
	s3 =	simm.s32 $0x0  }
0x6: {  	s4 =	srdreg.scid;
	s18 =	simm.s32 $0x1;
	s19 =	simm.s32 $0x800  }
0x7: {  	s20 =	simm.s32 $0x80;
	s21 =	simm.s32 $0x2100;
	s22 =	simm.s32 $0x6100  }
0x8: {  	[smem:$0x7FF] =	sst s3;
	s7 =	sand.u32 $0x1, s4;
	s4 =	stileid.u32  }
0x9: {  	s5 =	sadd.s32 $0x4000, s6;
	_ =	strace $0x8000004A;
	s8 =	sshll.u32 s7, $0xC  }
0xa: {  	s9 =	sshll.u32 s4, $0x8;
	s10 =	sshll.u32 s7, $0x11;
	s16 =	sshll.u32 s4, $0xD  }
0xb: {  	s7 =	ssub.s32 $0x2, s7;
	s29 =	smul.u32 $0x3000, s4;
	s14 =	sor.u32 s9, s8  }
0xc: {  	s28 =	sor.u32 s16, s10;
	s30 =	sshrl.u32 s7, $0x1;
	s23 =	sadd.s32 s16, s1  }
0xd: {  	s24 =	sadd.s32 s16, s2;
	s8 =	sshrl.u32 s28, $0x3;
	s12 =	sadd.s32 s14, s6  }
0xe: {  	s17 =	ssub.s32 s7, s30;
	s31 =	sadd.s32 $0x1000, s29;
	s7 =	sadd.s32 s29, s2  }
0xf: {  	s11 =	sadd.s32 $0x2000, s29;
	s13 =	sadd.s32 s13, s14;
	s23 =	sshrl.u32 s23, $0x3  }
0x10: {  	v0 =	vimm.f32 $0.0e+00;
	v1 =	vimm.f32 $1.000000000e+00;
	v10 =	vlaneseq.u32;
	s24 =	sshrl.u32 s24, $0x3;
	s15 =	sadd.s32 s8, s6;
	s6 =	sadd.s32 s29, s1  }
0x11: {  	v2 =	vimm.s32 $0x0;
	v3 =	vor.u32 $0x400, v10;
	v4 =	vor.u32 $0x410, v10;
	s8 =	sadd.s32 s31, s1;
	s9 =	sadd.s32 s31, s2;
	s10 =	sadd.s32 s11, s1  }
0x12: {  	v5 =	vor.u32 $0x420, v10;
	v6 =	vor.u32 $0x430, v10;
	v7 =	vor.u32 $0x440, v10;
	s11 =	sadd.s32 s11, s2;
	s12 =	sadd.s32 $0x38000, s12;
	s16 =	smax.u32 s17, $0x1  }
0x13: {  	v8 =	vor.u32 $0x450, v10;
	v9 =	vor.u32 $0x460, v10;
	v10 =	vor.u32 $0x470, v10;
	s17 =	simm.s32 $0xA100;
	s14 =	sadd.s32 $0xC000, s15;
	s15 =	sadd.s32 $0x14000, s15  }
.LBB2_1:
0x14: {  	s25 =	simm.s32 $0x0;
	s26 =	simm.s32 $0x200  }
.LBB2_2:
0x15: {  	p0 =	sne.s32 s26, $0x3E00;
	[tilespmem:s25+$0xA170] =	vst v0  }
0x16: {  	[tilespmem:s25+$0xA100] =	vst v0  }
0x17: {  	[tilespmem:s25+$0xA110] =	vst v0  }
.Ltmp0:
0x18: {  	[tilespmem:s25+$0xA120] =	vst v0;
	(pc) =	sbr.rel @p0 .LBB2_2-.Ltmp0, $4  }
0x19: {  	[tilespmem:s25+$0xA130] =	vst v0  }
0x1a: {  	[tilespmem:s25+$0xA140] =	vst v0  }
0x1b: {  	[tilespmem:s25+$0xA150] =	vst v0  }
0x1c: {  	[tilespmem:s25+$0xA160] =	vst v0;
	s25 =	sshra.s32 s26, $0x2;
	s26 =	sadd.s32 $0x200, s26  }
0x1d: {  	[tilespmem:s25+$0xA170] =	vst v0  }
0x1e: {  	[tilespmem:s25+$0xA100] =	vst v0  }
0x1f: {  	[tilespmem:s25+$0xA110] =	vst v0  }
0x20: {  	[tilespmem:s25+$0xA120] =	vst v0  }
0x21: {  	[tilespmem:s25+$0xA130] =	vst v0  }
0x22: {  	[tilespmem:s25+$0xA140] =	vst v0  }
0x23: {  	[tilespmem:s25+$0xA150] =	vst v0  }
0x24: {  	[tilespmem:s25+$0xA160] =	vst v0;
	s25 =	simm.s32 $0x0;
	s26 =	simm.s32 $0x200  }
.LBB2_4:
0x25: {  	p0 =	sne.s32 s26, $0xFE00;
	[tilespmem:s25+$0x6170] =	vst v1  }
0x26: {  	[tilespmem:s25+$0x6100] =	vst v1  }
0x27: {  	[tilespmem:s25+$0x6110] =	vst v1  }
.Ltmp1:
0x28: {  	[tilespmem:s25+$0x6120] =	vst v1;
	(pc) =	sbr.rel @p0 .LBB2_4-.Ltmp1, $4  }
0x29: {  	[tilespmem:s25+$0x6130] =	vst v1  }
0x2a: {  	[tilespmem:s25+$0x6140] =	vst v1  }
0x2b: {  	[tilespmem:s25+$0x6150] =	vst v1  }
0x2c: {  	[tilespmem:s25+$0x6160] =	vst v1;
	s25 =	sshra.s32 s26, $0x2;
	s26 =	sadd.s32 $0x200, s26  }
0x2d: {  	[tilespmem:s25+$0x6170] =	vst v1  }
0x2e: {  	[tilespmem:s25+$0x6100] =	vst v1  }
0x2f: {  	[tilespmem:s25+$0x6110] =	vst v1  }
0x30: {  	[tilespmem:s25+$0x6120] =	vst v1  }
0x31: {  	[tilespmem:s25+$0x6130] =	vst v1  }
0x32: {  	[tilespmem:s25+$0x6140] =	vst v1  }
0x33: {  	[tilespmem:s25+$0x6150] =	vst v1  }
0x34: {  	[tilespmem:s25+$0x6160] =	vst v1  }
0x35: {  	[spmem:s6] =	stream.linear.scatter [tilespmem:s17], [sflag:$0x1], $0x1000, $0x38;
	[tilespmem:$0x11100] =	vst v63  }
0x36: {  	_ =	swait.ge [sflag:s18], $0x1000  }
0x37: {  	[sflag:s18] =	ssyncset.done $0x0  }
0x38: {  	[sflag:s18] =	ssyncadd.s32 $0xFFFFF000  }
0x39: {  	[spmem:s7] =	stream.linear.scatter [tilespmem:s17], [sflag:$0x1], $0x1000, $0x38;
	[tilespmem:$0x11100] =	vst v63  }
0x3a: {  	_ =	swait.ge [sflag:s18], $0x1000  }
0x3b: {  	[sflag:s18] =	ssyncset.done $0x0  }
0x3c: {  	[sflag:s18] =	ssyncadd.s32 $0xFFFFF000  }
0x3d: {  	[spmem:s8] =	stream.linear.scatter [tilespmem:s17], [sflag:$0x1], $0x1000, $0x38;
	[tilespmem:$0x11100] =	vst v63  }
0x3e: {  	_ =	swait.ge [sflag:s18], $0x1000  }
0x3f: {  	[sflag:s18] =	ssyncset.done $0x0  }
0x40: {  	[sflag:s18] =	ssyncadd.s32 $0xFFFFF000  }
0x41: {  	[spmem:s9] =	stream.linear.scatter [tilespmem:s17], [sflag:$0x1], $0x1000, $0x38;
	[tilespmem:$0x11100] =	vst v63  }
0x42: {  	_ =	swait.ge [sflag:s18], $0x1000  }
0x43: {  	[sflag:s18] =	ssyncset.done $0x0  }
0x44: {  	[sflag:s18] =	ssyncadd.s32 $0xFFFFF000  }
0x45: {  	[spmem:s10] =	stream.linear.scatter [tilespmem:s17], [sflag:$0x1], $0x1000, $0x38;
	[tilespmem:$0x11100] =	vst v63  }
0x46: {  	_ =	swait.ge [sflag:s18], $0x1000  }
0x47: {  	[sflag:s18] =	ssyncset.done $0x0  }
0x48: {  	[sflag:s18] =	ssyncadd.s32 $0xFFFFF000  }
0x49: {  	[spmem:s11] =	stream.linear.scatter [tilespmem:s17], [sflag:$0x1], $0x1000, $0x38;
	[tilespmem:$0x11100] =	vst v63  }
0x4a: {  	_ =	swait.ge [sflag:s18], $0x1000  }
0x4b: {  	[sflag:s18] =	ssyncset.done $0x0  }
0x4c: {  	[sflag:s18] =	ssyncadd.s32 $0xFFFFF000  }
0x4d: {  	s25 =	simm.s32 $0x0;
	[bflag:$0x0] =	sbarrier.arrive $0xFFFF  }
0x4e: {  	[tilespmem:s25], [sflag:$0x1] =	stream.linear.gather [hbm4b:s12+s25], $0x800, $0x38;
	[tilespmem:$0x11100] =	vst v63  }
0x4f: {  	_ =	swait.ge [sflag:s18], $0x800  }
0x50: {  	[sflag:s18] =	ssyncset.done $0x0  }
0x51: {  	[sflag:s18] =	ssyncadd.s32 $0xFFFFF800  }
0x52: {  	[tilespmem:s19], [sflag:$0x1] =	stream.linear.gather [hbm4b:s13+s25], $0x800, $0x38;
	[tilespmem:$0x11100] =	vst v63  }
0x53: {  	_ =	swait.ge [sflag:s18], $0x800  }
0x54: {  	[sflag:s18] =	ssyncset.done $0x0  }
0x55: {  	s26 =	simm.s32 $0x0;
	[sflag:s18] =	ssyncadd.s32 $0xFFFFF800  }
0x56: {  	v11 =	vld [tilespmem:s26+$0x800]  }
0x57: {  	v12 =	vld [tilespmem:s26+$0x0];
	_ =	sdelay $0x3  }
0x58: {  	v11 =	vxor.u32 $0x80000000, v11  }
0x59: {  	(xrf1) =	vsort.ascd.msk.u32 $0xffff, v11, v12;
	_ =	sdelay $0xd  }
0x5a: {  	v11, v12, _ =	vpop (xrf1)  }
0x5b: {  	v11 =	vxor.u32 $0x80000000, v11  }
0x5c: {  	vm0 =	vlt.s32 v11, $0x400  }
0x5d: {  	[tilespmem:s25+$0x1000] =	vst v12;
	v63 =	vsel vm0, $0x1, v2  }
0x5e: {  	s28 =	simm.s32 $0x10;
	s26 =	simm.s32 $0x80;
	[tilespmem:s25+$0x1880] =	vst v11;
	(xrf0) =	vadd.scan.msk.s32 $0xffff, v63  }
.LBB2_6:
0x5f: {  	p0 =	sne.s32 s26, $0x1FC0;
	v11 =	vld [tilespmem:s28+$0x800]  }
0x60: {  	v12 =	vld [tilespmem:s28+$0x0];
	_ =	sdelay $0x3  }
0x61: {  	v11 =	vxor.u32 $0x80000000, v11;
	v13, _, _ =	vpop (xrf0)  }
0x62: {  	(xrf1) =	vsort.ascd.msk.u32 $0xffff, v11, v12;
	(v2sf) =	vpush v13, $0xF;
	_ =	sdelay $0xd  }
.Ltmp2:
0x63: {  	v11, v12, _ =	vpop (xrf1);
	(pc) =	sbr.rel @p0 .LBB2_6-.Ltmp2, $4  }
0x64: {  	v11 =	vxor.u32 $0x80000000, v11;
	s28 =	spop (v2sf)  }
0x65: {  	vm0 =	vlt.s32 v11, $0x400;
	s25 =	sadd.s32 s25, s28  }
0x66: {  	[tilespmem:s25+$0x1000] =	vst v12;
	v12 =	vsel vm0, $0x1, v2  }
0x67: {  	s28 =	sshra.s32 s26, $0x2;
	s26 =	sadd.s32 $0x40, s26;
	[tilespmem:s25+$0x1880] =	vst v11;
	(xrf0) =	vadd.scan.msk.s32 $0xffff, v12  }
0x68: {  	v11 =	vld [tilespmem:s28+$0x800]  }
0x69: {  	v12 =	vld [tilespmem:s28+$0x0];
	_ =	sdelay $0x3  }
0x6a: {  	v11 =	vxor.u32 $0x80000000, v11  }
0x6b: {  	(xrf1) =	vsort.ascd.msk.u32 $0xffff, v11, v12;
	_ =	sdelay $0xd  }
0x6c: {  	v11, v12, _ =	vpop (xrf1)  }
0x6d: {  	v11 =	vxor.u32 $0x80000000, v11  }
0x6e: {  	vm0 =	vlt.s32 v11, $0x400  }
0x6f: {  	v13 =	vsel vm0, $0x1, v2  }
0x70: {  	(xrf0) =	vadd.scan.msk.s32 $0xffff, v13;
	_ =	sdelay $0x3  }
0x71: {  	v62, _, _ =	vpop (xrf0)  }
0x72: {  	(v2sf) =	vpush v62, $0xF  }
0x73: {  	v63, _, _ =	vpop (xrf0)  }
0x74: {  	(v2sf) =	vpush v63, $0xF;
	_ =	sdelay $0xc  }
0x75: {  	s26 =	spop (v2sf)  }
0x76: {  	s25 =	sadd.s32 s25, s26  }
0x77: {  	[tilespmem:s25+$0x1000] =	vst v12;
	s31 =	spop (v2sf)  }
0x78: {  	[tilespmem:s25+$0x1880] =	vst v11;
	s25 =	sadd.s32 s25, s31  }
0x79: {  	[tilespmem:s25+$0x1880] =	vst v3  }
0x7a: {  	[tilespmem:s25+$0x1000] =	vst v2  }
0x7b: {  	[tilespmem:s25+$0x1890] =	vst v4  }
0x7c: {  	[tilespmem:s25+$0x1010] =	vst v2  }
0x7d: {  	[tilespmem:s25+$0x18A0] =	vst v5  }
0x7e: {  	[tilespmem:s25+$0x1020] =	vst v2  }
0x7f: {  	[tilespmem:s25+$0x18B0] =	vst v6  }
0x80: {  	[tilespmem:s25+$0x1030] =	vst v2  }
0x81: {  	[tilespmem:s25+$0x18C0] =	vst v7  }
0x82: {  	[tilespmem:s25+$0x1040] =	vst v2  }
0x83: {  	[tilespmem:s25+$0x18D0] =	vst v8  }
0x84: {  	[tilespmem:s25+$0x1050] =	vst v2  }
0x85: {  	[tilespmem:s25+$0x18E0] =	vst v9  }
0x86: {  	[tilespmem:s25+$0x1060] =	vst v2  }
0x87: {  	[tilespmem:s25+$0x18F0] =	vst v10  }
0x88: {  	s26 =	sadd.s32 $0x7F, s25;
	[tilespmem:s25+$0x1070] =	vst v2;
	s25 =	simm.s32 $0x1000  }
0x89: {  	s28 =	sshra.s32 s26, $0x1F;
	s29 =	sand.u32 $0x7F, s26;
	p0 =	slt.s32 s26, $0x1  }
0x8a: {  	[tilespmem:s21], [sflag:$0x1] =	stream.indirect.gather [hbm4b:s5+s20], $0x80, s25, s20, $0xb8;
	[tilespmem:$0x11100] =	vst v63  }
0x8b: {  	s28 =	sshrl.u32 s28, $0x19;
	p1 =	sne.s32 s29, $0x0;
	_ =	swait.ge [sflag:s18], $0x4000  }
0x8c: {  	s29 =	simm.s32 $0x1;
	s28 =	sadd.s32 s28, s26;
	p0 =	por !p0, !p1  }
0x8d: {  	[sflag:s18] =	ssyncset.done $0x0;
	s26 =	simm.s32 $0x1880;
	p0 =	por !p0, !p0  }
0x8e: {  	s28 =	sshra.s32 s28, $0x7;
	[sflag:s18] =	ssyncadd.s32 $0xFFFFC000;
	s29 =	simm.s32 @!p0 $0x0  }
0x8f: {  	[spmem:s1] =	stream.indirect.scatter.add.f32 [tilespmem:s21], [sflag:$0x1], $0x80, s26, s20, $0xb8;
	[tilespmem:$0x11100] =	vst v63  }
0x90: {  	s28 =	ssub.s32 s28, s29  }
0x91: {  	p0 =	sgt.s32 s28, $0x1  }
0x92: {  	s28 =	simm.s32 @!p0 $0x1  }
0x93: {  	_ =	swait.ge [sflag:s18], $0x4000;
	p0 =	sne.s32 s28, $0x1  }
.Ltmp3:
0x94: {  	[sflag:s18] =	ssyncset.done $0x0;
	(pc) =	sbr.rel @!p0 .LBB2_9-.Ltmp3, $4  }
0x95: {  	[sflag:s18] =	ssyncadd.s32 $0xFFFFC000  }
0x96: {  	[spmem:s2] =	stream.indirect.scatter.add.f32 [tilespmem:s22], [sflag:$0x1], $0x80, s26, s20, $0xb8;
	[tilespmem:$0x11100] =	vst v63  }
0x97: {  	_ =	swait.ge [sflag:s18], $0x4000  }
0x98: {  	s28 =	sadd.s32 $0xFFFFFFFF, s28;
	[sflag:s18] =	ssyncset.done $0x0  }
.LBB2_8:
0x99: {  	[sflag:s18] =	ssyncadd.s32 $0xFFFFC000;
	s25 =	sadd.s32 $0x80, s25;
	s26 =	sadd.s32 $0x80, s26  }
0x9a: {  	[tilespmem:s21], [sflag:$0x1] =	stream.indirect.gather [hbm4b:s5+s20], $0x80, s25, s20, $0xb8;
	[tilespmem:$0x11100] =	vst v63  }
0x9b: {  	p0 =	sne.s32 s28, $0x1;
	s28 =	sadd.s32 $0xFFFFFFFF, s28;
	_ =	swait.ge [sflag:s18], $0x4000  }
0x9c: {  	[sflag:s18] =	ssyncset.done $0x0  }
0x9d: {  	[sflag:s18] =	ssyncadd.s32 $0xFFFFC000  }
0x9e: {  	[spmem:s1] =	stream.indirect.scatter.add.f32 [tilespmem:s21], [sflag:$0x1], $0x80, s26, s20, $0xb8;
	[tilespmem:$0x11100] =	vst v63  }
0x9f: {  	_ =	swait.ge [sflag:s18], $0x4000  }
.Ltmp4:
0xa0: {  	[sflag:s18] =	ssyncset.done $0x0;
	(pc) =	sbr.rel @p0 .LBB2_8-.Ltmp4, $4  }
0xa1: {  	[sflag:s18] =	ssyncadd.s32 $0xFFFFC000  }
0xa2: {  	[spmem:s2] =	stream.indirect.scatter.add.f32 [tilespmem:s22], [sflag:$0x1], $0x80, s26, s20, $0xb8;
	[tilespmem:$0x11100] =	vst v63  }
0xa3: {  	_ =	swait.ge [sflag:s18], $0x4000  }
0xa4: {  	[sflag:s18] =	ssyncset.done $0x0  }
.LBB2_9:
0xa5: {  	[sflag:s18] =	ssyncadd.s32 $0xFFFFC000;
	s25 =	sshll.u32 s4, $0x6  }
0xa6: {  	[bflag:$0x0] =	sbarrier.arrive $0xFFFF;
	s25 =	sor.u32 $0x1C01, s25  }
0xa7: {  	[hbm:s14], [sflag:s25] =	dma.local [spmem:s23], $0x400  }
0xa8: {  	s3 =	sadd.s32 $0x1, s3;
	_ =	swait.ge [sflag:s18], $0x400  }
0xa9: {  	p0 =	sne.s32 s3, s16;
	[sflag:s18] =	ssyncset.done $0x0  }
.Ltmp5:
0xaa: {  	[sflag:s18] =	ssyncadd.s32 $0xFFFFFC00;
	(pc) =	sbr.rel @p0 .LBB2_1-.Ltmp5, $4  }
0xab: {  	[hbm:s15], [sflag:s25] =	dma.local [spmem:s24], $0x400  }
0xac: {  	_ =	swait.ge [sflag:s18], $0x400  }
0xad: {  	[sflag:s18] =	ssyncset.done $0x0  }
0xae: {  	[sflag:s18] =	ssyncadd.s32 $0xFFFFFC00  }
0xaf: {  	_ =	sfence.sel $0x180000  }
0xb0: {  	[bflag:$0x0] =	sbarrier.arrive $0xFFFF  }
0xb1: {  	p0 =	sne.s32 s4, $0x0;
	_ =	strace $0x9000004A  }
0xb2: {  	s0 =	sadd.s32 @!p0 $0x100000, s0;
	[bflag:$0x2] =	sbarrier.arrive $0xFFFF  }
0xb3: {  	[sflag:s0] =	ssyncadd.tile.s32 @!p0 $0x1;
	_ =	shalt  }
.Lfunc_end2:
_tile_overlayer_lowered:
.L_overlay_start_2:
0xb4: {  	(tag) =	ssettag $0x2  }
0xb5: {  	s0 =	rddreg [dreg:$0x0];
	s2 =	stileid.u32  }
0xb6: {  	s1 =	rddreg [dreg:$0x1];
	p0 =	sne.s32 s2, $0x0  }
0xb7: {  	s3 =	rddreg [dreg:$0x2];
	[bflag:$0x3] =	sbarrier.arrive $0xFFFF;
	s2 =	simm.s32 @!p0 $0x1C01  }
0xb8: {  	[timem:s3], [sflag:s2] =	dma.local @!p0 [hbm:s0], s1  }
0xb9: {  	s0 =	simm.s32 @!p0 $0x1  }
0xba: {  	_ =	swait.ge @!p0 [sflag:s0], s1  }
0xbb: {  	s1 =	ssub.s32 @!p0 $0x0, s1;
	[sflag:s0] =	ssyncset.done @!p0 $0x0  }
0xbc: {  	[sflag:s0] =	ssyncadd.s32 @!p0 s1  }
0xbd: {  	[bflag:$0x3] =	sbarrier.arrive $0xFFFF  }
0xbe: {  	_ =	shalt  }

// kernel: kernel.14.cloned.1.call-start
scs
__scs_entry_jumppad:
0x0: {  	(pc) =	sbr.rel $0x88, $3  }
0x1: {  	(tag) =	ssettag $0x0;
	lr =	simm.s32 $0x1  }
0x2: {  	[smem:$0x3F91] =	sst lr;
	_ =	strace $0xD0000000  }
0x3: {  	_ = 	snop  }
0x4: {  	_ = 	snop  }
0x5: {  	_ = 	snop  }
0x6: {  	_ = 	snop  }
0x7: {  	_ = 	snop  }
__scs_overlays_trampoline_lowered:
0x8: {  	[smem:$0x3FA0] =	sst s0  }
0x9: {  	[smem:$0x3FA1] =	sst s1  }
0xa: {  	[smem:$0x3FA2] =	sst s2  }
0xb: {  	[smem:$0x3FA3] =	sst s3  }
0xc: {  	[smem:$0x3FA4] =	sst s4  }
0xd: {  	[smem:$0x3FA5] =	sst s5  }
0xe: {  	[smem:$0x3FA6] =	sst s6  }
0xf: {  	[smem:$0x3FA7] =	sst s7  }
0x10: {  	[smem:$0x3FA8] =	sst s8  }
0x11: {  	[smem:$0x3FA9] =	sst s9;
	s0 =	simm.s32 @!p0 $0x0  }
0x12: {  	s1 =	sld [smem:$0x3F8F];
	s0 =	simm.s32 @p0 $0x1  }
0x13: {  	[smem:$0x3FAA] =	sst s0;
	s0 =	simm.s32 @!p1 $0x0  }
0x14: {  	s2 =	sld [smem:$0x3F8E];
	s0 =	simm.s32 @p1 $0x1  }
0x15: {  	[smem:$0x3FAB] =	sst s0;
	s0 =	simm.s32 @!p2 $0x0  }
0x16: {  	s3 =	sld [smem:$0x3FDB];
	s0 =	simm.s32 @p2 $0x1  }
0x17: {  	s4 =	simm.s32 $0x1BF5;
	[smem:$0x3FAD] =	sst s0  }
0x18: {  	s0 =	sld [smem:$0x3F90];
	_ =	swait.ge [sflag:s4], $0x0  }
0x19: {  	s7 =	sld [smem:$0x3F91]  }
0x1a: {  	s8 =	sadd.s32 $0xFFFFE003, lr  }
0x1b: {  	s9 =	sadd.s32 $0xFFFFFEF7, lr;
	s5 =	simm.s32 $0xFFFFFFFF;
	p2 =	slt.u32 s8, $0xFFFFF086  }
0x1c: {  	p1 =	slt.u32 s9, $0xF7A;
	s5 =	simm.s32 @!p2 $0x0  }
0x1d: {  	s5 =	simm.s32 @p1 $0x1;
	p0 =	seq.s32 s7, s2  }
0x1e: {  	s7 =	smul.u32 @!p0 $0xF7A, s2;
	p2 =	seq.s32 @!p0 s5, $0x0  }
0x1f: {  	s9 =	smul.u32 $0xF7A, s1;
	s8 =	simm.s32 @!p0 $0x1BF5;
	p2 =	por !p2, p0  }
0x20: {  	[sflag:s8] =	ssyncset.s32 @!p0 $0xFFFFF086;
	s6 =	sadd.s32 @!p0 s3, s7;
	s7 =	simm.s32 @!p0 $0x108  }
0x21: {  	s3 =	sadd.s32 s3, s9;
	s6 =	sadd.s32 @!p0 $0x88, s6;
	s7 =	simm.s32 @p2 $0x1082  }
0x22: {  	[simem:s7], [sflag:s8] =	dma.local @!p0 [hbm:s6], $0xF7A  }
0x23: {  	s9 =	sor.u32 $0xD0000000, s2;
	s6 =	simm.s32 $0x108;
	_ =	swait.ge @!p0 [sflag:s8], $0x0  }
0x24: {  	s3 =	sadd.s32 $0x88, s3;
	s6 =	simm.s32 @!p1 $0x1082;
	[sflag:s4] =	ssyncset.s32 $0xFFFFF086  }
0x25: {  	[simem:s6], [sflag:s4] =	dma.local [hbm:s3], $0xF7A  }
0x26: {  	[smem:$0x3F91] =	sst s1;
	(tag) =	ssettag s2;
	_ =	strace s9  }
0x27: {  	s1 =	sld [smem:$0x3FA1]  }
0x28: {  	s2 =	sld [smem:$0x3FA2]  }
0x29: {  	s4 =	sld [smem:$0x3FA4]  }
0x2a: {  	p0 =	seq.s32 s5, $0x0;
	s5 =	sld [smem:$0x3FA5]  }
0x2b: {  	s6 =	sld [smem:$0x3FA6]  }
0x2c: {  	s7 =	sld [smem:$0x3FA7]  }
0x2d: {  	s3 =	simm.s32 $0x108;
	s8 =	sld [smem:$0x3FA8]  }
0x2e: {  	s3 =	simm.s32 @!p0 $0x1082;
	s9 =	sld [smem:$0x3FA9]  }
0x2f: {  	lr =	sadd.s32 s0, s3;
	s0 =	sld [smem:$0x3FA0]  }
0x30: {  	s3 =	sld [smem:$0x3FA3]  }
0x31: {  	[smem:$0x3FAC] =	sst s10  }
0x32: {  	s10 =	sld [smem:$0x3FAA];
	_ =	sdelay $0x3  }
0x33: {  	p0 =	seq.s32 s10, $0x1;
	s10 =	sld [smem:$0x3FAC];
	_ =	sdelay $0x3  }
0x34: {  	[smem:$0x3FAC] =	sst s10  }
0x35: {  	s10 =	sld [smem:$0x3FAB];
	_ =	sdelay $0x3  }
0x36: {  	p1 =	seq.s32 s10, $0x1;
	s10 =	sld [smem:$0x3FAC];
	_ =	sdelay $0x3  }
0x37: {  	[smem:$0x3FAC] =	sst s10  }
0x38: {  	s10 =	sld [smem:$0x3FAD]  }
0x39: {  	_ = 	snop;
	(pc) =	sbr.ind lr, $3  }
0x3a: {  	_ = 	snop  }
0x3b: {  	_ = 	snop  }
0x3c: {  	p2 =	seq.s32 s10, $0x1;
	s10 =	sld [smem:$0x3FAC]  }
0x3d: {  	_ =	shalt  }
0x3e: {  	_ =	shalt  }
0x3f: {  	_ =	shalt  }
0x40: {  	_ =	shalt  }
0x41: {  	_ =	shalt  }
0x42: {  	_ =	shalt  }
0x43: {  	_ =	shalt  }
0x44: {  	_ =	shalt  }
0x45: {  	_ =	shalt  }
0x46: {  	_ =	shalt  }
0x47: {  	_ =	shalt  }
0x48: {  	_ =	shalt  }
0x49: {  	_ =	shalt  }
0x4a: {  	_ =	shalt  }
0x4b: {  	_ =	shalt  }
0x4c: {  	_ =	shalt  }
0x4d: {  	_ =	shalt  }
0x4e: {  	_ =	shalt  }
0x4f: {  	_ =	shalt  }
0x50: {  	_ =	shalt  }
0x51: {  	_ =	shalt  }
0x52: {  	_ =	shalt  }
0x53: {  	_ =	shalt  }
0x54: {  	_ =	shalt  }
0x55: {  	_ =	shalt  }
0x56: {  	_ =	shalt  }
0x57: {  	_ =	shalt  }
0x58: {  	_ =	shalt  }
0x59: {  	_ =	shalt  }
0x5a: {  	_ =	shalt  }
0x5b: {  	_ =	shalt  }
0x5c: {  	_ =	shalt  }
0x5d: {  	_ =	shalt  }
0x5e: {  	_ =	shalt  }
0x5f: {  	_ =	shalt  }
0x60: {  	_ =	shalt  }
0x61: {  	_ =	shalt  }
0x62: {  	_ =	shalt  }
0x63: {  	_ =	shalt  }
0x64: {  	_ =	shalt  }
0x65: {  	_ =	shalt  }
0x66: {  	_ =	shalt  }
0x67: {  	_ =	shalt  }
0x68: {  	_ =	shalt  }
0x69: {  	_ =	shalt  }
0x6a: {  	_ =	shalt  }
0x6b: {  	_ =	shalt  }
0x6c: {  	_ =	shalt  }
0x6d: {  	_ =	shalt  }
0x6e: {  	_ =	shalt  }
0x6f: {  	_ =	shalt  }
0x70: {  	_ =	shalt  }
0x71: {  	_ =	shalt  }
0x72: {  	_ =	shalt  }
0x73: {  	_ =	shalt  }
0x74: {  	_ =	shalt  }
0x75: {  	_ =	shalt  }
0x76: {  	_ =	shalt  }
0x77: {  	_ =	shalt  }
0x78: {  	_ =	shalt  }
0x79: {  	_ =	shalt  }
0x7a: {  	_ =	shalt  }
0x7b: {  	_ =	shalt  }
0x7c: {  	_ =	shalt  }
0x7d: {  	_ =	shalt  }
0x7e: {  	_ =	shalt  }
0x7f: {  	_ =	shalt  }
0x80: {  	_ =	shalt  }
0x81: {  	_ =	shalt  }
0x82: {  	_ =	shalt  }
0x83: {  	_ =	shalt  }
0x84: {  	_ =	shalt  }
0x85: {  	_ =	shalt  }
0x86: {  	_ =	shalt  }
0x87: {  	_ =	shalt  }
.Lfunc_end0:
.L_simem_size_0:
called_computation.2_lowered:
.L_overlay_start_0:
0x88: {  	s2 =	sld [smem:$0x3FD9]  }
0x89: {  	s3 =	sld [smem:$0x3FFE];
	_ =	sdelay $0x1  }
0x8a: {  	s1 =	srdreg.scid  }
0x8b: {  	s0 =	sand.u32 $0x1, s1  }
0x8c: {  	s16 =	sshll.u32 s0, $0xA;
	s2 =	sadd.s32 s3, s2  }
0x8d: {  	s2 =	sadd.s32 s2, s16  }
0x8e: {  	[smem:$0x3FB8] =	sst s2  }
0x8f: {  	_ = 	snop  }
0x90: {  	(tm) =	ssettm $0x1  }
0x91: {  	s17 =	sld [smem:$0x3FFB];
	_ =	sdelay $0x3  }
0x92: {  	_ =	strace s17  }
0x93: {  	s2 =	sld [smem:$0x3FFC];
	_ =	sdelay $0x3  }
0x94: {  	_ =	strace s2  }
0x95: {  	s2 =	sld [smem:$0x3FFD];
	_ =	sdelay $0x3  }
0x96: {  	_ =	strace s2  }
0x97: {  	_ =	strace $0x8FFFFFFF  }
0x98: {  	s18 =	sld [smem:$0x3FDB];
	_ =	sdelay $0x1  }
0x99: {  	s19 =	simm.s32 $_scs_section_size  }
0x9a: {  	s4 =	simm.s32 $_size__tile_overlayer_lowered;
	s5 =	simm.s32 $_tile_overlayer_lowered  }
0x9b: {  	s22 =	simm.s32 $0x1BFF;
	s21 =	sshll.u32 s5, $0x1;
	s2 =	sadd.s32 s19, s18  }
0x9c: {  	s6 =	simm.s32 $0x0;
	s20 =	sshll.u32 s4, $0x1;
	s4 =	sadd.s32 s21, s2  }
0x9d: {  	[timem:s6], [sflag:s22] =	dma.local [hbm:s4], s20  }
0x9e: {  	_ =	swait.ge [sflag:s22], s20  }
0x9f: {  	s3 =	ssub.s32 $0x0, s20;
	[sflag:s22] =	ssyncset.done $0x0  }
0xa0: {  	[sflag:s22] =	ssyncadd.s32 s3;
	_ =	sdelay $0x1  }
0xa1: {  	s23 =	simm.s32 $0x1B8B  }
0xa2: {  	_ =	swait.ge [sflag:s23], $0x1  }
0xa3: {  	[sflag:s23] =	ssyncset.done $0x0  }
0xa4: {  	s25 =	simm.s32 $0x1B8E;
	s24 =	sld [smem:$0x3FFE];
	[sflag:s23] =	ssyncadd.s32 $0xFFFFFFFF  }
0xa5: {  	s26 =	simm.s32 $execute0_lowered;
	[smem:$0x3FD2] =	sst s25  }
0xa6: {  	s4 =	sshll.u32 s26, $0x1;
	_ =	strace $0x8000004C;
	[dreg:$0x1] =	wrdreg $0xFFFFFFFF  }
0xa7: {  	s28 =	simm.s32 $_size_execute0_lowered;
	s2 =	sadd.s32 s2, s4;
	[dreg:$0x0] =	wrdreg $0x0  }
0xa8: {  	s4 =	sshll.u32 s28, $0x1;
	[dreg:$0x2] =	wrdreg s2  }
0xa9: {  	[dreg:$0x3] =	wrdreg s4  }
0xaa: {  	[dreg:$0x4] =	wrdreg $0xC0  }
0xab: {  	_ =	task [dreg:s6], $0x5FFFF  }
0xac: {  	[dreg:$0x1] =	wrdreg $0xFFFFFFFF  }
0xad: {  	[dreg:$0x0] =	wrdreg $0x60  }
0xae: {  	[dreg:$0x2] =	wrdreg s24  }
0xaf: {  	[dreg:$0x3] =	wrdreg $0xB1000  }
0xb0: {  	[dreg:$0x4] =	wrdreg $0xE1000  }
0xb1: {  	[dreg:$0x5] =	wrdreg $0x9  }
0xb2: {  	_ =	task.clear_ibuf [dreg:s6], $0x6FFFF;
	_ =	strace $0x9000004C  }
0xb3: {  	s29 =	simm.s32 $0x9;
	_ =	strace $0x8000004E  }
0xb4: {  	_ =	swait.ge [sflag:s29], $0x1  }
0xb5: {  	[sflag:s29] =	ssyncadd.s32 $0xFFFFFFFF  }
0xb6: {  	_ =	strace $0x9000004E  }
0xb7: {  	_ =	sfence  }
0xb8: {  	s30 =	sld [smem:$0x0];
	_ =	sdelay $0x2  }
0xb9: {  	s31 =	sshll.u32 s1, $0xD;
	s1 =	sshrl.u32 s1, $0x2  }
0xba: {  	s3 =	sand.u32 $0x4000, s31;
	s1 =	sadd.s32 s1, s30  }
0xbb: {  	s0 =	sor.u32 s3, s0;
	s1 =	sshll.u32 s1, $0x11  }
0xbc: {  	s0 =	sor.u32 s1, s0  }
0xbd: {  	s0 =	sadd.s32 $0x8F2B, s0  }
0xbe: {  	[sflag:s0] =	ssyncadd.remote.s32 $0x1  }
0xbf: {  	_ =	sfence.sel $0xFFFF  }
0xc0: {  	[dreg:$0x0] =	wrdreg $0xFFFFFFFF;
	(pc) =	sbr.abs _section_cstart, $3  }
0xc1: {  	[dreg:$0x1] =	wrdreg $0xFFFFFFFF  }
0xc2: {  	_ =	task.clear_ibuf [dreg:s6], $0x2FFFF;
	_ =	strace $0x9FFFFFFF  }
0xc3: {  	(tm) =	ssettm $0x7FFFFFFF  }
tec
execute0_lowered:
.L_overlay_start_1:
0x0: {  	(tag) =	ssettag $0x1  }
0x1: {  	s6 =	rddreg [dreg:$0x0]  }
0x2: {  	s1 =	rddreg [dreg:$0x1]  }
0x3: {  	s2 =	rddreg [dreg:$0x2]  }
0x4: {  	s0 =	rddreg [dreg:$0x3];
	s3 =	simm.s32 $0x0  }
0x5: {  	s4 =	srdreg.scid;
	s18 =	simm.s32 $0x1;
	s19 =	simm.s32 $0x800  }
0x6: {  	s20 =	simm.s32 $0x80;
	s21 =	simm.s32 $0x2100;
	s22 =	simm.s32 $0x6100  }
0x7: {  	[smem:$0x7FF] =	sst s3;
	s7 =	sand.u32 $0x1, s4;
	s4 =	stileid.u32  }
0x8: {  	s5 =	sadd.s32 $0x4000, s6;
	_ =	strace $0x8000004D;
	s8 =	sshll.u32 s7, $0xC  }
0x9: {  	s9 =	sshll.u32 s4, $0x8;
	s10 =	sshll.u32 s7, $0x11;
	s16 =	sshll.u32 s4, $0xD  }
0xa: {  	s7 =	ssub.s32 $0x2, s7;
	s29 =	smul.u32 $0x3000, s4;
	s8 =	sor.u32 s9, s8  }
0xb: {  	s28 =	sor.u32 s16, s10;
	s30 =	sshrl.u32 s7, $0x1;
	s23 =	sadd.s32 s16, s1  }
0xc: {  	s24 =	sadd.s32 s16, s2;
	s9 =	sshrl.u32 s28, $0x3;
	s13 =	sadd.s32 s8, s6  }
0xd: {  	s17 =	ssub.s32 s7, s30;
	s31 =	sadd.s32 $0x1000, s29;
	s7 =	sadd.s32 s29, s2  }
0xe: {  	s11 =	sadd.s32 $0x2000, s29;
	s23 =	sshrl.u32 s23, $0x3;
	s24 =	sshrl.u32 s24, $0x3  }
0xf: {  	v0 =	vimm.f32 $0.0e+00;
	v1 =	vimm.f32 $1.000000000e+00;
	v10 =	vlaneseq.u32;
	s15 =	sadd.s32 s9, s6;
	s6 =	sadd.s32 s29, s1;
	s8 =	sadd.s32 s31, s1  }
0x10: {  	v2 =	vimm.s32 $0x0;
	v3 =	vor.u32 $0x400, v10;
	v4 =	vor.u32 $0x410, v10;
	s9 =	sadd.s32 s31, s2;
	s10 =	sadd.s32 s11, s1;
	s11 =	sadd.s32 s11, s2  }
0x11: {  	v5 =	vor.u32 $0x420, v10;
	v6 =	vor.u32 $0x430, v10;
	v7 =	vor.u32 $0x440, v10;
	s12 =	sadd.s32 $0x1C000, s13;
	s13 =	sadd.s32 $0x1E000, s13;
	s16 =	smax.u32 s17, $0x1  }
0x12: {  	v8 =	vor.u32 $0x450, v10;
	v9 =	vor.u32 $0x460, v10;
	v10 =	vor.u32 $0x470, v10;
	s17 =	simm.s32 $0xA100;
	s14 =	sadd.s32 $0xC000, s15;
	s15 =	sadd.s32 $0x14000, s15  }
.LBB2_1:
0x13: {  	s25 =	simm.s32 $0x0;
	s26 =	simm.s32 $0x200  }
.LBB2_2:
0x14: {  	p0 =	sne.s32 s26, $0x3E00;
	[tilespmem:s25+$0xA170] =	vst v0  }
0x15: {  	[tilespmem:s25+$0xA100] =	vst v0  }
0x16: {  	[tilespmem:s25+$0xA110] =	vst v0  }
.Ltmp0:
0x17: {  	[tilespmem:s25+$0xA120] =	vst v0;
	(pc) =	sbr.rel @p0 .LBB2_2-.Ltmp0, $4  }
0x18: {  	[tilespmem:s25+$0xA130] =	vst v0  }
0x19: {  	[tilespmem:s25+$0xA140] =	vst v0  }
0x1a: {  	[tilespmem:s25+$0xA150] =	vst v0  }
0x1b: {  	[tilespmem:s25+$0xA160] =	vst v0;
	s25 =	sshra.s32 s26, $0x2;
	s26 =	sadd.s32 $0x200, s26  }
0x1c: {  	[tilespmem:s25+$0xA170] =	vst v0  }
0x1d: {  	[tilespmem:s25+$0xA100] =	vst v0  }
0x1e: {  	[tilespmem:s25+$0xA110] =	vst v0  }
0x1f: {  	[tilespmem:s25+$0xA120] =	vst v0  }
0x20: {  	[tilespmem:s25+$0xA130] =	vst v0  }
0x21: {  	[tilespmem:s25+$0xA140] =	vst v0  }
0x22: {  	[tilespmem:s25+$0xA150] =	vst v0  }
0x23: {  	[tilespmem:s25+$0xA160] =	vst v0;
	s25 =	simm.s32 $0x0;
	s26 =	simm.s32 $0x200  }
.LBB2_4:
0x24: {  	p0 =	sne.s32 s26, $0xFE00;
	[tilespmem:s25+$0x6170] =	vst v1  }
0x25: {  	[tilespmem:s25+$0x6100] =	vst v1  }
0x26: {  	[tilespmem:s25+$0x6110] =	vst v1  }
.Ltmp1:
0x27: {  	[tilespmem:s25+$0x6120] =	vst v1;
	(pc) =	sbr.rel @p0 .LBB2_4-.Ltmp1, $4  }
0x28: {  	[tilespmem:s25+$0x6130] =	vst v1  }
0x29: {  	[tilespmem:s25+$0x6140] =	vst v1  }
0x2a: {  	[tilespmem:s25+$0x6150] =	vst v1  }
0x2b: {  	[tilespmem:s25+$0x6160] =	vst v1;
	s25 =	sshra.s32 s26, $0x2;
	s26 =	sadd.s32 $0x200, s26  }
0x2c: {  	[tilespmem:s25+$0x6170] =	vst v1  }
0x2d: {  	[tilespmem:s25+$0x6100] =	vst v1  }
0x2e: {  	[tilespmem:s25+$0x6110] =	vst v1  }
0x2f: {  	[tilespmem:s25+$0x6120] =	vst v1  }
0x30: {  	[tilespmem:s25+$0x6130] =	vst v1  }
0x31: {  	[tilespmem:s25+$0x6140] =	vst v1  }
0x32: {  	[tilespmem:s25+$0x6150] =	vst v1  }
0x33: {  	[tilespmem:s25+$0x6160] =	vst v1  }
0x34: {  	[spmem:s6] =	stream.linear.scatter [tilespmem:s17], [sflag:$0x1], $0x1000, $0x38;
	[tilespmem:$0x11100] =	vst v63  }
0x35: {  	_ =	swait.ge [sflag:s18], $0x1000  }
0x36: {  	[sflag:s18] =	ssyncset.done $0x0  }
0x37: {  	[sflag:s18] =	ssyncadd.s32 $0xFFFFF000  }
0x38: {  	[spmem:s7] =	stream.linear.scatter [tilespmem:s17], [sflag:$0x1], $0x1000, $0x38;
	[tilespmem:$0x11100] =	vst v63  }
0x39: {  	_ =	swait.ge [sflag:s18], $0x1000  }
0x3a: {  	[sflag:s18] =	ssyncset.done $0x0  }
0x3b: {  	[sflag:s18] =	ssyncadd.s32 $0xFFFFF000  }
0x3c: {  	[spmem:s8] =	stream.linear.scatter [tilespmem:s17], [sflag:$0x1], $0x1000, $0x38;
	[tilespmem:$0x11100] =	vst v63  }
0x3d: {  	_ =	swait.ge [sflag:s18], $0x1000  }
0x3e: {  	[sflag:s18] =	ssyncset.done $0x0  }
0x3f: {  	[sflag:s18] =	ssyncadd.s32 $0xFFFFF000  }
0x40: {  	[spmem:s9] =	stream.linear.scatter [tilespmem:s17], [sflag:$0x1], $0x1000, $0x38;
	[tilespmem:$0x11100] =	vst v63  }
0x41: {  	_ =	swait.ge [sflag:s18], $0x1000  }
0x42: {  	[sflag:s18] =	ssyncset.done $0x0  }
0x43: {  	[sflag:s18] =	ssyncadd.s32 $0xFFFFF000  }
0x44: {  	[spmem:s10] =	stream.linear.scatter [tilespmem:s17], [sflag:$0x1], $0x1000, $0x38;
	[tilespmem:$0x11100] =	vst v63  }
0x45: {  	_ =	swait.ge [sflag:s18], $0x1000  }
0x46: {  	[sflag:s18] =	ssyncset.done $0x0  }
0x47: {  	[sflag:s18] =	ssyncadd.s32 $0xFFFFF000  }
0x48: {  	[spmem:s11] =	stream.linear.scatter [tilespmem:s17], [sflag:$0x1], $0x1000, $0x38;
	[tilespmem:$0x11100] =	vst v63  }
0x49: {  	_ =	swait.ge [sflag:s18], $0x1000  }
0x4a: {  	[sflag:s18] =	ssyncset.done $0x0  }
0x4b: {  	[sflag:s18] =	ssyncadd.s32 $0xFFFFF000  }
0x4c: {  	s25 =	simm.s32 $0x0;
	[bflag:$0x0] =	sbarrier.arrive $0xFFFF  }
0x4d: {  	[tilespmem:s25], [sflag:$0x1] =	stream.linear.gather [hbm4b:s12+s25], $0x800, $0x38;
	[tilespmem:$0x11100] =	vst v63  }
0x4e: {  	_ =	swait.ge [sflag:s18], $0x800  }
0x4f: {  	[sflag:s18] =	ssyncset.done $0x0  }
0x50: {  	[sflag:s18] =	ssyncadd.s32 $0xFFFFF800  }
0x51: {  	[tilespmem:s19], [sflag:$0x1] =	stream.linear.gather [hbm4b:s13+s25], $0x800, $0x38;
	[tilespmem:$0x11100] =	vst v63  }
0x52: {  	_ =	swait.ge [sflag:s18], $0x800  }
0x53: {  	[sflag:s18] =	ssyncset.done $0x0  }
0x54: {  	s26 =	simm.s32 $0x0;
	[sflag:s18] =	ssyncadd.s32 $0xFFFFF800  }
0x55: {  	v11 =	vld [tilespmem:s26+$0x800]  }
0x56: {  	v12 =	vld [tilespmem:s26+$0x0];
	_ =	sdelay $0x3  }
0x57: {  	v11 =	vxor.u32 $0x80000000, v11  }
0x58: {  	(xrf1) =	vsort.ascd.msk.u32 $0xffff, v11, v12;
	_ =	sdelay $0xd  }
0x59: {  	v11, v12, _ =	vpop (xrf1)  }
0x5a: {  	v11 =	vxor.u32 $0x80000000, v11  }
0x5b: {  	vm0 =	vlt.s32 v11, $0x400  }
0x5c: {  	[tilespmem:s25+$0x1000] =	vst v12;
	v63 =	vsel vm0, $0x1, v2  }
0x5d: {  	s28 =	simm.s32 $0x10;
	s26 =	simm.s32 $0x80;
	[tilespmem:s25+$0x1880] =	vst v11;
	(xrf0) =	vadd.scan.msk.s32 $0xffff, v63  }
.LBB2_6:
0x5e: {  	p0 =	sne.s32 s26, $0x1FC0;
	v11 =	vld [tilespmem:s28+$0x800]  }
0x5f: {  	v12 =	vld [tilespmem:s28+$0x0];
	_ =	sdelay $0x3  }
0x60: {  	v11 =	vxor.u32 $0x80000000, v11;
	v13, _, _ =	vpop (xrf0)  }
0x61: {  	(xrf1) =	vsort.ascd.msk.u32 $0xffff, v11, v12;
	(v2sf) =	vpush v13, $0xF;
	_ =	sdelay $0xd  }
.Ltmp2:
0x62: {  	v11, v12, _ =	vpop (xrf1);
	(pc) =	sbr.rel @p0 .LBB2_6-.Ltmp2, $4  }
0x63: {  	v11 =	vxor.u32 $0x80000000, v11;
	s28 =	spop (v2sf)  }
0x64: {  	vm0 =	vlt.s32 v11, $0x400;
	s25 =	sadd.s32 s25, s28  }
0x65: {  	[tilespmem:s25+$0x1000] =	vst v12;
	v12 =	vsel vm0, $0x1, v2  }
0x66: {  	s28 =	sshra.s32 s26, $0x2;
	s26 =	sadd.s32 $0x40, s26;
	[tilespmem:s25+$0x1880] =	vst v11;
	(xrf0) =	vadd.scan.msk.s32 $0xffff, v12  }
0x67: {  	v11 =	vld [tilespmem:s28+$0x800]  }
0x68: {  	v12 =	vld [tilespmem:s28+$0x0];
	_ =	sdelay $0x3  }
0x69: {  	v11 =	vxor.u32 $0x80000000, v11  }
0x6a: {  	(xrf1) =	vsort.ascd.msk.u32 $0xffff, v11, v12;
	_ =	sdelay $0xd  }
0x6b: {  	v11, v12, _ =	vpop (xrf1)  }
0x6c: {  	v11 =	vxor.u32 $0x80000000, v11  }
0x6d: {  	vm0 =	vlt.s32 v11, $0x400  }
0x6e: {  	v13 =	vsel vm0, $0x1, v2  }
0x6f: {  	(xrf0) =	vadd.scan.msk.s32 $0xffff, v13;
	_ =	sdelay $0x3  }
0x70: {  	v62, _, _ =	vpop (xrf0)  }
0x71: {  	(v2sf) =	vpush v62, $0xF  }
0x72: {  	v63, _, _ =	vpop (xrf0)  }
0x73: {  	(v2sf) =	vpush v63, $0xF;
	_ =	sdelay $0xc  }
0x74: {  	s26 =	spop (v2sf)  }
0x75: {  	s25 =	sadd.s32 s25, s26  }
0x76: {  	[tilespmem:s25+$0x1000] =	vst v12;
	s31 =	spop (v2sf)  }
0x77: {  	[tilespmem:s25+$0x1880] =	vst v11;
	s25 =	sadd.s32 s25, s31  }
0x78: {  	[tilespmem:s25+$0x1880] =	vst v3  }
0x79: {  	[tilespmem:s25+$0x1000] =	vst v2  }
0x7a: {  	[tilespmem:s25+$0x1890] =	vst v4  }
0x7b: {  	[tilespmem:s25+$0x1010] =	vst v2  }
0x7c: {  	[tilespmem:s25+$0x18A0] =	vst v5  }
0x7d: {  	[tilespmem:s25+$0x1020] =	vst v2  }
0x7e: {  	[tilespmem:s25+$0x18B0] =	vst v6  }
0x7f: {  	[tilespmem:s25+$0x1030] =	vst v2  }
0x80: {  	[tilespmem:s25+$0x18C0] =	vst v7  }
0x81: {  	[tilespmem:s25+$0x1040] =	vst v2  }
0x82: {  	[tilespmem:s25+$0x18D0] =	vst v8  }
0x83: {  	[tilespmem:s25+$0x1050] =	vst v2  }
0x84: {  	[tilespmem:s25+$0x18E0] =	vst v9  }
0x85: {  	[tilespmem:s25+$0x1060] =	vst v2  }
0x86: {  	[tilespmem:s25+$0x18F0] =	vst v10  }
0x87: {  	s26 =	sadd.s32 $0x7F, s25;
	[tilespmem:s25+$0x1070] =	vst v2;
	s25 =	simm.s32 $0x1000  }
0x88: {  	s28 =	sshra.s32 s26, $0x1F;
	s29 =	sand.u32 $0x7F, s26;
	p0 =	slt.s32 s26, $0x1  }
0x89: {  	[tilespmem:s21], [sflag:$0x1] =	stream.indirect.gather [hbm4b:s5+s20], $0x80, s25, s20, $0xb8;
	[tilespmem:$0x11100] =	vst v63  }
0x8a: {  	s28 =	sshrl.u32 s28, $0x19;
	p1 =	sne.s32 s29, $0x0;
	_ =	swait.ge [sflag:s18], $0x4000  }
0x8b: {  	s29 =	simm.s32 $0x1;
	s28 =	sadd.s32 s28, s26;
	p0 =	por !p0, !p1  }
0x8c: {  	[sflag:s18] =	ssyncset.done $0x0;
	s26 =	simm.s32 $0x1880;
	p0 =	por !p0, !p0  }
0x8d: {  	s28 =	sshra.s32 s28, $0x7;
	[sflag:s18] =	ssyncadd.s32 $0xFFFFC000;
	s29 =	simm.s32 @!p0 $0x0  }
0x8e: {  	[spmem:s1] =	stream.indirect.scatter.add.f32 [tilespmem:s21], [sflag:$0x1], $0x80, s26, s20, $0xb8;
	[tilespmem:$0x11100] =	vst v63  }
0x8f: {  	s28 =	ssub.s32 s28, s29  }
0x90: {  	p0 =	sgt.s32 s28, $0x1  }
0x91: {  	s28 =	simm.s32 @!p0 $0x1  }
0x92: {  	_ =	swait.ge [sflag:s18], $0x4000;
	p0 =	sne.s32 s28, $0x1  }
.Ltmp3:
0x93: {  	[sflag:s18] =	ssyncset.done $0x0;
	(pc) =	sbr.rel @!p0 .LBB2_9-.Ltmp3, $4  }
0x94: {  	[sflag:s18] =	ssyncadd.s32 $0xFFFFC000  }
0x95: {  	[spmem:s2] =	stream.indirect.scatter.add.f32 [tilespmem:s22], [sflag:$0x1], $0x80, s26, s20, $0xb8;
	[tilespmem:$0x11100] =	vst v63  }
0x96: {  	_ =	swait.ge [sflag:s18], $0x4000  }
0x97: {  	s28 =	sadd.s32 $0xFFFFFFFF, s28;
	[sflag:s18] =	ssyncset.done $0x0  }
.LBB2_8:
0x98: {  	[sflag:s18] =	ssyncadd.s32 $0xFFFFC000;
	s25 =	sadd.s32 $0x80, s25;
	s26 =	sadd.s32 $0x80, s26  }
0x99: {  	[tilespmem:s21], [sflag:$0x1] =	stream.indirect.gather [hbm4b:s5+s20], $0x80, s25, s20, $0xb8;
	[tilespmem:$0x11100] =	vst v63  }
0x9a: {  	p0 =	sne.s32 s28, $0x1;
	s28 =	sadd.s32 $0xFFFFFFFF, s28;
	_ =	swait.ge [sflag:s18], $0x4000  }
0x9b: {  	[sflag:s18] =	ssyncset.done $0x0  }
0x9c: {  	[sflag:s18] =	ssyncadd.s32 $0xFFFFC000  }
0x9d: {  	[spmem:s1] =	stream.indirect.scatter.add.f32 [tilespmem:s21], [sflag:$0x1], $0x80, s26, s20, $0xb8;
	[tilespmem:$0x11100] =	vst v63  }
0x9e: {  	_ =	swait.ge [sflag:s18], $0x4000  }
.Ltmp4:
0x9f: {  	[sflag:s18] =	ssyncset.done $0x0;
	(pc) =	sbr.rel @p0 .LBB2_8-.Ltmp4, $4  }
0xa0: {  	[sflag:s18] =	ssyncadd.s32 $0xFFFFC000  }
0xa1: {  	[spmem:s2] =	stream.indirect.scatter.add.f32 [tilespmem:s22], [sflag:$0x1], $0x80, s26, s20, $0xb8;
	[tilespmem:$0x11100] =	vst v63  }
0xa2: {  	_ =	swait.ge [sflag:s18], $0x4000  }
0xa3: {  	[sflag:s18] =	ssyncset.done $0x0  }
.LBB2_9:
0xa4: {  	[sflag:s18] =	ssyncadd.s32 $0xFFFFC000;
	s25 =	sshll.u32 s4, $0x6  }
0xa5: {  	[bflag:$0x0] =	sbarrier.arrive $0xFFFF;
	s25 =	sor.u32 $0x1C01, s25  }
0xa6: {  	[hbm:s14], [sflag:s25] =	dma.local [spmem:s23], $0x400  }
0xa7: {  	s3 =	sadd.s32 $0x1, s3;
	_ =	swait.ge [sflag:s18], $0x400  }
0xa8: {  	p0 =	sne.s32 s3, s16;
	[sflag:s18] =	ssyncset.done $0x0  }
.Ltmp5:
0xa9: {  	[sflag:s18] =	ssyncadd.s32 $0xFFFFFC00;
	(pc) =	sbr.rel @p0 .LBB2_1-.Ltmp5, $4  }
0xaa: {  	[hbm:s15], [sflag:s25] =	dma.local [spmem:s24], $0x400  }
0xab: {  	_ =	swait.ge [sflag:s18], $0x400  }
0xac: {  	[sflag:s18] =	ssyncset.done $0x0  }
0xad: {  	[sflag:s18] =	ssyncadd.s32 $0xFFFFFC00  }
0xae: {  	_ =	sfence.sel $0x180000  }
0xaf: {  	[bflag:$0x0] =	sbarrier.arrive $0xFFFF  }
0xb0: {  	p0 =	sne.s32 s4, $0x0;
	_ =	strace $0x9000004D  }
0xb1: {  	s0 =	sadd.s32 @!p0 $0x100000, s0;
	[bflag:$0x2] =	sbarrier.arrive $0xFFFF  }
0xb2: {  	[sflag:s0] =	ssyncadd.tile.s32 @!p0 $0x1;
	_ =	shalt  }
.Lfunc_end2:
_tile_overlayer_lowered:
.L_overlay_start_2:
0xb3: {  	(tag) =	ssettag $0x2  }
0xb4: {  	s0 =	rddreg [dreg:$0x0];
	s2 =	stileid.u32  }
0xb5: {  	s1 =	rddreg [dreg:$0x1];
	p0 =	sne.s32 s2, $0x0  }
0xb6: {  	s3 =	rddreg [dreg:$0x2];
	[bflag:$0x3] =	sbarrier.arrive $0xFFFF;
	s2 =	simm.s32 @!p0 $0x1C01  }
0xb7: {  	[timem:s3], [sflag:s2] =	dma.local @!p0 [hbm:s0], s1  }
0xb8: {  	s0 =	simm.s32 @!p0 $0x1  }
0xb9: {  	_ =	swait.ge @!p0 [sflag:s0], s1  }
0xba: {  	s1 =	ssub.s32 @!p0 $0x0, s1;
	[sflag:s0] =	ssyncset.done @!p0 $0x0  }
0xbb: {  	[sflag:s0] =	ssyncadd.s32 @!p0 s1  }
0xbc: {  	[bflag:$0x3] =	sbarrier.arrive $0xFFFF  }
0xbd: {  	_ =	shalt  }

// kernel: kernel.8.cloned.1.call-start
scs
__scs_entry_jumppad:
0x0: {  	(pc) =	sbr.rel $0x88, $3  }
0x1: {  	(tag) =	ssettag $0x0;
	lr =	simm.s32 $0x1  }
0x2: {  	[smem:$0x3F91] =	sst lr;
	_ =	strace $0xD0000000  }
0x3: {  	_ = 	snop  }
0x4: {  	_ = 	snop  }
0x5: {  	_ = 	snop  }
0x6: {  	_ = 	snop  }
0x7: {  	_ = 	snop  }
__scs_overlays_trampoline_lowered:
0x8: {  	[smem:$0x3FA0] =	sst s0  }
0x9: {  	[smem:$0x3FA1] =	sst s1  }
0xa: {  	[smem:$0x3FA2] =	sst s2  }
0xb: {  	[smem:$0x3FA3] =	sst s3  }
0xc: {  	[smem:$0x3FA4] =	sst s4  }
0xd: {  	[smem:$0x3FA5] =	sst s5  }
0xe: {  	[smem:$0x3FA6] =	sst s6  }
0xf: {  	[smem:$0x3FA7] =	sst s7  }
0x10: {  	[smem:$0x3FA8] =	sst s8  }
0x11: {  	[smem:$0x3FA9] =	sst s9;
	s0 =	simm.s32 @!p0 $0x0  }
0x12: {  	s1 =	sld [smem:$0x3F8F];
	s0 =	simm.s32 @p0 $0x1  }
0x13: {  	[smem:$0x3FAA] =	sst s0;
	s0 =	simm.s32 @!p1 $0x0  }
0x14: {  	s2 =	sld [smem:$0x3F8E];
	s0 =	simm.s32 @p1 $0x1  }
0x15: {  	[smem:$0x3FAB] =	sst s0;
	s0 =	simm.s32 @!p2 $0x0  }
0x16: {  	s3 =	sld [smem:$0x3FDB];
	s0 =	simm.s32 @p2 $0x1  }
0x17: {  	s4 =	simm.s32 $0x1BF5;
	[smem:$0x3FAD] =	sst s0  }
0x18: {  	s0 =	sld [smem:$0x3F90];
	_ =	swait.ge [sflag:s4], $0x0  }
0x19: {  	s7 =	sld [smem:$0x3F91]  }
0x1a: {  	s8 =	sadd.s32 $0xFFFFE003, lr  }
0x1b: {  	s9 =	sadd.s32 $0xFFFFFEF7, lr;
	s5 =	simm.s32 $0xFFFFFFFF;
	p2 =	slt.u32 s8, $0xFFFFF086  }
0x1c: {  	p1 =	slt.u32 s9, $0xF7A;
	s5 =	simm.s32 @!p2 $0x0  }
0x1d: {  	s5 =	simm.s32 @p1 $0x1;
	p0 =	seq.s32 s7, s2  }
0x1e: {  	s7 =	smul.u32 @!p0 $0xF7A, s2;
	p2 =	seq.s32 @!p0 s5, $0x0  }
0x1f: {  	s9 =	smul.u32 $0xF7A, s1;
	s8 =	simm.s32 @!p0 $0x1BF5;
	p2 =	por !p2, p0  }
0x20: {  	[sflag:s8] =	ssyncset.s32 @!p0 $0xFFFFF086;
	s6 =	sadd.s32 @!p0 s3, s7;
	s7 =	simm.s32 @!p0 $0x108  }
0x21: {  	s3 =	sadd.s32 s3, s9;
	s6 =	sadd.s32 @!p0 $0x88, s6;
	s7 =	simm.s32 @p2 $0x1082  }
0x22: {  	[simem:s7], [sflag:s8] =	dma.local @!p0 [hbm:s6], $0xF7A  }
0x23: {  	s9 =	sor.u32 $0xD0000000, s2;
	s6 =	simm.s32 $0x108;
	_ =	swait.ge @!p0 [sflag:s8], $0x0  }
0x24: {  	s3 =	sadd.s32 $0x88, s3;
	s6 =	simm.s32 @!p1 $0x1082;
	[sflag:s4] =	ssyncset.s32 $0xFFFFF086  }
0x25: {  	[simem:s6], [sflag:s4] =	dma.local [hbm:s3], $0xF7A  }
0x26: {  	[smem:$0x3F91] =	sst s1;
	(tag) =	ssettag s2;
	_ =	strace s9  }
0x27: {  	s1 =	sld [smem:$0x3FA1]  }
0x28: {  	s2 =	sld [smem:$0x3FA2]  }
0x29: {  	s4 =	sld [smem:$0x3FA4]  }
0x2a: {  	p0 =	seq.s32 s5, $0x0;
	s5 =	sld [smem:$0x3FA5]  }
0x2b: {  	s6 =	sld [smem:$0x3FA6]  }
0x2c: {  	s7 =	sld [smem:$0x3FA7]  }
0x2d: {  	s3 =	simm.s32 $0x108;
	s8 =	sld [smem:$0x3FA8]  }
0x2e: {  	s3 =	simm.s32 @!p0 $0x1082;
	s9 =	sld [smem:$0x3FA9]  }
0x2f: {  	lr =	sadd.s32 s0, s3;
	s0 =	sld [smem:$0x3FA0]  }
0x30: {  	s3 =	sld [smem:$0x3FA3]  }
0x31: {  	[smem:$0x3FAC] =	sst s10  }
0x32: {  	s10 =	sld [smem:$0x3FAA];
	_ =	sdelay $0x3  }
0x33: {  	p0 =	seq.s32 s10, $0x1;
	s10 =	sld [smem:$0x3FAC];
	_ =	sdelay $0x3  }
0x34: {  	[smem:$0x3FAC] =	sst s10  }
0x35: {  	s10 =	sld [smem:$0x3FAB];
	_ =	sdelay $0x3  }
0x36: {  	p1 =	seq.s32 s10, $0x1;
	s10 =	sld [smem:$0x3FAC];
	_ =	sdelay $0x3  }
0x37: {  	[smem:$0x3FAC] =	sst s10  }
0x38: {  	s10 =	sld [smem:$0x3FAD]  }
0x39: {  	_ = 	snop;
	(pc) =	sbr.ind lr, $3  }
0x3a: {  	_ = 	snop  }
0x3b: {  	_ = 	snop  }
0x3c: {  	p2 =	seq.s32 s10, $0x1;
	s10 =	sld [smem:$0x3FAC]  }
0x3d: {  	_ =	shalt  }
0x3e: {  	_ =	shalt  }
0x3f: {  	_ =	shalt  }
0x40: {  	_ =	shalt  }
0x41: {  	_ =	shalt  }
0x42: {  	_ =	shalt  }
0x43: {  	_ =	shalt  }
0x44: {  	_ =	shalt  }
0x45: {  	_ =	shalt  }
0x46: {  	_ =	shalt  }
0x47: {  	_ =	shalt  }
0x48: {  	_ =	shalt  }
0x49: {  	_ =	shalt  }
0x4a: {  	_ =	shalt  }
0x4b: {  	_ =	shalt  }
0x4c: {  	_ =	shalt  }
0x4d: {  	_ =	shalt  }
0x4e: {  	_ =	shalt  }
0x4f: {  	_ =	shalt  }
0x50: {  	_ =	shalt  }
0x51: {  	_ =	shalt  }
0x52: {  	_ =	shalt  }
0x53: {  	_ =	shalt  }
0x54: {  	_ =	shalt  }
0x55: {  	_ =	shalt  }
0x56: {  	_ =	shalt  }
0x57: {  	_ =	shalt  }
0x58: {  	_ =	shalt  }
0x59: {  	_ =	shalt  }
0x5a: {  	_ =	shalt  }
0x5b: {  	_ =	shalt  }
0x5c: {  	_ =	shalt  }
0x5d: {  	_ =	shalt  }
0x5e: {  	_ =	shalt  }
0x5f: {  	_ =	shalt  }
0x60: {  	_ =	shalt  }
0x61: {  	_ =	shalt  }
0x62: {  	_ =	shalt  }
0x63: {  	_ =	shalt  }
0x64: {  	_ =	shalt  }
0x65: {  	_ =	shalt  }
0x66: {  	_ =	shalt  }
0x67: {  	_ =	shalt  }
0x68: {  	_ =	shalt  }
0x69: {  	_ =	shalt  }
0x6a: {  	_ =	shalt  }
0x6b: {  	_ =	shalt  }
0x6c: {  	_ =	shalt  }
0x6d: {  	_ =	shalt  }
0x6e: {  	_ =	shalt  }
0x6f: {  	_ =	shalt  }
0x70: {  	_ =	shalt  }
0x71: {  	_ =	shalt  }
0x72: {  	_ =	shalt  }
0x73: {  	_ =	shalt  }
0x74: {  	_ =	shalt  }
0x75: {  	_ =	shalt  }
0x76: {  	_ =	shalt  }
0x77: {  	_ =	shalt  }
0x78: {  	_ =	shalt  }
0x79: {  	_ =	shalt  }
0x7a: {  	_ =	shalt  }
0x7b: {  	_ =	shalt  }
0x7c: {  	_ =	shalt  }
0x7d: {  	_ =	shalt  }
0x7e: {  	_ =	shalt  }
0x7f: {  	_ =	shalt  }
0x80: {  	_ =	shalt  }
0x81: {  	_ =	shalt  }
0x82: {  	_ =	shalt  }
0x83: {  	_ =	shalt  }
0x84: {  	_ =	shalt  }
0x85: {  	_ =	shalt  }
0x86: {  	_ =	shalt  }
0x87: {  	_ =	shalt  }
.Lfunc_end0:
.L_simem_size_0:
called_computation_lowered:
.L_overlay_start_0:
0x88: {  	s2 =	sld [smem:$0x3FD9]  }
0x89: {  	s3 =	sld [smem:$0x3FFE];
	_ =	sdelay $0x1  }
0x8a: {  	s1 =	srdreg.scid  }
0x8b: {  	s0 =	sand.u32 $0x1, s1  }
0x8c: {  	s17 =	sshll.u32 s0, $0xA;
	s2 =	sadd.s32 s3, s2  }
0x8d: {  	s2 =	sadd.s32 s2, s17  }
0x8e: {  	[smem:$0x3FB8] =	sst s2  }
0x8f: {  	_ = 	snop  }
0x90: {  	s2 =	sld [smem:$0x3FC9];
	(tm) =	ssettm $0x1  }
0x91: {  	s18 =	sld [smem:$0x3FFB];
	_ =	sdelay $0x3  }
0x92: {  	_ =	strace s18  }
0x93: {  	s3 =	sld [smem:$0x3FFC];
	_ =	sdelay $0x3  }
0x94: {  	_ =	strace s3  }
0x95: {  	s3 =	sld [smem:$0x3FFD];
	_ =	sdelay $0x3  }
0x96: {  	_ =	strace s3  }
0x97: {  	_ =	strace $0x8FFFFFFF  }
0x98: {  	s19 =	sld [smem:$0x3FDB];
	_ =	sdelay $0x1  }
0x99: {  	s4 =	simm.s32 $_scs_section_size  }
0x9a: {  	s5 =	simm.s32 $_size__tile_overlayer_lowered;
	s6 =	simm.s32 $_tile_overlayer_lowered  }
0x9b: {  	s22 =	simm.s32 $0x1BFF;
	s21 =	sshll.u32 s6, $0x1;
	s3 =	sadd.s32 s4, s19  }
0x9c: {  	s7 =	simm.s32 $0x0;
	s20 =	sshll.u32 s5, $0x1;
	s5 =	sadd.s32 s21, s3  }
0x9d: {  	[timem:s7], [sflag:s22] =	dma.local [hbm:s5], s20  }
0x9e: {  	_ =	swait.ge [sflag:s22], s20  }
0x9f: {  	s4 =	ssub.s32 $0x0, s20;
	[sflag:s22] =	ssyncset.done $0x0  }
0xa0: {  	[sflag:s22] =	ssyncadd.s32 s4;
	_ =	sdelay $0x1  }
0xa1: {  	s23 =	simm.s32 $0x1B8B  }
0xa2: {  	_ =	swait.ge [sflag:s23], $0x1  }
0xa3: {  	[sflag:s23] =	ssyncset.done $0x0  }
0xa4: {  	s25 =	simm.s32 $0x1B8E;
	s24 =	sld [smem:$0x3FFE];
	[sflag:s23] =	ssyncadd.s32 $0xFFFFFFFF  }
0xa5: {  	s26 =	simm.s32 $execute0_lowered;
	[smem:$0x3FD2] =	sst s25  }
0xa6: {  	s5 =	sshll.u32 s26, $0x1;
	_ =	strace $0x80000046;
	[dreg:$0x1] =	wrdreg $0xFFFFFFFF  }
0xa7: {  	s28 =	simm.s32 $_size_execute0_lowered;
	s3 =	sadd.s32 s3, s5;
	[dreg:$0x0] =	wrdreg $0x0  }
0xa8: {  	s5 =	sshll.u32 s28, $0x1;
	[dreg:$0x2] =	wrdreg s3  }
0xa9: {  	[dreg:$0x3] =	wrdreg s5  }
0xaa: {  	[dreg:$0x4] =	wrdreg $0xC0  }
0xab: {  	_ =	task [dreg:s7], $0x5FFFF  }
0xac: {  	[dreg:$0x1] =	wrdreg $0xFFFFFFFF  }
0xad: {  	[dreg:$0x0] =	wrdreg $0x60  }
0xae: {  	[dreg:$0x2] =	wrdreg s2  }
0xaf: {  	[dreg:$0x3] =	wrdreg s24  }
0xb0: {  	[dreg:$0x4] =	wrdreg $0x130000  }
0xb1: {  	[dreg:$0x5] =	wrdreg $0x180000  }
0xb2: {  	[dreg:$0x6] =	wrdreg $0x9  }
0xb3: {  	_ =	task.clear_ibuf [dreg:s7], $0x7FFFF;
	_ =	strace $0x90000046  }
0xb4: {  	s29 =	simm.s32 $0x9;
	_ =	strace $0x80000048  }
0xb5: {  	_ =	swait.ge [sflag:s29], $0x1  }
0xb6: {  	[sflag:s29] =	ssyncadd.s32 $0xFFFFFFFF  }
0xb7: {  	_ =	strace $0x90000048  }
0xb8: {  	_ =	sfence  }
0xb9: {  	s30 =	sld [smem:$0x0];
	_ =	sdelay $0x2  }
0xba: {  	s31 =	sshll.u32 s1, $0xD;
	s1 =	sshrl.u32 s1, $0x2  }
0xbb: {  	s3 =	sand.u32 $0x4000, s31;
	s1 =	sadd.s32 s1, s30  }
0xbc: {  	s0 =	sor.u32 s3, s0;
	s1 =	sshll.u32 s1, $0x11  }
0xbd: {  	s0 =	sor.u32 s1, s0  }
0xbe: {  	s0 =	sadd.s32 $0x8F2B, s0  }
0xbf: {  	[sflag:s0] =	ssyncadd.remote.s32 $0x1  }
0xc0: {  	_ =	sfence.sel $0xFFFF  }
0xc1: {  	[dreg:$0x0] =	wrdreg $0xFFFFFFFF;
	(pc) =	sbr.abs _section_cstart, $3  }
0xc2: {  	[dreg:$0x1] =	wrdreg $0xFFFFFFFF  }
0xc3: {  	_ =	task.clear_ibuf [dreg:s7], $0x2FFFF;
	_ =	strace $0x9FFFFFFF  }
0xc4: {  	(tm) =	ssettm $0x7FFFFFFF  }
0xc5: {  	_ =	shalt  }
tec
execute0_lowered:
.L_overlay_start_1:
0x0: {  	(tag) =	ssettag $0x1  }
0x1: {  	s1 =	rddreg [dreg:$0x0]  }
0x2: {  	s0 =	rddreg [dreg:$0x1]  }
0x3: {  	s2 =	rddreg [dreg:$0x2]  }
0x4: {  	s3 =	rddreg [dreg:$0x3]  }
0x5: {  	s4 =	srdreg.scid;
	s5 =	simm.s32 $0x0;
	s26 =	stileid.u32  }
0x6: {  	s22 =	simm.s32 $0x1;
	s23 =	simm.s32 $0x2800;
	s28 =	simm.s32 $0xA000  }
0x7: {  	s29 =	simm.s32 $0xE000;
	s6 =	sand.u32 $0x1, s4;
	[smem:$0x7FF] =	sst s5  }
0x8: {  	s20 =	sshll.u32 s26, $0xE;
	s13 =	smul.u32 $0x5000, s26;
	s7 =	sshll.u32 s6, $0x4  }
0x9: {  	s8 =	sshll.u32 s6, $0x12;
	_ =	strace $0x80000047;
	s6 =	ssub.s32 $0x2, s6  }
0xa: {  	s24 =	sadd.s32 s20, s2;
	s31 =	sadd.s32 s20, s3;
	s7 =	sor.u32 s26, s7  }
0xb: {  	s8 =	sor.u32 s20, s8;
	s30 =	sshrl.u32 s6, $0x1;
	s9 =	sadd.s32 $0x1000, s13  }
0xc: {  	s11 =	sadd.s32 $0x2000, s13;
	s14 =	sadd.s32 $0x3000, s13;
	s15 =	sadd.s32 $0x4000, s13  }
0xd: {  	s24 =	sshrl.u32 s24, $0x3;
	s25 =	sshrl.u32 s31, $0x3;
	s26 =	simm.s32 $0x80  }
0xe: {  	s7 =	smul.u32 $0x500, s7;
	s8 =	sshrl.u32 s8, $0x3;
	s21 =	ssub.s32 s6, s30  }
0xf: {  	s6 =	sadd.s32 s13, s2;
	s10 =	sadd.s32 s11, s2;
	s11 =	sadd.s32 s11, s3  }
0x10: {  	s12 =	sadd.s32 s14, s2;
	s20 =	smax.u32 s21, $0x1;
	s21 =	simm.s32 $0x12000  }
0x11: {  	v0 =	vimm.f32 $0.0e+00;
	v1 =	vimm.f32 $1.000000000e+00;
	v10 =	vlaneseq.u32;
	s17 =	sadd.s32 s7, s0;
	s0 =	sadd.s32 s8, s0;
	s7 =	sadd.s32 s13, s3  }
0x12: {  	v2 =	vimm.s32 $0x0;
	v3 =	vor.u32 $0x800, v10;
	v4 =	vor.u32 $0x810, v10;
	s8 =	sadd.s32 s9, s2;
	s9 =	sadd.s32 s9, s3;
	s13 =	sadd.s32 s14, s3  }
0x13: {  	v5 =	vor.u32 $0x820, v10;
	v6 =	vor.u32 $0x830, v10;
	v7 =	vor.u32 $0x840, v10;
	s14 =	sadd.s32 s15, s2;
	s15 =	sadd.s32 s15, s3;
	s16 =	sadd.s32 $0x4000, s17  }
0x14: {  	v8 =	vor.u32 $0x850, v10;
	v9 =	vor.u32 $0x860, v10;
	v10 =	vor.u32 $0x870, v10;
	s17 =	sadd.s32 $0xE000, s17;
	s18 =	sadd.s32 $0x18000, s0;
	s19 =	sadd.s32 $0x28000, s0  }
.LBB2_1:
0x15: {  	s0 =	simm.s32 $0x0;
	s30 =	simm.s32 $0x200  }
.LBB2_2:
0x16: {  	p0 =	sne.s32 s30, $0x3E00;
	[tilespmem:s0+$0x12070] =	vst v0  }
0x17: {  	[tilespmem:s0+$0x12000] =	vst v0  }
0x18: {  	[tilespmem:s0+$0x12010] =	vst v0  }
.Ltmp0:
0x19: {  	[tilespmem:s0+$0x12020] =	vst v0;
	(pc) =	sbr.rel @p0 .LBB2_2-.Ltmp0, $4  }
0x1a: {  	[tilespmem:s0+$0x12030] =	vst v0  }
0x1b: {  	[tilespmem:s0+$0x12040] =	vst v0  }
0x1c: {  	[tilespmem:s0+$0x12050] =	vst v0  }
0x1d: {  	[tilespmem:s0+$0x12060] =	vst v0;
	s0 =	sshra.s32 s30, $0x2;
	s30 =	sadd.s32 $0x200, s30  }
0x1e: {  	[tilespmem:s0+$0x12070] =	vst v0  }
0x1f: {  	[tilespmem:s0+$0x12000] =	vst v0  }
0x20: {  	[tilespmem:s0+$0x12010] =	vst v0  }
0x21: {  	[tilespmem:s0+$0x12020] =	vst v0  }
0x22: {  	[tilespmem:s0+$0x12030] =	vst v0  }
0x23: {  	[tilespmem:s0+$0x12040] =	vst v0  }
0x24: {  	[tilespmem:s0+$0x12050] =	vst v0  }
0x25: {  	[tilespmem:s0+$0x12060] =	vst v0;
	s0 =	simm.s32 $0x0;
	s30 =	simm.s32 $0x200  }
.LBB2_4:
0x26: {  	p0 =	sne.s32 s30, $0xFE00;
	[tilespmem:s0+$0xE070] =	vst v1  }
0x27: {  	[tilespmem:s0+$0xE000] =	vst v1  }
0x28: {  	[tilespmem:s0+$0xE010] =	vst v1  }
.Ltmp1:
0x29: {  	[tilespmem:s0+$0xE020] =	vst v1;
	(pc) =	sbr.rel @p0 .LBB2_4-.Ltmp1, $4  }
0x2a: {  	[tilespmem:s0+$0xE030] =	vst v1  }
0x2b: {  	[tilespmem:s0+$0xE040] =	vst v1  }
0x2c: {  	[tilespmem:s0+$0xE050] =	vst v1  }
0x2d: {  	[tilespmem:s0+$0xE060] =	vst v1;
	s0 =	sshra.s32 s30, $0x2;
	s30 =	sadd.s32 $0x200, s30  }
0x2e: {  	[tilespmem:s0+$0xE070] =	vst v1  }
0x2f: {  	[tilespmem:s0+$0xE000] =	vst v1  }
0x30: {  	[tilespmem:s0+$0xE010] =	vst v1  }
0x31: {  	[tilespmem:s0+$0xE020] =	vst v1  }
0x32: {  	[tilespmem:s0+$0xE030] =	vst v1  }
0x33: {  	[tilespmem:s0+$0xE040] =	vst v1  }
0x34: {  	[tilespmem:s0+$0xE050] =	vst v1  }
0x35: {  	[tilespmem:s0+$0xE060] =	vst v1  }
0x36: {  	[spmem:s6] =	stream.linear.scatter [tilespmem:s21], [sflag:$0x1], $0x1000, $0x38;
	[tilespmem:$0x1D000] =	vst v63  }
0x37: {  	_ =	swait.ge [sflag:s22], $0x1000  }
0x38: {  	[sflag:s22] =	ssyncset.done $0x0  }
0x39: {  	[sflag:s22] =	ssyncadd.s32 $0xFFFFF000  }
0x3a: {  	[spmem:s7] =	stream.linear.scatter [tilespmem:s21], [sflag:$0x1], $0x1000, $0x38;
	[tilespmem:$0x1D000] =	vst v63  }
0x3b: {  	_ =	swait.ge [sflag:s22], $0x1000  }
0x3c: {  	[sflag:s22] =	ssyncset.done $0x0  }
0x3d: {  	[sflag:s22] =	ssyncadd.s32 $0xFFFFF000  }
0x3e: {  	[spmem:s8] =	stream.linear.scatter [tilespmem:s21], [sflag:$0x1], $0x1000, $0x38;
	[tilespmem:$0x1D000] =	vst v63  }
0x3f: {  	_ =	swait.ge [sflag:s22], $0x1000  }
0x40: {  	[sflag:s22] =	ssyncset.done $0x0  }
0x41: {  	[sflag:s22] =	ssyncadd.s32 $0xFFFFF000  }
0x42: {  	[spmem:s9] =	stream.linear.scatter [tilespmem:s21], [sflag:$0x1], $0x1000, $0x38;
	[tilespmem:$0x1D000] =	vst v63  }
0x43: {  	_ =	swait.ge [sflag:s22], $0x1000  }
0x44: {  	[sflag:s22] =	ssyncset.done $0x0  }
0x45: {  	[sflag:s22] =	ssyncadd.s32 $0xFFFFF000  }
0x46: {  	[spmem:s10] =	stream.linear.scatter [tilespmem:s21], [sflag:$0x1], $0x1000, $0x38;
	[tilespmem:$0x1D000] =	vst v63  }
0x47: {  	_ =	swait.ge [sflag:s22], $0x1000  }
0x48: {  	[sflag:s22] =	ssyncset.done $0x0  }
0x49: {  	[sflag:s22] =	ssyncadd.s32 $0xFFFFF000  }
0x4a: {  	[spmem:s11] =	stream.linear.scatter [tilespmem:s21], [sflag:$0x1], $0x1000, $0x38;
	[tilespmem:$0x1D000] =	vst v63  }
0x4b: {  	_ =	swait.ge [sflag:s22], $0x1000  }
0x4c: {  	[sflag:s22] =	ssyncset.done $0x0  }
0x4d: {  	[sflag:s22] =	ssyncadd.s32 $0xFFFFF000  }
0x4e: {  	[spmem:s12] =	stream.linear.scatter [tilespmem:s21], [sflag:$0x1], $0x1000, $0x38;
	[tilespmem:$0x1D000] =	vst v63  }
0x4f: {  	_ =	swait.ge [sflag:s22], $0x1000  }
0x50: {  	[sflag:s22] =	ssyncset.done $0x0  }
0x51: {  	[sflag:s22] =	ssyncadd.s32 $0xFFFFF000  }
0x52: {  	[spmem:s13] =	stream.linear.scatter [tilespmem:s21], [sflag:$0x1], $0x1000, $0x38;
	[tilespmem:$0x1D000] =	vst v63  }
0x53: {  	_ =	swait.ge [sflag:s22], $0x1000  }
0x54: {  	[sflag:s22] =	ssyncset.done $0x0  }
0x55: {  	[sflag:s22] =	ssyncadd.s32 $0xFFFFF000  }
0x56: {  	[spmem:s14] =	stream.linear.scatter [tilespmem:s21], [sflag:$0x1], $0x1000, $0x38;
	[tilespmem:$0x1D000] =	vst v63  }
0x57: {  	_ =	swait.ge [sflag:s22], $0x1000  }
0x58: {  	[sflag:s22] =	ssyncset.done $0x0  }
0x59: {  	[sflag:s22] =	ssyncadd.s32 $0xFFFFF000  }
0x5a: {  	[spmem:s15] =	stream.linear.scatter [tilespmem:s21], [sflag:$0x1], $0x1000, $0x38;
	[tilespmem:$0x1D000] =	vst v63  }
0x5b: {  	_ =	swait.ge [sflag:s22], $0x1000  }
0x5c: {  	[sflag:s22] =	ssyncset.done $0x0  }
0x5d: {  	[sflag:s22] =	ssyncadd.s32 $0xFFFFF000  }
0x5e: {  	s30 =	simm.s32 $0x0;
	[bflag:$0x0] =	sbarrier.arrive $0xFFFF  }
0x5f: {  	[tilespmem:s30], [sflag:$0x1] =	stream.linear.gather [hbm4b:s16+s30], $0x2780, $0x38;
	[tilespmem:$0x1D000] =	vst v63  }
0x60: {  	_ =	swait.ge [sflag:s22], $0x2780  }
0x61: {  	[sflag:s22] =	ssyncset.done $0x0  }
0x62: {  	[sflag:s22] =	ssyncadd.s32 $0xFFFFD880  }
0x63: {  	[tilespmem:s23], [sflag:$0x1] =	stream.linear.gather [hbm4b:s17+s30], $0x2780, $0x38;
	[tilespmem:$0x1D000] =	vst v63  }
0x64: {  	_ =	swait.ge [sflag:s22], $0x2780  }
0x65: {  	[sflag:s22] =	ssyncset.done $0x0  }
0x66: {  	s4 =	simm.s32 $0x0;
	[sflag:s22] =	ssyncadd.s32 $0xFFFFD880  }
0x67: {  	v11 =	vld [tilespmem:s4+$0x2800]  }
0x68: {  	v12 =	vld [tilespmem:s4+$0x0];
	_ =	sdelay $0x3  }
0x69: {  	v11 =	vxor.u32 $0x80000000, v11  }
0x6a: {  	(xrf1) =	vsort.ascd.msk.u32 $0xffff, v11, v12;
	_ =	sdelay $0xd  }
0x6b: {  	v11, v12, _ =	vpop (xrf1)  }
0x6c: {  	v11 =	vxor.u32 $0x80000000, v11  }
0x6d: {  	vm0 =	vlt.s32 v11, $0x800  }
0x6e: {  	[tilespmem:s30+$0x5000] =	vst v12;
	v63 =	vsel vm0, $0x1, v2  }
0x6f: {  	s0 =	simm.s32 $0x10;
	s31 =	simm.s32 $0x80;
	[tilespmem:s30+$0x7800] =	vst v11;
	(xrf0) =	vadd.scan.msk.s32 $0xffff, v63  }
.LBB2_6:
0x70: {  	p0 =	sne.s32 s31, $0x9DC0;
	v11 =	vld [tilespmem:s0+$0x2800]  }
0x71: {  	v12 =	vld [tilespmem:s0+$0x0];
	_ =	sdelay $0x3  }
0x72: {  	v11 =	vxor.u32 $0x80000000, v11;
	v13, _, _ =	vpop (xrf0)  }
0x73: {  	(xrf1) =	vsort.ascd.msk.u32 $0xffff, v11, v12;
	(v2sf) =	vpush v13, $0xF;
	_ =	sdelay $0xd  }
.Ltmp2:
0x74: {  	v11, v12, _ =	vpop (xrf1);
	(pc) =	sbr.rel @p0 .LBB2_6-.Ltmp2, $4  }
0x75: {  	v11 =	vxor.u32 $0x80000000, v11;
	s0 =	spop (v2sf)  }
0x76: {  	vm0 =	vlt.s32 v11, $0x800;
	s30 =	sadd.s32 s30, s0  }
0x77: {  	[tilespmem:s30+$0x5000] =	vst v12;
	v12 =	vsel vm0, $0x1, v2  }
0x78: {  	s0 =	sshra.s32 s31, $0x2;
	s31 =	sadd.s32 $0x40, s31;
	[tilespmem:s30+$0x7800] =	vst v11;
	(xrf0) =	vadd.scan.msk.s32 $0xffff, v12  }
0x79: {  	v11 =	vld [tilespmem:s0+$0x2800]  }
0x7a: {  	v12 =	vld [tilespmem:s0+$0x0];
	_ =	sdelay $0x3  }
0x7b: {  	v11 =	vxor.u32 $0x80000000, v11  }
0x7c: {  	(xrf1) =	vsort.ascd.msk.u32 $0xffff, v11, v12;
	_ =	sdelay $0xd  }
0x7d: {  	v11, v12, _ =	vpop (xrf1)  }
0x7e: {  	v11 =	vxor.u32 $0x80000000, v11  }
0x7f: {  	vm0 =	vlt.s32 v11, $0x800  }
0x80: {  	v13 =	vsel vm0, $0x1, v2  }
0x81: {  	(xrf0) =	vadd.scan.msk.s32 $0xffff, v13;
	_ =	sdelay $0x3  }
0x82: {  	v62, _, _ =	vpop (xrf0)  }
0x83: {  	(v2sf) =	vpush v62, $0xF  }
0x84: {  	v63, _, _ =	vpop (xrf0)  }
0x85: {  	(v2sf) =	vpush v63, $0xF;
	_ =	sdelay $0xc  }
0x86: {  	s4 =	spop (v2sf)  }
0x87: {  	s0 =	sadd.s32 s30, s4  }
0x88: {  	[tilespmem:s0+$0x5000] =	vst v12;
	s30 =	spop (v2sf)  }
0x89: {  	[tilespmem:s0+$0x7800] =	vst v11;
	s0 =	sadd.s32 s0, s30  }
0x8a: {  	[tilespmem:s0+$0x7800] =	vst v3  }
0x8b: {  	[tilespmem:s0+$0x5000] =	vst v2  }
0x8c: {  	[tilespmem:s0+$0x7810] =	vst v4  }
0x8d: {  	[tilespmem:s0+$0x5010] =	vst v2  }
0x8e: {  	[tilespmem:s0+$0x7820] =	vst v5  }
0x8f: {  	[tilespmem:s0+$0x5020] =	vst v2  }
0x90: {  	[tilespmem:s0+$0x7830] =	vst v6  }
0x91: {  	[tilespmem:s0+$0x5030] =	vst v2  }
0x92: {  	[tilespmem:s0+$0x7840] =	vst v7  }
0x93: {  	[tilespmem:s0+$0x5040] =	vst v2  }
0x94: {  	[tilespmem:s0+$0x7850] =	vst v8  }
0x95: {  	[tilespmem:s0+$0x5050] =	vst v2  }
0x96: {  	s30 =	sadd.s32 $0x7F, s0;
	[tilespmem:s0+$0x7860] =	vst v9  }
0x97: {  	[tilespmem:s0+$0x5060] =	vst v2;
	s31 =	sshra.s32 s30, $0x1F;
	s4 =	sand.u32 $0x7F, s30  }
0x98: {  	[tilespmem:s0+$0x7870] =	vst v10;
	p0 =	slt.s32 s30, $0x1;
	s31 =	sshrl.u32 s31, $0x19;
	p1 =	sne.s32 s4, $0x0  }
0x99: {  	[tilespmem:s0+$0x5070] =	vst v2;
	s31 =	sadd.s32 s31, s30;
	s30 =	simm.s32 $0x5000;
	p0 =	por !p0, !p1  }
0x9a: {  	[tilespmem:s28], [sflag:$0x1] =	stream.indirect.gather [hbm4b:s1+s26], $0x80, s30, s26, $0xb8;
	[tilespmem:$0x1D000] =	vst v63  }
0x9b: {  	s4 =	simm.s32 $0x1;
	p0 =	por !p0, !p0  }
0x9c: {  	s0 =	sshra.s32 s31, $0x7;
	_ =	swait.ge [sflag:s22], $0x4000;
	s4 =	simm.s32 @!p0 $0x0  }
0x9d: {  	[sflag:s22] =	ssyncset.done $0x0;
	s0 =	ssub.s32 s0, s4  }
0x9e: {  	s31 =	simm.s32 $0x7800;
	[sflag:s22] =	ssyncadd.s32 $0xFFFFC000;
	p0 =	sgt.s32 s0, $0x1  }
0x9f: {  	[spmem:s2] =	stream.indirect.scatter.add.f32 [tilespmem:s28], [sflag:$0x1], $0x80, s31, s26, $0xb8;
	[tilespmem:$0x1D000] =	vst v63  }
0xa0: {  	s0 =	simm.s32 @!p0 $0x1  }
0xa1: {  	_ =	swait.ge [sflag:s22], $0x4000;
	p0 =	sne.s32 s0, $0x1  }
.Ltmp3:
0xa2: {  	[sflag:s22] =	ssyncset.done $0x0;
	(pc) =	sbr.rel @!p0 .LBB2_9-.Ltmp3, $4  }
0xa3: {  	[sflag:s22] =	ssyncadd.s32 $0xFFFFC000  }
0xa4: {  	[spmem:s3] =	stream.indirect.scatter.add.f32 [tilespmem:s29], [sflag:$0x1], $0x80, s31, s26, $0xb8;
	[tilespmem:$0x1D000] =	vst v63  }
0xa5: {  	_ =	swait.ge [sflag:s22], $0x4000  }
0xa6: {  	s0 =	sadd.s32 $0xFFFFFFFF, s0;
	[sflag:s22] =	ssyncset.done $0x0  }
.LBB2_8:
0xa7: {  	[sflag:s22] =	ssyncadd.s32 $0xFFFFC000;
	s30 =	sadd.s32 $0x80, s30;
	s31 =	sadd.s32 $0x80, s31  }
0xa8: {  	[tilespmem:s28], [sflag:$0x1] =	stream.indirect.gather [hbm4b:s1+s26], $0x80, s30, s26, $0xb8;
	[tilespmem:$0x1D000] =	vst v63  }
0xa9: {  	p0 =	sne.s32 s0, $0x1;
	s0 =	sadd.s32 $0xFFFFFFFF, s0;
	_ =	swait.ge [sflag:s22], $0x4000  }
0xaa: {  	[sflag:s22] =	ssyncset.done $0x0  }
0xab: {  	[sflag:s22] =	ssyncadd.s32 $0xFFFFC000  }
0xac: {  	[spmem:s2] =	stream.indirect.scatter.add.f32 [tilespmem:s28], [sflag:$0x1], $0x80, s31, s26, $0xb8;
	[tilespmem:$0x1D000] =	vst v63  }
0xad: {  	_ =	swait.ge [sflag:s22], $0x4000  }
.Ltmp4:
0xae: {  	[sflag:s22] =	ssyncset.done $0x0;
	(pc) =	sbr.rel @p0 .LBB2_8-.Ltmp4, $4  }
0xaf: {  	[sflag:s22] =	ssyncadd.s32 $0xFFFFC000  }
0xb0: {  	[spmem:s3] =	stream.indirect.scatter.add.f32 [tilespmem:s29], [sflag:$0x1], $0x80, s31, s26, $0xb8;
	[tilespmem:$0x1D000] =	vst v63  }
0xb1: {  	_ =	swait.ge [sflag:s22], $0x4000  }
0xb2: {  	[sflag:s22] =	ssyncset.done $0x0  }
.LBB2_9:
0xb3: {  	s0 =	stileid.u32  }
0xb4: {  	[sflag:s22] =	ssyncadd.s32 $0xFFFFC000;
	s0 =	sshll.u32 s0, $0x6  }
0xb5: {  	[bflag:$0x0] =	sbarrier.arrive $0xFFFF;
	s0 =	sor.u32 $0x1C01, s0  }
0xb6: {  	[hbm:s18], [sflag:s0] =	dma.local [spmem:s24], $0x800  }
0xb7: {  	s5 =	sadd.s32 $0x1, s5;
	_ =	swait.ge [sflag:s22], $0x800  }
0xb8: {  	p0 =	sne.s32 s5, s20;
	[sflag:s22] =	ssyncset.done $0x0  }
.Ltmp5:
0xb9: {  	[sflag:s22] =	ssyncadd.s32 $0xFFFFF800;
	(pc) =	sbr.rel @p0 .LBB2_1-.Ltmp5, $4  }
0xba: {  	[hbm:s19], [sflag:s0] =	dma.local [spmem:s25], $0x800  }
0xbb: {  	_ =	swait.ge [sflag:s22], $0x800  }
0xbc: {  	[sflag:s22] =	ssyncset.done $0x0  }
0xbd: {  	[sflag:s22] =	ssyncadd.s32 $0xFFFFF800  }
0xbe: {  	_ =	sfence.sel $0x180000  }
0xbf: {  	[bflag:$0x0] =	sbarrier.arrive $0xFFFF  }
0xc0: {  	_ =	strace $0x90000047  }
0xc1: {  	s0 =	stileid.u32;
	[bflag:$0x2] =	sbarrier.arrive $0xFFFF  }
0xc2: {  	p0 =	sne.s32 s0, $0x0;
	s0 =	rddreg [dreg:$0x4]  }
0xc3: {  	s0 =	sadd.s32 @!p0 $0x100000, s0  }
0xc4: {  	[sflag:s0] =	ssyncadd.tile.s32 @!p0 $0x1;
	_ =	shalt  }
.Lfunc_end2:
_tile_overlayer_lowered:
.L_overlay_start_2:
0xc5: {  	(tag) =	ssettag $0x2  }
0xc6: {  	s0 =	rddreg [dreg:$0x0];
	s2 =	stileid.u32  }
0xc7: {  	s1 =	rddreg [dreg:$0x1];
	p0 =	sne.s32 s2, $0x0  }
0xc8: {  	s3 =	rddreg [dreg:$0x2];
	[bflag:$0x3] =	sbarrier.arrive $0xFFFF;
	s2 =	simm.s32 @!p0 $0x1C01  }
0xc9: {  	[timem:s3], [sflag:s2] =	dma.local @!p0 [hbm:s0], s1  }
0xca: {  	s0 =	simm.s32 @!p0 $0x1  }
0xcb: {  	_ =	swait.ge @!p0 [sflag:s0], s1  }
0xcc: {  	s1 =	ssub.s32 @!p0 $0x0, s1;
	[sflag:s0] =	ssyncset.done @!p0 $0x0  }
0xcd: {  	[sflag:s0] =	ssyncadd.s32 @!p0 s1  }
0xce: {  	[bflag:$0x3] =	sbarrier.arrive $0xFFFF  }
0xcf: {  	_ =	shalt  }

</sc_bundles>
